<compile_context>
chip_gen: v7x
topology: tpu7x:2x2x1
jax: 0.10.2.dev20260603
libtpu: 0.0.44.dev20260713+nightly
codegen_flags: <defaults>
</compile_context>

<pallas_src>
import functools

import jax
import jax.numpy as jnp
from jax import lax
from jax.experimental import pallas as pl
from jax.experimental.pallas import tpu as pltpu
from jax.experimental.pallas import tpu_sc as plsc

N = 10000
E = 320000
D = 128
H = 128
R = 9
OUT = 10
B = 50

NC = 2
NS = 16
NR = N * R
NRP = 90112
CPT = NRP // NS
EPT = E // NS
K = 80
NB = EPT // K
CH = 10
WCH = 80
NCH = N // WCH
BN = 2000
GRP = N // B


def _hrel_body(x_ref, w_ref, o_ref):
    o_ref[...] = jnp.dot(x_ref[...], w_ref[...],
                         preferred_element_type=jnp.float32)


def _hrel(xs, w_rel):
    return pl.pallas_call(
        _hrel_body,
        grid=(2, R, N // BN),
        in_specs=[
            pl.BlockSpec((None, BN, D), lambda g, r, i: (g, i, 0)),
            pl.BlockSpec((None, D, H), lambda g, r, i: (r, 0, 0)),
        ],
        out_specs=pl.BlockSpec((None, None, BN, H),
                               lambda g, r, i: (g, r, i, 0)),
        out_shape=jax.ShapeDtypeStruct((2, R, N, H), jnp.float32),
    )(xs, w_rel)


def _post_body(xs_ref, agg_ref, wroot_ref, b1_ref, wout_ref, wlin_ref,
               bout_ref, o_ref):
    ng = BN // GRP
    row = lax.broadcasted_iota(jnp.int32, (ng, BN), 0)
    col = lax.broadcasted_iota(jnp.int32, (ng, BN), 1) // GRP
    pmat = (row == col).astype(jnp.float32)
    zacc = None
    for g in range(2):
        h = jnp.maximum(
            agg_ref[g] + jnp.dot(xs_ref[g], wroot_ref[...],
                                 preferred_element_type=jnp.float32)
            + b1_ref[...], 0.0)
        out10 = jnp.dot(h, wout_ref[...],
                        preferred_element_type=jnp.float32) + bout_ref[...]
        pooled = jax.lax.dot_general(
            pmat, out10, (((1,), (0,)), ((), ())),
            precision=lax.Precision.HIGHEST,
            preferred_element_type=jnp.float32) * (1.0 / GRP)
        z = jnp.dot(pooled, wlin_ref[g * OUT:(g + 1) * OUT, :],
                    preferred_element_type=jnp.float32)
        zacc = z if zacc is None else zacc + z
    o_ref[0] = zacc


def _post(xs, agg, w_root, b1, w_out, w_lin, b_out):
    return pl.pallas_call(
        _post_body,
        grid=(N // BN,),
        in_specs=[
            pl.BlockSpec((2, BN, D), lambda i: (0, i, 0)),
            pl.BlockSpec((2, BN, H), lambda i: (0, i, 0)),
            pl.BlockSpec((D, H), lambda i: (0, 0)),
            pl.BlockSpec((1, H), lambda i: (0, 0)),
            pl.BlockSpec((H, OUT), lambda i: (0, 0)),
            pl.BlockSpec((2 * OUT, 1), lambda i: (0, 0)),
            pl.BlockSpec((1, OUT), lambda i: (0, 0)),
        ],
        out_specs=pl.BlockSpec((1, BN // GRP, 1), lambda i: (i, 0, 0)),
        out_shape=jax.ShapeDtypeStruct((N // BN, BN // GRP, 1), jnp.float32),
    )(xs, agg, w_root, b1, w_out, w_lin, b_out)


def _scc_body(src_hbm, dst_hbm, typ_hbm, idx_hbm, invt_hbm,
              cnt_sh,
              srcbuf, dstbuf, typbuf, idx3, invib0, invib1,
              ones_v, cbuf, semc0, semc1, seme0, seme1, seme2):
    g = lax.axis_index("c")
    w = lax.axis_index("s")
    goff = jnp.full((16,), g * (R * N), dtype=jnp.int32)
    gnr = jnp.full((16,), g * NRP, dtype=jnp.int32)
    ebase = g * E + w * EPT
    tbase = (g * NS + w) * NB

    def z16(i, _):
        cbuf[pl.ds(i * 16, 16)] = jnp.zeros((16,), jnp.float32)
        return 0
    lax.fori_loop(0, CPT // 16, z16, 0)

    def o16(i, _):
        ones_v[pl.ds(i * 16, 16)] = jnp.ones((16,), jnp.float32)
        return 0
    lax.fori_loop(0, K // 16, o16, 0)

    pltpu.sync_copy(cbuf, cnt_sh.at[pl.ds(w * CPT, CPT)])
    plsc.subcore_barrier()

    def eissue(c):
        base = ebase + c * (CH * K)
        pltpu.async_copy(src_hbm.at[pl.ds(base, CH * K)], srcbuf, seme0)
        pltpu.async_copy(dst_hbm.at[pl.ds(base, CH * K)], dstbuf, seme1)
        pltpu.async_copy(typ_hbm.at[pl.ds(base, CH * K)], typbuf, seme2)

    def ewait(c):
        base = ebase + c * (CH * K)
        pltpu.make_async_copy(src_hbm.at[pl.ds(base, CH * K)], srcbuf,
                              seme0).wait()
        pltpu.make_async_copy(dst_hbm.at[pl.ds(base, CH * K)], dstbuf,
                              seme1).wait()
        pltpu.make_async_copy(typ_hbm.at[pl.ds(base, CH * K)], typbuf,
                              seme2).wait()

    eissue(0)

    def count_chunk(c, _):
        ewait(c)

        @plsc.parallel_loop(0, CH * K // 16, unroll=2)
        def mkidx(i):
            j = i // (K // 16)
            o = (i % (K // 16)) * 16
            sl = pl.ds(i * 16, 16)
            dv = dstbuf[sl]
            tv = typbuf[sl]
            idx3[pl.ds(j * 3 * K + o, 16)] = tv * N + srcbuf[sl] + goff
            idx3[pl.ds(j * 3 * K + K + o, 16)] = dv * R + tv + gnr
            idx3[pl.ds(j * 3 * K + 2 * K + o, 16)] = dv

        for j in range(CH):
            bb = invib0 if j % 2 == 0 else invib1
            sem = semc0 if j % 2 == 0 else semc1
            if j < 2:
                @pl.when(c > 0)
                def _(bb=bb, sem=sem):
                    pltpu.make_async_copy(ones_v, cnt_sh.at[bb], sem).wait()
            else:
                pltpu.make_async_copy(ones_v, cnt_sh.at[bb], sem).wait()

            @plsc.parallel_loop(0, K // 16)
            def cp(i, j=j, bb=bb):
                bb[pl.ds(i * 16, 16)] = (
                    idx3[pl.ds(j * 3 * K + K + i * 16, 16)] - gnr)
            pltpu.async_copy(ones_v, cnt_sh.at[bb], sem, add=True)

        @pl.when(c + 1 < NB // CH)
        def _():
            eissue(c + 1)

        pltpu.sync_copy(idx3, idx_hbm.at[pl.ds((tbase + c * CH) * 3 * K,
                                               CH * 3 * K)])
        return 0
    lax.fori_loop(0, NB // CH, count_chunk, 0)
    pltpu.make_async_copy(ones_v, cnt_sh.at[invib0], semc0).wait()
    pltpu.make_async_copy(ones_v, cnt_sh.at[invib1], semc1).wait()

    plsc.subcore_barrier()

    pltpu.sync_copy(cnt_sh.at[pl.ds(w * CPT, CPT)], cbuf)

    @plsc.parallel_loop(0, CPT // 16, unroll=2)
    def invert(i):
        sl = pl.ds(i * 16, 16)
        cbuf[sl] = 1.0 / jnp.maximum(cbuf[sl], 1.0)
    pltpu.sync_copy(cbuf, invt_hbm.at[pl.ds(g * NRP + w * CPT, CPT)])


_sc_counts = functools.partial(
    pl.kernel,
    out_type=[jax.ShapeDtypeStruct((2 * NS * NB * 3 * K,), jnp.int32),
              jax.ShapeDtypeStruct((2 * NRP,), jnp.float32)],
    mesh=plsc.VectorSubcoreMesh(core_axis_name="c", subcore_axis_name="s",
                                num_cores=NC, num_subcores=NS),
    compiler_params=pltpu.CompilerParams(needs_layout_passes=False),
    scratch_types=[
        pltpu.VMEM_SHARED((NRP,), jnp.float32),
        pltpu.VMEM((CH * K,), jnp.int32),
        pltpu.VMEM((CH * K,), jnp.int32),
        pltpu.VMEM((CH * K,), jnp.int32),
        pltpu.VMEM((CH * 3 * K,), jnp.int32),
        pltpu.VMEM((K,), jnp.int32),
        pltpu.VMEM((K,), jnp.int32),
        pltpu.VMEM((K,), jnp.float32),
        pltpu.VMEM((CPT,), jnp.float32),
        pltpu.SemaphoreType.DMA,
        pltpu.SemaphoreType.DMA,
        pltpu.SemaphoreType.DMA,
        pltpu.SemaphoreType.DMA,
        pltpu.SemaphoreType.DMA,
    ],
)(_scc_body)


def _sca_body(hrel_hbm, idx_hbm, invt_hbm, agg_hbm,
              agg_sh,
              ib0, ib1, dx0, dx1, inv0, inv1, rows0, rows1,
              semx0, semx1, semr0, semr1, semi0, semi1, sems0, sems1):
    g = lax.axis_index("c")
    w = lax.axis_index("s")
    tbase = (g * NS + w) * NB

    def zrow(i, _):
        rows0[i // 8, pl.ds((i % 8) * 16, 16)] = jnp.zeros((16,), jnp.float32)
        return 0
    lax.fori_loop(0, K * H // 16, zrow, 0)

    def zagg(c, _):
        idx = c * NS + w

        @pl.when(idx < NCH)
        def _():
            pltpu.sync_copy(rows0, agg_sh.at[pl.ds(idx * WCH, WCH)])
        return 0
    lax.fori_loop(0, (NCH + NS - 1) // NS, zagg, 0)

    plsc.subcore_barrier()

    def ixissue(b, ib, semx):
        pltpu.async_copy(idx_hbm.at[pl.ds((tbase + b) * 3 * K, 3 * K)], ib,
                         semx)

    def ixwait(b, ib, semx):
        pltpu.make_async_copy(idx_hbm.at[pl.ds((tbase + b) * 3 * K, 3 * K)],
                              ib, semx).wait()

    def gissue(ib, rows_b, inv_b, semr, semi):
        pltpu.async_copy(hrel_hbm.at[ib.at[pl.ds(0, K)]], rows_b, semr)
        pltpu.async_copy(invt_hbm.at[ib.at[pl.ds(K, K)]], inv_b, semi)

    def gwait(ib, rows_b, inv_b, semr, semi):
        pltpu.make_async_copy(hrel_hbm.at[ib.at[pl.ds(0, K)]], rows_b,
                              semr).wait()
        pltpu.make_async_copy(invt_hbm.at[ib.at[pl.ds(K, K)]], inv_b,
                              semi).wait()

    def dxcopy(ib, dx):
        @plsc.parallel_loop(0, K // 16)
        def cp(i):
            dx[pl.ds(i * 16, 16)] = ib[pl.ds(2 * K + i * 16, 16)]

    def sissue(rows_b, dx, sems):
        pltpu.async_copy(rows_b, agg_sh.at[dx], sems, add=True)

    def swait(rows_b, dx, sems):
        pltpu.make_async_copy(rows_b, agg_sh.at[dx], sems).wait()

    def scale(rows_b, inv_b):
        @plsc.parallel_loop(0, K, unroll=4)
        def body(k):
            ib = plsc.load_gather(inv_b, [jnp.full((16,), k, jnp.int32)])
            for jj in range(H // 16):
                sl = pl.ds(jj * 16, 16)
                rows_b[k, sl] = rows_b[k, sl] * ib

    ixissue(0, ib0, semx0)
    ixissue(1, ib1, semx1)
    ixwait(0, ib0, semx0)
    gissue(ib0, rows0, inv0, semr0, semi0)

    def pipe(p, _):
        b0 = 2 * p
        b1 = 2 * p + 1
        ixwait(b1, ib1, semx1)

        @pl.when(p > 0)
        def _():
            swait(rows1, dx1, sems1)
        gissue(ib1, rows1, inv1, semr1, semi1)

        gwait(ib0, rows0, inv0, semr0, semi0)
        dxcopy(ib0, dx0)

        @pl.when(b0 + 2 < NB)
        def _():
            ixissue(b0 + 2, ib0, semx0)
        scale(rows0, inv0)
        sissue(rows0, dx0, sems0)

        @pl.when(b0 + 2 < NB)
        def _():
            ixwait(b0 + 2, ib0, semx0)
            swait(rows0, dx0, sems0)
            gissue(ib0, rows0, inv0, semr0, semi0)

        gwait(ib1, rows1, inv1, semr1, semi1)
        dxcopy(ib1, dx1)

        @pl.when(b1 + 2 < NB)
        def _():
            ixissue(b1 + 2, ib1, semx1)
        scale(rows1, inv1)
        sissue(rows1, dx1, sems1)
        return 0
    lax.fori_loop(0, NB // 2, pipe, 0)

    swait(rows0, dx0, sems0)
    swait(rows1, dx1, sems1)

    plsc.subcore_barrier()

    def wout(c, _):
        idx = c * NS + w

        @pl.when(idx < NCH)
        def _():
            sl = pl.ds(idx * WCH, WCH)
            pltpu.sync_copy(agg_sh.at[sl], rows0)
            pltpu.sync_copy(rows0, agg_hbm.at[g, sl])
        return 0
    lax.fori_loop(0, (NCH + NS - 1) // NS, wout, 0)


_sc_agg = functools.partial(
    pl.kernel,
    out_type=jax.ShapeDtypeStruct((2, N, H), jnp.float32),
    mesh=plsc.VectorSubcoreMesh(core_axis_name="c", subcore_axis_name="s",
                                num_cores=NC, num_subcores=NS),
    compiler_params=pltpu.CompilerParams(needs_layout_passes=False),
    scratch_types=[
        pltpu.VMEM_SHARED((N, H), jnp.float32),
        pltpu.VMEM((3 * K,), jnp.int32),
        pltpu.VMEM((3 * K,), jnp.int32),
        pltpu.VMEM((K,), jnp.int32),
        pltpu.VMEM((K,), jnp.int32),
        pltpu.VMEM((K,), jnp.float32),
        pltpu.VMEM((K,), jnp.float32),
        pltpu.VMEM((K, H), jnp.float32),
        pltpu.VMEM((K, H), jnp.float32),
        pltpu.SemaphoreType.DMA,
        pltpu.SemaphoreType.DMA,
        pltpu.SemaphoreType.DMA,
        pltpu.SemaphoreType.DMA,
        pltpu.SemaphoreType.DMA,
        pltpu.SemaphoreType.DMA,
        pltpu.SemaphoreType.DMA,
        pltpu.SemaphoreType.DMA,
    ],
)(_sca_body)


def kernel(x1, edge_index1, edge_type1, x2, edge_index2, edge_type2,
           batch_size, W_rel, W_root, b1, W_out, b_out, W_lin, b_lin):
    xs = jnp.stack([x1, x2])
    src = jnp.concatenate([edge_index1[0], edge_index2[0]])
    dst = jnp.concatenate([edge_index1[1], edge_index2[1]])
    typ = jnp.concatenate([edge_type1, edge_type2])

    idxs, invt = _sc_counts(src, dst, typ)
    hrel = _hrel(xs, W_rel).reshape(2 * R * N, H)
    agg = _sc_agg(hrel, idxs, invt)

    outp = _post(xs, agg, W_root, b1.reshape(1, H), W_out, W_lin,
                 b_out.reshape(1, OUT))
    z = outp.reshape(B)
    m = (jnp.asarray(batch_size) == B).astype(jnp.float32)
    return z * m + b_lin[0]

# --- scband reference (transcript-rebuilt; emitter-appended) ---
"""Pipeline reference for scband-dialog-discriminator-67405216743655 (READ-ONLY COPY).

The authoritative reference and input builder live on the scoring server;
editing this copy changes nothing except your own understanding.
"""

import jax, jax.numpy as jnp
import numpy as np

N = 10000
E = 320000
D = 128
H = 128
R = 9
OUT = 10
B = 50


def setup_inputs(seed: int = 0) -> dict:
    key = jax.random.key(seed)
    ks = jax.random.split(key, 16)
    x1 = jax.random.normal(ks[0], (N, D), dtype=jnp.float32)
    x2 = jax.random.normal(ks[1], (N, D), dtype=jnp.float32)
    edge_index1 = jax.random.randint(ks[2], (2, E), 0, N, dtype=jnp.int32)
    edge_type1 = jax.random.randint(ks[3], (E,), 0, R, dtype=jnp.int32)
    edge_index2 = jax.random.randint(ks[4], (2, E), 0, N, dtype=jnp.int32)
    edge_type2 = jax.random.randint(ks[5], (E,), 0, R, dtype=jnp.int32)
    # learned parameters (RGCN layer + output projection + final pair scorer)
    W_rel = jax.random.normal(ks[6], (R, D, H), dtype=jnp.float32) * (1.0 / np.sqrt(D))
    W_root = jax.random.normal(ks[7], (D, H), dtype=jnp.float32) * (1.0 / np.sqrt(D))
    b1 = jnp.zeros((H,), dtype=jnp.float32)
    W_out = jax.random.normal(ks[8], (H, OUT), dtype=jnp.float32) * (1.0 / np.sqrt(H))
    b_out = jnp.zeros((OUT,), dtype=jnp.float32)
    W_lin = jax.random.normal(ks[9], (2 * OUT, 1), dtype=jnp.float32) * (1.0 / np.sqrt(2 * OUT))
    b_lin = jnp.zeros((1,), dtype=jnp.float32)
    return {
        "x1": x1, "edge_index1": edge_index1, "edge_type1": edge_type1,
        "x2": x2, "edge_index2": edge_index2, "edge_type2": edge_type2,
        "batch_size": B,
        "W_rel": W_rel, "W_root": W_root, "b1": b1,
        "W_out": W_out, "b_out": b_out, "W_lin": W_lin, "b_lin": b_lin,
    }


def _graph_embed(x, edge_index, edge_type, batch_size, W_rel, W_root, b1, W_out, b_out):
    src = edge_index[0]
    dst = edge_index[1]
    n = x.shape[0]
    # RGCN layer: self transform + per-relation neighbor aggregation (mean per (dst, rel))
    h_self = x @ W_root
    h_rel = jnp.einsum('nd,rdh->rnh', x, W_rel)          # [R, N, H] node-level per-relation transform
    msgs = h_rel[edge_type, src]                          # gather per-edge messages [E, H]
    counts = jnp.zeros((n * R,), dtype=x.dtype).at[dst * R + edge_type].add(1.0)
    norm = 1.0 / jnp.maximum(counts[dst * R + edge_type], 1.0)
    agg = jnp.zeros((n, h_self.shape[1]), dtype=x.dtype).at[dst].add(msgs * norm[:, None])
    h = jax.nn.relu(agg + h_self + b1)
    # output projection
    out = h @ W_out + b_out                               # [N, OUT]
    # global mean pool per graph (nodes evenly split across batch_size graphs)
    out = out.reshape(B, n // B, out.shape[-1]).mean(axis=1) * (batch_size == B)
    return out                                            # [batch_size, OUT]


def reference(x1, edge_index1, edge_type1, x2, edge_index2, edge_type2, batch_size,
              W_rel, W_root, b1, W_out, b_out, W_lin, b_lin):
    g1 = _graph_embed(x1, edge_index1, edge_type1, batch_size, W_rel, W_root, b1, W_out, b_out)
    g2 = _graph_embed(x2, edge_index2, edge_type2, batch_size, W_rel, W_root, b1, W_out, b_out)
    x = jnp.concatenate([g1, g2], axis=1)                 # [batch_size, 2*OUT]
    return (x @ W_lin + b_lin).squeeze(-1)                # [batch_size]

if __name__ == "__main__":
    import jax
    _d = setup_inputs()
    print(jax.jit(kernel)(*tuple(_d.values())))

</pallas_src>

<mosaic_0001>
#map = affine_map<(d0, d1) -> (0)>
module attributes {stable_mosaic.version = 14 : i64} {
  func.func @_scc_body(%arg0: i32, %arg1: i32, %arg2: memref<640000xi32, #tpu.memory_space<hbm>>, %arg3: memref<640000xi32, #tpu.memory_space<hbm>>, %arg4: memref<640000xi32, #tpu.memory_space<hbm>>, %arg5: memref<1920000xi32, #tpu.memory_space<hbm>>, %arg6: memref<180224xf32, #tpu.memory_space<hbm>>, %arg7: memref<90112xf32, #tpu.memory_space<vmem_shared>>, %arg8: memref<800xi32, #tpu.memory_space<vmem>>, %arg9: memref<800xi32, #tpu.memory_space<vmem>>, %arg10: memref<800xi32, #tpu.memory_space<vmem>>, %arg11: memref<2400xi32, #tpu.memory_space<vmem>>, %arg12: memref<80xi32, #tpu.memory_space<vmem>>, %arg13: memref<80xi32, #tpu.memory_space<vmem>>, %arg14: memref<80xf32, #tpu.memory_space<vmem>>, %arg15: memref<5632xf32, #tpu.memory_space<vmem>>, %arg16: memref<!tpu.dma_semaphore, #tpu.memory_space<semaphore_mem>>, %arg17: memref<!tpu.dma_semaphore, #tpu.memory_space<semaphore_mem>>, %arg18: memref<!tpu.dma_semaphore, #tpu.memory_space<semaphore_mem>>, %arg19: memref<!tpu.dma_semaphore, #tpu.memory_space<semaphore_mem>>, %arg20: memref<!tpu.dma_semaphore, #tpu.memory_space<semaphore_mem>>) attributes {dimension_semantics = [#tpu.dimension_semantics<core_parallel>, #tpu.dimension_semantics<subcore_parallel>], iteration_bounds = array<i64: 2, 16>, scalar_prefetch = 0 : i64, scratch_operands = 14 : i64, tpu.core_type = #tpu.core_type<sc_vector_subcore>, window_params = [{transform_indices = #map}, {transform_indices = #map}, {transform_indices = #map}, {transform_indices = #map}, {transform_indices = #map}]} {
    %mul3A = arith.constant 90000 : i32
    %mul3A_0 = arith.muli %arg0, %mul3A : i32
    %broadcast_in_dim3A = vector.broadcast %mul3A_0 : i32 to vector<16xi32>
    %mul3A_1 = arith.constant 90112 : i32
    %mul3A_2 = arith.muli %arg0, %mul3A_1 : i32
    %broadcast_in_dim3A_3 = vector.broadcast %mul3A_2 : i32 to vector<16xi32>
    %mul3A_4 = arith.constant 320000 : i32
    %mul3A_5 = arith.muli %arg0, %mul3A_4 : i32
    %mul3A_6 = arith.constant 20000 : i32
    %mul3A_7 = arith.muli %arg1, %mul3A_6 : i32
    %add3A = arith.addi %mul3A_5, %mul3A_7 : i32
    %mul3A_8 = arith.constant 16 : i32
    %mul3A_9 = arith.muli %arg0, %mul3A_8 : i32
    %add3A_10 = arith.addi %mul3A_9, %arg1 : i32
    %mul3A_11 = arith.constant 250 : i32
    %mul3A_12 = arith.muli %add3A_10, %mul3A_11 : i32
    %scan3A = arith.constant 0 : i32
    %scan3A_13 = arith.constant 0 : i32
    %scan3A_14 = arith.constant 352 : i32
    %scan3A_15 = arith.addi %scan3A_13, %scan3A_14 : i32
    %scan3A_16 = arith.constant 1 : i32
    %scan3A_17 = scf.for %scan3A_55 = %scan3A_13 to %scan3A_15 step %scan3A_16 iter_args(%scan3A_56 = %scan3A) -> (i32)  : i32 {
      %broadcast_in_dim3A_57 = arith.constant 0.000000e+00 : f32
      %broadcast_in_dim3A_58 = vector.broadcast %broadcast_in_dim3A_57 : f32 to vector<16xf32>
      %mul3A_59 = arith.constant 16 : i32
      %mul3A_60 = arith.muli %scan3A_55, %mul3A_59 : i32
      %swap3A = arith.index_cast %mul3A_60 : i32 to index
      %swap3A_61 = tpu.vector_load %arg15[%swap3A] {strides = array<i32>} : memref<5632xf32, #tpu.memory_space<vmem>>, vector<16xf32>,
      tpu.vector_store %arg15[%swap3A], %broadcast_in_dim3A_58 {strides = array<i32>} : memref<5632xf32, #tpu.memory_space<vmem>>, vector<16xf32>,
      %scan3A_62 = arith.constant 0 : i32
      scf.yield %scan3A_62 : i32
    }
    %scan3A_18 = arith.constant 352 : i32
    %scan3A_19 = arith.constant 0 : i32
    %scan3A_20 = arith.constant 0 : i32
    %scan3A_21 = arith.constant 5 : i32
    %scan3A_22 = arith.addi %scan3A_20, %scan3A_21 : i32
    %scan3A_23 = arith.constant 1 : i32
    %scan3A_24 = scf.for %scan3A_55 = %scan3A_20 to %scan3A_22 step %scan3A_23 iter_args(%scan3A_56 = %scan3A_19) -> (i32)  : i32 {
      %broadcast_in_dim3A_57 = arith.constant 1.000000e+00 : f32
      %broadcast_in_dim3A_58 = vector.broadcast %broadcast_in_dim3A_57 : f32 to vector<16xf32>
      %mul3A_59 = arith.constant 16 : i32
      %mul3A_60 = arith.muli %scan3A_55, %mul3A_59 : i32
      %swap3A = arith.index_cast %mul3A_60 : i32 to index
      %swap3A_61 = tpu.vector_load %arg14[%swap3A] {strides = array<i32>} : memref<80xf32, #tpu.memory_space<vmem>>, vector<16xf32>,
      tpu.vector_store %arg14[%swap3A], %broadcast_in_dim3A_58 {strides = array<i32>} : memref<80xf32, #tpu.memory_space<vmem>>, vector<16xf32>,
      %scan3A_62 = arith.constant 0 : i32
      scf.yield %scan3A_62 : i32
    }
    %scan3A_25 = arith.constant 5 : i32
    %mul3A_26 = arith.constant 5632 : i32
    %mul3A_27 = arith.muli %arg1, %mul3A_26 : i32
    "tpu.region"() ({
      %run_scoped3A = tpu.sem_alloc : memref<!tpu.dma_semaphore, #tpu.memory_space<semaphore_mem>>
      %dma_start3A_55 = tpu.memref_slice %arg7[%mul3A_27] : memref<90112xf32, #tpu.memory_space<vmem_shared>> -> memref<5632xf32, #tpu.memory_space<vmem_shared>>
      %dma_start3A_56 = tpu.memref_slice %arg7[%mul3A_27] : memref<90112xf32, #tpu.memory_space<vmem_shared>> -> memref<5632xf32, #tpu.memory_space<vmem_shared>>
      tpu.enqueue_dma source(%arg15 : memref<5632xf32, #tpu.memory_space<vmem>>) target(%dma_start3A_56 : memref<5632xf32, #tpu.memory_space<vmem_shared>>) target_semaphore(%run_scoped3A : memref<!tpu.dma_semaphore, #tpu.memory_space<semaphore_mem>>)
      %dma_wait3A_57 = tpu.memref_slice %arg7[%mul3A_27] : memref<90112xf32, #tpu.memory_space<vmem_shared>> -> memref<5632xf32, #tpu.memory_space<vmem_shared>>
      %dma_wait3A_58 = tpu.memref_slice %arg7[%mul3A_27] : memref<90112xf32, #tpu.memory_space<vmem_shared>> -> memref<5632xf32, #tpu.memory_space<vmem_shared>>
      tpu.wait_dma2 semaphore(%run_scoped3A : memref<!tpu.dma_semaphore, #tpu.memory_space<semaphore_mem>>) src(%arg15 : memref<5632xf32, #tpu.memory_space<vmem>>) dst(%dma_wait3A_58 : memref<5632xf32, #tpu.memory_space<vmem_shared>>)
      tpu.yield
    }) : () -> ()
    %barrier3A = arith.constant 0 : index
    tpu.barrier barrier_id(%barrier3A)
    %add3A_28 = arith.constant 0 : i32
    %add3A_29 = arith.addi %add3A, %add3A_28 : i32
    %dma_start3A = tpu.memref_slice %arg2[%add3A_29] : memref<640000xi32, #tpu.memory_space<hbm>> -> memref<800xi32, #tpu.memory_space<hbm>>
    %dma_start3A_30 = tpu.memref_slice %arg2[%add3A_29] : memref<640000xi32, #tpu.memory_space<hbm>> -> memref<800xi32, #tpu.memory_space<hbm>>
    tpu.enqueue_dma source(%dma_start3A_30 : memref<800xi32, #tpu.memory_space<hbm>>) target(%arg8 : memref<800xi32, #tpu.memory_space<vmem>>) target_semaphore(%arg18 : memref<!tpu.dma_semaphore, #tpu.memory_space<semaphore_mem>>)
    %dma_start3A_31 = tpu.memref_slice %arg3[%add3A_29] : memref<640000xi32, #tpu.memory_space<hbm>> -> memref<800xi32, #tpu.memory_space<hbm>>
    %dma_start3A_32 = tpu.memref_slice %arg3[%add3A_29] : memref<640000xi32, #tpu.memory_space<hbm>> -> memref<800xi32, #tpu.memory_space<hbm>>
    tpu.enqueue_dma source(%dma_start3A_32 : memref<800xi32, #tpu.memory_space<hbm>>) target(%arg9 : memref<800xi32, #tpu.memory_space<vmem>>) target_semaphore(%arg19 : memref<!tpu.dma_semaphore, #tpu.memory_space<semaphore_mem>>)
    %dma_start3A_33 = tpu.memref_slice %arg4[%add3A_29] : memref<640000xi32, #tpu.memory_space<hbm>> -> memref<800xi32, #tpu.memory_space<hbm>>
    %dma_start3A_34 = tpu.memref_slice %arg4[%add3A_29] : memref<640000xi32, #tpu.memory_space<hbm>> -> memref<800xi32, #tpu.memory_space<hbm>>
    tpu.enqueue_dma source(%dma_start3A_34 : memref<800xi32, #tpu.memory_space<hbm>>) target(%arg10 : memref<800xi32, #tpu.memory_space<vmem>>) target_semaphore(%arg20 : memref<!tpu.dma_semaphore, #tpu.memory_space<semaphore_mem>>)
    %scan3A_35 = arith.constant 0 : i32
    %scan3A_36 = arith.constant 0 : i32
    %scan3A_37 = arith.constant 25 : i32
    %scan3A_38 = arith.addi %scan3A_36, %scan3A_37 : i32
    %scan3A_39 = arith.constant 1 : i32
    %scan3A_40 = scf.for %scan3A_55 = %scan3A_36 to %scan3A_38 step %scan3A_39 iter_args(%scan3A_56 = %scan3A_35) -> (i32)  : i32 {
      %mul3A_57 = arith.constant 800 : i32
      %mul3A_58 = arith.muli %scan3A_55, %mul3A_57 : i32
      %add3A_59 = arith.addi %add3A, %mul3A_58 : i32
      %dma_wait3A_60 = tpu.memref_slice %arg2[%add3A_59] : memref<640000xi32, #tpu.memory_space<hbm>> -> memref<800xi32, #tpu.memory_space<hbm>>
      %dma_wait3A_61 = tpu.memref_slice %arg2[%add3A_59] : memref<640000xi32, #tpu.memory_space<hbm>> -> memref<800xi32, #tpu.memory_space<hbm>>
      tpu.wait_dma2 semaphore(%arg18 : memref<!tpu.dma_semaphore, #tpu.memory_space<semaphore_mem>>) src(%dma_wait3A_61 : memref<800xi32, #tpu.memory_space<hbm>>) dst(%arg8 : memref<800xi32, #tpu.memory_space<vmem>>)
      %dma_wait3A_62 = tpu.memref_slice %arg3[%add3A_59] : memref<640000xi32, #tpu.memory_space<hbm>> -> memref<800xi32, #tpu.memory_space<hbm>>
      %dma_wait3A_63 = tpu.memref_slice %arg3[%add3A_59] : memref<640000xi32, #tpu.memory_space<hbm>> -> memref<800xi32, #tpu.memory_space<hbm>>
      tpu.wait_dma2 semaphore(%arg19 : memref<!tpu.dma_semaphore, #tpu.memory_space<semaphore_mem>>) src(%dma_wait3A_63 : memref<800xi32, #tpu.memory_space<hbm>>) dst(%arg9 : memref<800xi32, #tpu.memory_space<vmem>>)
      %dma_wait3A_64 = tpu.memref_slice %arg4[%add3A_59] : memref<640000xi32, #tpu.memory_space<hbm>> -> memref<800xi32, #tpu.memory_space<hbm>>
      %dma_wait3A_65 = tpu.memref_slice %arg4[%add3A_59] : memref<640000xi32, #tpu.memory_space<hbm>> -> memref<800xi32, #tpu.memory_space<hbm>>
      tpu.wait_dma2 semaphore(%arg20 : memref<!tpu.dma_semaphore, #tpu.memory_space<semaphore_mem>>) src(%dma_wait3A_65 : memref<800xi32, #tpu.memory_space<hbm>>) dst(%arg10 : memref<800xi32, #tpu.memory_space<vmem>>)
      %parallel_loop3A_66 = arith.constant 0 : i32
      %parallel_loop3A_67 = arith.constant 50 : i32
      %parallel_loop3A_68 = arith.constant 1 : i32
      scf.for %parallel_loop3A_156 = %parallel_loop3A_66 to %parallel_loop3A_67 step %parallel_loop3A_68  : i32 {
        %parallel_loop3A_157 = arith.constant 5 : i32
        %parallel_loop3A_158 = arith.divsi %parallel_loop3A_156, %parallel_loop3A_157 : i32
        %parallel_loop3A_159 = arith.constant 0 : i32
        %parallel_loop3A_160 = arith.cmpi sgt, %parallel_loop3A_156, %parallel_loop3A_159 : i32
        %parallel_loop3A_161 = arith.extui %parallel_loop3A_160 : i1 to i32
        %parallel_loop3A_162 = arith.constant 0 : i32
        %parallel_loop3A_163 = arith.cmpi slt, %parallel_loop3A_156, %parallel_loop3A_162 : i32
        %parallel_loop3A_164 = arith.extui %parallel_loop3A_163 : i1 to i32
        %parallel_loop3A_165 = arith.subi %parallel_loop3A_161, %parallel_loop3A_164 : i32
        %parallel_loop3A_166 = arith.constant 0 : i32
        %parallel_loop3A_167 = arith.cmpi sgt, %parallel_loop3A_157, %parallel_loop3A_166 : i32
        %parallel_loop3A_168 = arith.extui %parallel_loop3A_167 : i1 to i32
        %parallel_loop3A_169 = arith.constant 0 : i32
        %parallel_loop3A_170 = arith.cmpi slt, %parallel_loop3A_157, %parallel_loop3A_169 : i32
        %parallel_loop3A_171 = arith.extui %parallel_loop3A_170 : i1 to i32
        %parallel_loop3A_172 = arith.subi %parallel_loop3A_168, %parallel_loop3A_171 : i32
        %parallel_loop3A_173 = arith.cmpi ne, %parallel_loop3A_165, %parallel_loop3A_172 : i32
        %parallel_loop3A_174 = arith.remsi %parallel_loop3A_156, %parallel_loop3A_157 : i32
        %parallel_loop3A_175 = arith.constant 0 : i32
        %parallel_loop3A_176 = arith.cmpi ne, %parallel_loop3A_174, %parallel_loop3A_175 : i32
        %parallel_loop3A_177 = arith.andi %parallel_loop3A_173, %parallel_loop3A_176 : i1
        %parallel_loop3A_178 = arith.constant 1 : i32
        %parallel_loop3A_179 = arith.subi %parallel_loop3A_158, %parallel_loop3A_178 : i32
        %parallel_loop3A_180 = arith.select %parallel_loop3A_177, %parallel_loop3A_179, %parallel_loop3A_158 : i32
        %parallel_loop3A_181 = arith.constant 5 : i32
        %parallel_loop3A_182 = arith.constant 0 : i32
        %parallel_loop3A_183 = arith.cmpi eq, %parallel_loop3A_181, %parallel_loop3A_182 : i32
        %parallel_loop3A_184 = arith.constant 1 : i32
        %parallel_loop3A_185 = arith.select %parallel_loop3A_183, %parallel_loop3A_184, %parallel_loop3A_181 : i32
        %parallel_loop3A_186 = arith.remsi %parallel_loop3A_156, %parallel_loop3A_185 : i32
        %parallel_loop3A_187 = arith.constant 0 : i32
        %parallel_loop3A_188 = arith.cmpi ne, %parallel_loop3A_186, %parallel_loop3A_187 : i32
        %parallel_loop3A_189 = arith.constant 0 : i32
        %parallel_loop3A_190 = arith.cmpi slt, %parallel_loop3A_186, %parallel_loop3A_189 : i32
        %parallel_loop3A_191 = arith.constant 0 : i32
        %parallel_loop3A_192 = arith.cmpi slt, %parallel_loop3A_185, %parallel_loop3A_191 : i32
        %parallel_loop3A_193 = arith.xori %parallel_loop3A_190, %parallel_loop3A_192 : i1
        %parallel_loop3A_194 = arith.andi %parallel_loop3A_193, %parallel_loop3A_188 : i1
        %parallel_loop3A_195 = arith.addi %parallel_loop3A_186, %parallel_loop3A_185 : i32
        %parallel_loop3A_196 = arith.select %parallel_loop3A_194, %parallel_loop3A_195, %parallel_loop3A_186 : i32
        %parallel_loop3A_197 = arith.constant 16 : i32
        %parallel_loop3A_198 = arith.muli %parallel_loop3A_196, %parallel_loop3A_197 : i32
        %parallel_loop3A_199 = arith.constant 16 : i32
        %parallel_loop3A_200 = arith.muli %parallel_loop3A_156, %parallel_loop3A_199 : i32
        %parallel_loop3A_201 = arith.index_cast %parallel_loop3A_200 : i32 to index
        %parallel_loop3A_202 = tpu.vector_load %arg9[%parallel_loop3A_201] {strides = array<i32>} : memref<800xi32, #tpu.memory_space<vmem>>, vector<16xi32>,
        %parallel_loop3A_203 = arith.index_cast %parallel_loop3A_200 : i32 to index
        %parallel_loop3A_204 = tpu.vector_load %arg10[%parallel_loop3A_203] {strides = array<i32>} : memref<800xi32, #tpu.memory_space<vmem>>, vector<16xi32>,
        %parallel_loop3A_205 = arith.constant 10000 : i32
        %parallel_loop3A_206 = vector.broadcast %parallel_loop3A_205 : i32 to vector<16xi32>
        %parallel_loop3A_207 = arith.muli %parallel_loop3A_204, %parallel_loop3A_206 : vector<16xi32>
        %parallel_loop3A_208 = arith.index_cast %parallel_loop3A_200 : i32 to index
        %parallel_loop3A_209 = tpu.vector_load %arg8[%parallel_loop3A_208] {strides = array<i32>} : memref<800xi32, #tpu.memory_space<vmem>>, vector<16xi32>,
        %parallel_loop3A_210 = arith.addi %parallel_loop3A_207, %parallel_loop3A_209 : vector<16xi32>
        %parallel_loop3A_211 = arith.addi %parallel_loop3A_210, %broadcast_in_dim3A : vector<16xi32>
        %parallel_loop3A_212 = arith.constant 3 : i32
        %parallel_loop3A_213 = arith.muli %parallel_loop3A_180, %parallel_loop3A_212 : i32
        %parallel_loop3A_214 = arith.constant 80 : i32
        %parallel_loop3A_215 = arith.muli %parallel_loop3A_213, %parallel_loop3A_214 : i32
        %parallel_loop3A_216 = arith.addi %parallel_loop3A_215, %parallel_loop3A_198 : i32
        %parallel_loop3A_217 = arith.index_cast %parallel_loop3A_216 : i32 to index
        %parallel_loop3A_218 = tpu.vector_load %arg11[%parallel_loop3A_217] {strides = array<i32>} : memref<2400xi32, #tpu.memory_space<vmem>>, vector<16xi32>,
        tpu.vector_store %arg11[%parallel_loop3A_217], %parallel_loop3A_211 {strides = array<i32>} : memref<2400xi32, #tpu.memory_space<vmem>>, vector<16xi32>,
        %parallel_loop3A_219 = arith.constant 9 : i32
        %parallel_loop3A_220 = vector.broadcast %parallel_loop3A_219 : i32 to vector<16xi32>
        %parallel_loop3A_221 = arith.muli %parallel_loop3A_202, %parallel_loop3A_220 : vector<16xi32>
        %parallel_loop3A_222 = arith.addi %parallel_loop3A_221, %parallel_loop3A_204 : vector<16xi32>
        %parallel_loop3A_223 = arith.addi %parallel_loop3A_222, %broadcast_in_dim3A_3 : vector<16xi32>
        %parallel_loop3A_224 = arith.constant 3 : i32
        %parallel_loop3A_225 = arith.muli %parallel_loop3A_180, %parallel_loop3A_224 : i32
        %parallel_loop3A_226 = arith.constant 80 : i32
        %parallel_loop3A_227 = arith.muli %parallel_loop3A_225, %parallel_loop3A_226 : i32
        %parallel_loop3A_228 = arith.constant 80 : i32
        %parallel_loop3A_229 = arith.addi %parallel_loop3A_227, %parallel_loop3A_228 : i32
        %parallel_loop3A_230 = arith.addi %parallel_loop3A_229, %parallel_loop3A_198 : i32
        %parallel_loop3A_231 = arith.index_cast %parallel_loop3A_230 : i32 to index
        %parallel_loop3A_232 = tpu.vector_load %arg11[%parallel_loop3A_231] {strides = array<i32>} : memref<2400xi32, #tpu.memory_space<vmem>>, vector<16xi32>,
        tpu.vector_store %arg11[%parallel_loop3A_231], %parallel_loop3A_223 {strides = array<i32>} : memref<2400xi32, #tpu.memory_space<vmem>>, vector<16xi32>,
        %parallel_loop3A_233 = arith.constant 3 : i32
        %parallel_loop3A_234 = arith.muli %parallel_loop3A_180, %parallel_loop3A_233 : i32
        %parallel_loop3A_235 = arith.constant 80 : i32
        %parallel_loop3A_236 = arith.muli %parallel_loop3A_234, %parallel_loop3A_235 : i32
        %parallel_loop3A_237 = arith.constant 160 : i32
        %parallel_loop3A_238 = arith.addi %parallel_loop3A_236, %parallel_loop3A_237 : i32
        %parallel_loop3A_239 = arith.addi %parallel_loop3A_238, %parallel_loop3A_198 : i32
        %parallel_loop3A_240 = arith.index_cast %parallel_loop3A_239 : i32 to index
        %parallel_loop3A_241 = tpu.vector_load %arg11[%parallel_loop3A_240] {strides = array<i32>} : memref<2400xi32, #tpu.memory_space<vmem>>, vector<16xi32>,
        tpu.vector_store %arg11[%parallel_loop3A_240], %parallel_loop3A_202 {strides = array<i32>} : memref<2400xi32, #tpu.memory_space<vmem>>, vector<16xi32>,
      } {sc.loop_unroll_factor = 2 : i64, sc.parallel_access}
      %gt3A = arith.constant 0 : i32
      %gt3A_69 = arith.cmpi sgt, %scan3A_55, %gt3A : i32
      %convert_element_type3A = arith.extui %gt3A_69 : i1 to i32
      %cond3A = arith.constant 0 : i32
      %cond3A_70 = arith.cmpi ne, %convert_element_type3A, %cond3A : i32
      scf.if %cond3A_70 {
        %dma_wait3A_156 = arith.constant 0 : i32
        %dma_wait3A_157 = tpu.memref_slice %arg7[%dma_wait3A_156] : memref<90112xf32, #tpu.memory_space<vmem_shared>> -> memref<90112xf32, #tpu.memory_space<vmem_shared>>
        tpu.wait_indirect_dma semaphore(%arg16 : memref<!tpu.dma_semaphore, #tpu.memory_space<semaphore_mem>>) src(%arg14 : memref<80xf32, #tpu.memory_space<vmem>>) dst(%dma_wait3A_157 : memref<90112xf32, #tpu.memory_space<vmem_shared>>)
      } else {
      }
      %parallel_loop3A_71 = arith.constant 0 : i32
      %parallel_loop3A_72 = arith.constant 5 : i32
      %parallel_loop3A_73 = arith.constant 1 : i32
      scf.for %parallel_loop3A_156 = %parallel_loop3A_71 to %parallel_loop3A_72 step %parallel_loop3A_73  : i32 {
        %parallel_loop3A_157 = arith.constant 16 : i32
        %parallel_loop3A_158 = arith.muli %parallel_loop3A_156, %parallel_loop3A_157 : i32
        %parallel_loop3A_159 = arith.constant 80 : i32
        %parallel_loop3A_160 = arith.addi %parallel_loop3A_159, %parallel_loop3A_158 : i32
        %parallel_loop3A_161 = arith.index_cast %parallel_loop3A_160 : i32 to index
        %parallel_loop3A_162 = tpu.vector_load %arg11[%parallel_loop3A_161] {strides = array<i32>} : memref<2400xi32, #tpu.memory_space<vmem>>, vector<16xi32>,
        %parallel_loop3A_163 = arith.subi %parallel_loop3A_162, %broadcast_in_dim3A_3 : vector<16xi32>
        %parallel_loop3A_164 = arith.constant 16 : i32
        %parallel_loop3A_165 = arith.muli %parallel_loop3A_156, %parallel_loop3A_164 : i32
        %parallel_loop3A_166 = arith.index_cast %parallel_loop3A_165 : i32 to index
        %parallel_loop3A_167 = tpu.vector_load %arg12[%parallel_loop3A_166] {strides = array<i32>} : memref<80xi32, #tpu.memory_space<vmem>>, vector<16xi32>,
        tpu.vector_store %arg12[%parallel_loop3A_166], %parallel_loop3A_163 {strides = array<i32>} : memref<80xi32, #tpu.memory_space<vmem>>, vector<16xi32>,
      } {sc.loop_unroll_factor = 1 : i64, sc.parallel_access}
      %dma_start3A_74 = arith.constant 0 : i32
      %dma_start3A_75 = tpu.memref_slice %arg7[%dma_start3A_74] : memref<90112xf32, #tpu.memory_space<vmem_shared>> -> memref<90112xf32, #tpu.memory_space<vmem_shared>>
      tpu.enqueue_indirect_dma source(%arg14 : memref<80xf32, #tpu.memory_space<vmem>>) target(%dma_start3A_75 : memref<90112xf32, #tpu.memory_space<vmem_shared>>) offsets(%arg12 : memref<80xi32, #tpu.memory_space<vmem>>) semaphore(%arg16 : memref<!tpu.dma_semaphore, #tpu.memory_space<semaphore_mem>>) {add = true}
      %gt3A_76 = arith.constant 0 : i32
      %gt3A_77 = arith.cmpi sgt, %scan3A_55, %gt3A_76 : i32
      %convert_element_type3A_78 = arith.extui %gt3A_77 : i1 to i32
      %cond3A_79 = arith.constant 0 : i32
      %cond3A_80 = arith.cmpi ne, %convert_element_type3A_78, %cond3A_79 : i32
      scf.if %cond3A_80 {
        %dma_wait3A_156 = arith.constant 0 : i32
        %dma_wait3A_157 = tpu.memref_slice %arg7[%dma_wait3A_156] : memref<90112xf32, #tpu.memory_space<vmem_shared>> -> memref<90112xf32, #tpu.memory_space<vmem_shared>>
        tpu.wait_indirect_dma semaphore(%arg17 : memref<!tpu.dma_semaphore, #tpu.memory_space<semaphore_mem>>) src(%arg14 : memref<80xf32, #tpu.memory_space<vmem>>) dst(%dma_wait3A_157 : memref<90112xf32, #tpu.memory_space<vmem_shared>>)
      } else {
      }
      %parallel_loop3A_81 = arith.constant 0 : i32
      %parallel_loop3A_82 = arith.constant 5 : i32
      %parallel_loop3A_83 = arith.constant 1 : i32
      scf.for %parallel_loop3A_156 = %parallel_loop3A_81 to %parallel_loop3A_82 step %parallel_loop3A_83  : i32 {
        %parallel_loop3A_157 = arith.constant 16 : i32
        %parallel_loop3A_158 = arith.muli %parallel_loop3A_156, %parallel_loop3A_157 : i32
        %parallel_loop3A_159 = arith.constant 320 : i32
        %parallel_loop3A_160 = arith.addi %parallel_loop3A_159, %parallel_loop3A_158 : i32
        %parallel_loop3A_161 = arith.index_cast %parallel_loop3A_160 : i32 to index
        %parallel_loop3A_162 = tpu.vector_load %arg11[%parallel_loop3A_161] {strides = array<i32>} : memref<2400xi32, #tpu.memory_space<vmem>>, vector<16xi32>,
        %parallel_loop3A_163 = arith.subi %parallel_loop3A_162, %broadcast_in_dim3A_3 : vector<16xi32>
        %parallel_loop3A_164 = arith.constant 16 : i32
        %parallel_loop3A_165 = arith.muli %parallel_loop3A_156, %parallel_loop3A_164 : i32
        %parallel_loop3A_166 = arith.index_cast %parallel_loop3A_165 : i32 to index
        %parallel_loop3A_167 = tpu.vector_load %arg13[%parallel_loop3A_166] {strides = array<i32>} : memref<80xi32, #tpu.memory_space<vmem>>, vector<16xi32>,
        tpu.vector_store %arg13[%parallel_loop3A_166], %parallel_loop3A_163 {strides = array<i32>} : memref<80xi32, #tpu.memory_space<vmem>>, vector<16xi32>,
      } {sc.loop_unroll_factor = 1 : i64, sc.parallel_access}
      %dma_start3A_84 = arith.constant 0 : i32
      %dma_start3A_85 = tpu.memref_slice %arg7[%dma_start3A_84] : memref<90112xf32, #tpu.memory_space<vmem_shared>> -> memref<90112xf32, #tpu.memory_space<vmem_shared>>
      tpu.enqueue_indirect_dma source(%arg14 : memref<80xf32, #tpu.memory_space<vmem>>) target(%dma_start3A_85 : memref<90112xf32, #tpu.memory_space<vmem_shared>>) offsets(%arg13 : memref<80xi32, #tpu.memory_space<vmem>>) semaphore(%arg17 : memref<!tpu.dma_semaphore, #tpu.memory_space<semaphore_mem>>) {add = true}
      %dma_wait3A_86 = arith.constant 0 : i32
      %dma_wait3A_87 = tpu.memref_slice %arg7[%dma_wait3A_86] : memref<90112xf32, #tpu.memory_space<vmem_shared>> -> memref<90112xf32, #tpu.memory_space<vmem_shared>>
      tpu.wait_indirect_dma semaphore(%arg16 : memref<!tpu.dma_semaphore, #tpu.memory_space<semaphore_mem>>) src(%arg14 : memref<80xf32, #tpu.memory_space<vmem>>) dst(%dma_wait3A_87 : memref<90112xf32, #tpu.memory_space<vmem_shared>>)
      %parallel_loop3A_88 = arith.constant 0 : i32
      %parallel_loop3A_89 = arith.constant 5 : i32
      %parallel_loop3A_90 = arith.constant 1 : i32
      scf.for %parallel_loop3A_156 = %parallel_loop3A_88 to %parallel_loop3A_89 step %parallel_loop3A_90  : i32 {
        %parallel_loop3A_157 = arith.constant 16 : i32
        %parallel_loop3A_158 = arith.muli %parallel_loop3A_156, %parallel_loop3A_157 : i32
        %parallel_loop3A_159 = arith.constant 560 : i32
        %parallel_loop3A_160 = arith.addi %parallel_loop3A_159, %parallel_loop3A_158 : i32
        %parallel_loop3A_161 = arith.index_cast %parallel_loop3A_160 : i32 to index
        %parallel_loop3A_162 = tpu.vector_load %arg11[%parallel_loop3A_161] {strides = array<i32>} : memref<2400xi32, #tpu.memory_space<vmem>>, vector<16xi32>,
        %parallel_loop3A_163 = arith.subi %parallel_loop3A_162, %broadcast_in_dim3A_3 : vector<16xi32>
        %parallel_loop3A_164 = arith.constant 16 : i32
        %parallel_loop3A_165 = arith.muli %parallel_loop3A_156, %parallel_loop3A_164 : i32
        %parallel_loop3A_166 = arith.index_cast %parallel_loop3A_165 : i32 to index
        %parallel_loop3A_167 = tpu.vector_load %arg12[%parallel_loop3A_166] {strides = array<i32>} : memref<80xi32, #tpu.memory_space<vmem>>, vector<16xi32>,
        tpu.vector_store %arg12[%parallel_loop3A_166], %parallel_loop3A_163 {strides = array<i32>} : memref<80xi32, #tpu.memory_space<vmem>>, vector<16xi32>,
      } {sc.loop_unroll_factor = 1 : i64, sc.parallel_access}
      %dma_start3A_91 = arith.constant 0 : i32
      %dma_start3A_92 = tpu.memref_slice %arg7[%dma_start3A_91] : memref<90112xf32, #tpu.memory_space<vmem_shared>> -> memref<90112xf32, #tpu.memory_space<vmem_shared>>
      tpu.enqueue_indirect_dma source(%arg14 : memref<80xf32, #tpu.memory_space<vmem>>) target(%dma_start3A_92 : memref<90112xf32, #tpu.memory_space<vmem_shared>>) offsets(%arg12 : memref<80xi32, #tpu.memory_space<vmem>>) semaphore(%arg16 : memref<!tpu.dma_semaphore, #tpu.memory_space<semaphore_mem>>) {add = true}
      %dma_wait3A_93 = arith.constant 0 : i32
      %dma_wait3A_94 = tpu.memref_slice %arg7[%dma_wait3A_93] : memref<90112xf32, #tpu.memory_space<vmem_shared>> -> memref<90112xf32, #tpu.memory_space<vmem_shared>>
      tpu.wait_indirect_dma semaphore(%arg17 : memref<!tpu.dma_semaphore, #tpu.memory_space<semaphore_mem>>) src(%arg14 : memref<80xf32, #tpu.memory_space<vmem>>) dst(%dma_wait3A_94 : memref<90112xf32, #tpu.memory_space<vmem_shared>>)
      %parallel_loop3A_95 = arith.constant 0 : i32
      %parallel_loop3A_96 = arith.constant 5 : i32
      %parallel_loop3A_97 = arith.constant 1 : i32
      scf.for %parallel_loop3A_156 = %parallel_loop3A_95 to %parallel_loop3A_96 step %parallel_loop3A_97  : i32 {
        %parallel_loop3A_157 = arith.constant 16 : i32
        %parallel_loop3A_158 = arith.muli %parallel_loop3A_156, %parallel_loop3A_157 : i32
        %parallel_loop3A_159 = arith.constant 800 : i32
        %parallel_loop3A_160 = arith.addi %parallel_loop3A_159, %parallel_loop3A_158 : i32
        %parallel_loop3A_161 = arith.index_cast %parallel_loop3A_160 : i32 to index
        %parallel_loop3A_162 = tpu.vector_load %arg11[%parallel_loop3A_161] {strides = array<i32>} : memref<2400xi32, #tpu.memory_space<vmem>>, vector<16xi32>,
        %parallel_loop3A_163 = arith.subi %parallel_loop3A_162, %broadcast_in_dim3A_3 : vector<16xi32>
        %parallel_loop3A_164 = arith.constant 16 : i32
        %parallel_loop3A_165 = arith.muli %parallel_loop3A_156, %parallel_loop3A_164 : i32
        %parallel_loop3A_166 = arith.index_cast %parallel_loop3A_165 : i32 to index
        %parallel_loop3A_167 = tpu.vector_load %arg13[%parallel_loop3A_166] {strides = array<i32>} : memref<80xi32, #tpu.memory_space<vmem>>, vector<16xi32>,
        tpu.vector_store %arg13[%parallel_loop3A_166], %parallel_loop3A_163 {strides = array<i32>} : memref<80xi32, #tpu.memory_space<vmem>>, vector<16xi32>,
      } {sc.loop_unroll_factor = 1 : i64, sc.parallel_access}
      %dma_start3A_98 = arith.constant 0 : i32
      %dma_start3A_99 = tpu.memref_slice %arg7[%dma_start3A_98] : memref<90112xf32, #tpu.memory_space<vmem_shared>> -> memref<90112xf32, #tpu.memory_space<vmem_shared>>
      tpu.enqueue_indirect_dma source(%arg14 : memref<80xf32, #tpu.memory_space<vmem>>) target(%dma_start3A_99 : memref<90112xf32, #tpu.memory_space<vmem_shared>>) offsets(%arg13 : memref<80xi32, #tpu.memory_space<vmem>>) semaphore(%arg17 : memref<!tpu.dma_semaphore, #tpu.memory_space<semaphore_mem>>) {add = true}
      %dma_wait3A_100 = arith.constant 0 : i32
      %dma_wait3A_101 = tpu.memref_slice %arg7[%dma_wait3A_100] : memref<90112xf32, #tpu.memory_space<vmem_shared>> -> memref<90112xf32, #tpu.memory_space<vmem_shared>>
      tpu.wait_indirect_dma semaphore(%arg16 : memref<!tpu.dma_semaphore, #tpu.memory_space<semaphore_mem>>) src(%arg14 : memref<80xf32, #tpu.memory_space<vmem>>) dst(%dma_wait3A_101 : memref<90112xf32, #tpu.memory_space<vmem_shared>>)
      %parallel_loop3A_102 = arith.constant 0 : i32
      %parallel_loop3A_103 = arith.constant 5 : i32
      %parallel_loop3A_104 = arith.constant 1 : i32
      scf.for %parallel_loop3A_156 = %parallel_loop3A_102 to %parallel_loop3A_103 step %parallel_loop3A_104  : i32 {
        %parallel_loop3A_157 = arith.constant 16 : i32
        %parallel_loop3A_158 = arith.muli %parallel_loop3A_156, %parallel_loop3A_157 : i32
        %parallel_loop3A_159 = arith.constant 1040 : i32
        %parallel_loop3A_160 = arith.addi %parallel_loop3A_159, %parallel_loop3A_158 : i32
        %parallel_loop3A_161 = arith.index_cast %parallel_loop3A_160 : i32 to index
        %parallel_loop3A_162 = tpu.vector_load %arg11[%parallel_loop3A_161] {strides = array<i32>} : memref<2400xi32, #tpu.memory_space<vmem>>, vector<16xi32>,
        %parallel_loop3A_163 = arith.subi %parallel_loop3A_162, %broadcast_in_dim3A_3 : vector<16xi32>
        %parallel_loop3A_164 = arith.constant 16 : i32
        %parallel_loop3A_165 = arith.muli %parallel_loop3A_156, %parallel_loop3A_164 : i32
        %parallel_loop3A_166 = arith.index_cast %parallel_loop3A_165 : i32 to index
        %parallel_loop3A_167 = tpu.vector_load %arg12[%parallel_loop3A_166] {strides = array<i32>} : memref<80xi32, #tpu.memory_space<vmem>>, vector<16xi32>,
        tpu.vector_store %arg12[%parallel_loop3A_166], %parallel_loop3A_163 {strides = array<i32>} : memref<80xi32, #tpu.memory_space<vmem>>, vector<16xi32>,
      } {sc.loop_unroll_factor = 1 : i64, sc.parallel_access}
      %dma_start3A_105 = arith.constant 0 : i32
      %dma_start3A_106 = tpu.memref_slice %arg7[%dma_start3A_105] : memref<90112xf32, #tpu.memory_space<vmem_shared>> -> memref<90112xf32, #tpu.memory_space<vmem_shared>>
      tpu.enqueue_indirect_dma source(%arg14 : memref<80xf32, #tpu.memory_space<vmem>>) target(%dma_start3A_106 : memref<90112xf32, #tpu.memory_space<vmem_shared>>) offsets(%arg12 : memref<80xi32, #tpu.memory_space<vmem>>) semaphore(%arg16 : memref<!tpu.dma_semaphore, #tpu.memory_space<semaphore_mem>>) {add = true}
      %dma_wait3A_107 = arith.constant 0 : i32
      %dma_wait3A_108 = tpu.memref_slice %arg7[%dma_wait3A_107] : memref<90112xf32, #tpu.memory_space<vmem_shared>> -> memref<90112xf32, #tpu.memory_space<vmem_shared>>
      tpu.wait_indirect_dma semaphore(%arg17 : memref<!tpu.dma_semaphore, #tpu.memory_space<semaphore_mem>>) src(%arg14 : memref<80xf32, #tpu.memory_space<vmem>>) dst(%dma_wait3A_108 : memref<90112xf32, #tpu.memory_space<vmem_shared>>)
      %parallel_loop3A_109 = arith.constant 0 : i32
      %parallel_loop3A_110 = arith.constant 5 : i32
      %parallel_loop3A_111 = arith.constant 1 : i32
      scf.for %parallel_loop3A_156 = %parallel_loop3A_109 to %parallel_loop3A_110 step %parallel_loop3A_111  : i32 {
        %parallel_loop3A_157 = arith.constant 16 : i32
        %parallel_loop3A_158 = arith.muli %parallel_loop3A_156, %parallel_loop3A_157 : i32
        %parallel_loop3A_159 = arith.constant 1280 : i32
        %parallel_loop3A_160 = arith.addi %parallel_loop3A_159, %parallel_loop3A_158 : i32
        %parallel_loop3A_161 = arith.index_cast %parallel_loop3A_160 : i32 to index
        %parallel_loop3A_162 = tpu.vector_load %arg11[%parallel_loop3A_161] {strides = array<i32>} : memref<2400xi32, #tpu.memory_space<vmem>>, vector<16xi32>,
        %parallel_loop3A_163 = arith.subi %parallel_loop3A_162, %broadcast_in_dim3A_3 : vector<16xi32>
        %parallel_loop3A_164 = arith.constant 16 : i32
        %parallel_loop3A_165 = arith.muli %parallel_loop3A_156, %parallel_loop3A_164 : i32
        %parallel_loop3A_166 = arith.index_cast %parallel_loop3A_165 : i32 to index
        %parallel_loop3A_167 = tpu.vector_load %arg13[%parallel_loop3A_166] {strides = array<i32>} : memref<80xi32, #tpu.memory_space<vmem>>, vector<16xi32>,
        tpu.vector_store %arg13[%parallel_loop3A_166], %parallel_loop3A_163 {strides = array<i32>} : memref<80xi32, #tpu.memory_space<vmem>>, vector<16xi32>,
      } {sc.loop_unroll_factor = 1 : i64, sc.parallel_access}
      %dma_start3A_112 = arith.constant 0 : i32
      %dma_start3A_113 = tpu.memref_slice %arg7[%dma_start3A_112] : memref<90112xf32, #tpu.memory_space<vmem_shared>> -> memref<90112xf32, #tpu.memory_space<vmem_shared>>
      tpu.enqueue_indirect_dma source(%arg14 : memref<80xf32, #tpu.memory_space<vmem>>) target(%dma_start3A_113 : memref<90112xf32, #tpu.memory_space<vmem_shared>>) offsets(%arg13 : memref<80xi32, #tpu.memory_space<vmem>>) semaphore(%arg17 : memref<!tpu.dma_semaphore, #tpu.memory_space<semaphore_mem>>) {add = true}
      %dma_wait3A_114 = arith.constant 0 : i32
      %dma_wait3A_115 = tpu.memref_slice %arg7[%dma_wait3A_114] : memref<90112xf32, #tpu.memory_space<vmem_shared>> -> memref<90112xf32, #tpu.memory_space<vmem_shared>>
      tpu.wait_indirect_dma semaphore(%arg16 : memref<!tpu.dma_semaphore, #tpu.memory_space<semaphore_mem>>) src(%arg14 : memref<80xf32, #tpu.memory_space<vmem>>) dst(%dma_wait3A_115 : memref<90112xf32, #tpu.memory_space<vmem_shared>>)
      %parallel_loop3A_116 = arith.constant 0 : i32
      %parallel_loop3A_117 = arith.constant 5 : i32
      %parallel_loop3A_118 = arith.constant 1 : i32
      scf.for %parallel_loop3A_156 = %parallel_loop3A_116 to %parallel_loop3A_117 step %parallel_loop3A_118  : i32 {
        %parallel_loop3A_157 = arith.constant 16 : i32
        %parallel_loop3A_158 = arith.muli %parallel_loop3A_156, %parallel_loop3A_157 : i32
        %parallel_loop3A_159 = arith.constant 1520 : i32
        %parallel_loop3A_160 = arith.addi %parallel_loop3A_159, %parallel_loop3A_158 : i32
        %parallel_loop3A_161 = arith.index_cast %parallel_loop3A_160 : i32 to index
        %parallel_loop3A_162 = tpu.vector_load %arg11[%parallel_loop3A_161] {strides = array<i32>} : memref<2400xi32, #tpu.memory_space<vmem>>, vector<16xi32>,
        %parallel_loop3A_163 = arith.subi %parallel_loop3A_162, %broadcast_in_dim3A_3 : vector<16xi32>
        %parallel_loop3A_164 = arith.constant 16 : i32
        %parallel_loop3A_165 = arith.muli %parallel_loop3A_156, %parallel_loop3A_164 : i32
        %parallel_loop3A_166 = arith.index_cast %parallel_loop3A_165 : i32 to index
        %parallel_loop3A_167 = tpu.vector_load %arg12[%parallel_loop3A_166] {strides = array<i32>} : memref<80xi32, #tpu.memory_space<vmem>>, vector<16xi32>,
        tpu.vector_store %arg12[%parallel_loop3A_166], %parallel_loop3A_163 {strides = array<i32>} : memref<80xi32, #tpu.memory_space<vmem>>, vector<16xi32>,
      } {sc.loop_unroll_factor = 1 : i64, sc.parallel_access}
      %dma_start3A_119 = arith.constant 0 : i32
      %dma_start3A_120 = tpu.memref_slice %arg7[%dma_start3A_119] : memref<90112xf32, #tpu.memory_space<vmem_shared>> -> memref<90112xf32, #tpu.memory_space<vmem_shared>>
      tpu.enqueue_indirect_dma source(%arg14 : memref<80xf32, #tpu.memory_space<vmem>>) target(%dma_start3A_120 : memref<90112xf32, #tpu.memory_space<vmem_shared>>) offsets(%arg12 : memref<80xi32, #tpu.memory_space<vmem>>) semaphore(%arg16 : memref<!tpu.dma_semaphore, #tpu.memory_space<semaphore_mem>>) {add = true}
      %dma_wait3A_121 = arith.constant 0 : i32
      %dma_wait3A_122 = tpu.memref_slice %arg7[%dma_wait3A_121] : memref<90112xf32, #tpu.memory_space<vmem_shared>> -> memref<90112xf32, #tpu.memory_space<vmem_shared>>
      tpu.wait_indirect_dma semaphore(%arg17 : memref<!tpu.dma_semaphore, #tpu.memory_space<semaphore_mem>>) src(%arg14 : memref<80xf32, #tpu.memory_space<vmem>>) dst(%dma_wait3A_122 : memref<90112xf32, #tpu.memory_space<vmem_shared>>)
      %parallel_loop3A_123 = arith.constant 0 : i32
      %parallel_loop3A_124 = arith.constant 5 : i32
      %parallel_loop3A_125 = arith.constant 1 : i32
      scf.for %parallel_loop3A_156 = %parallel_loop3A_123 to %parallel_loop3A_124 step %parallel_loop3A_125  : i32 {
        %parallel_loop3A_157 = arith.constant 16 : i32
        %parallel_loop3A_158 = arith.muli %parallel_loop3A_156, %parallel_loop3A_157 : i32
        %parallel_loop3A_159 = arith.constant 1760 : i32
        %parallel_loop3A_160 = arith.addi %parallel_loop3A_159, %parallel_loop3A_158 : i32
        %parallel_loop3A_161 = arith.index_cast %parallel_loop3A_160 : i32 to index
        %parallel_loop3A_162 = tpu.vector_load %arg11[%parallel_loop3A_161] {strides = array<i32>} : memref<2400xi32, #tpu.memory_space<vmem>>, vector<16xi32>,
        %parallel_loop3A_163 = arith.subi %parallel_loop3A_162, %broadcast_in_dim3A_3 : vector<16xi32>
        %parallel_loop3A_164 = arith.constant 16 : i32
        %parallel_loop3A_165 = arith.muli %parallel_loop3A_156, %parallel_loop3A_164 : i32
        %parallel_loop3A_166 = arith.index_cast %parallel_loop3A_165 : i32 to index
        %parallel_loop3A_167 = tpu.vector_load %arg13[%parallel_loop3A_166] {strides = array<i32>} : memref<80xi32, #tpu.memory_space<vmem>>, vector<16xi32>,
        tpu.vector_store %arg13[%parallel_loop3A_166], %parallel_loop3A_163 {strides = array<i32>} : memref<80xi32, #tpu.memory_space<vmem>>, vector<16xi32>,
      } {sc.loop_unroll_factor = 1 : i64, sc.parallel_access}
      %dma_start3A_126 = arith.constant 0 : i32
      %dma_start3A_127 = tpu.memref_slice %arg7[%dma_start3A_126] : memref<90112xf32, #tpu.memory_space<vmem_shared>> -> memref<90112xf32, #tpu.memory_space<vmem_shared>>
      tpu.enqueue_indirect_dma source(%arg14 : memref<80xf32, #tpu.memory_space<vmem>>) target(%dma_start3A_127 : memref<90112xf32, #tpu.memory_space<vmem_shared>>) offsets(%arg13 : memref<80xi32, #tpu.memory_space<vmem>>) semaphore(%arg17 : memref<!tpu.dma_semaphore, #tpu.memory_space<semaphore_mem>>) {add = true}
      %dma_wait3A_128 = arith.constant 0 : i32
      %dma_wait3A_129 = tpu.memref_slice %arg7[%dma_wait3A_128] : memref<90112xf32, #tpu.memory_space<vmem_shared>> -> memref<90112xf32, #tpu.memory_space<vmem_shared>>
      tpu.wait_indirect_dma semaphore(%arg16 : memref<!tpu.dma_semaphore, #tpu.memory_space<semaphore_mem>>) src(%arg14 : memref<80xf32, #tpu.memory_space<vmem>>) dst(%dma_wait3A_129 : memref<90112xf32, #tpu.memory_space<vmem_shared>>)
      %parallel_loop3A_130 = arith.constant 0 : i32
      %parallel_loop3A_131 = arith.constant 5 : i32
      %parallel_loop3A_132 = arith.constant 1 : i32
      scf.for %parallel_loop3A_156 = %parallel_loop3A_130 to %parallel_loop3A_131 step %parallel_loop3A_132  : i32 {
        %parallel_loop3A_157 = arith.constant 16 : i32
        %parallel_loop3A_158 = arith.muli %parallel_loop3A_156, %parallel_loop3A_157 : i32
        %parallel_loop3A_159 = arith.constant 2000 : i32
        %parallel_loop3A_160 = arith.addi %parallel_loop3A_159, %parallel_loop3A_158 : i32
        %parallel_loop3A_161 = arith.index_cast %parallel_loop3A_160 : i32 to index
        %parallel_loop3A_162 = tpu.vector_load %arg11[%parallel_loop3A_161] {strides = array<i32>} : memref<2400xi32, #tpu.memory_space<vmem>>, vector<16xi32>,
        %parallel_loop3A_163 = arith.subi %parallel_loop3A_162, %broadcast_in_dim3A_3 : vector<16xi32>
        %parallel_loop3A_164 = arith.constant 16 : i32
        %parallel_loop3A_165 = arith.muli %parallel_loop3A_156, %parallel_loop3A_164 : i32
        %parallel_loop3A_166 = arith.index_cast %parallel_loop3A_165 : i32 to index
        %parallel_loop3A_167 = tpu.vector_load %arg12[%parallel_loop3A_166] {strides = array<i32>} : memref<80xi32, #tpu.memory_space<vmem>>, vector<16xi32>,
        tpu.vector_store %arg12[%parallel_loop3A_166], %parallel_loop3A_163 {strides = array<i32>} : memref<80xi32, #tpu.memory_space<vmem>>, vector<16xi32>,
      } {sc.loop_unroll_factor = 1 : i64, sc.parallel_access}
      %dma_start3A_133 = arith.constant 0 : i32
      %dma_start3A_134 = tpu.memref_slice %arg7[%dma_start3A_133] : memref<90112xf32, #tpu.memory_space<vmem_shared>> -> memref<90112xf32, #tpu.memory_space<vmem_shared>>
      tpu.enqueue_indirect_dma source(%arg14 : memref<80xf32, #tpu.memory_space<vmem>>) target(%dma_start3A_134 : memref<90112xf32, #tpu.memory_space<vmem_shared>>) offsets(%arg12 : memref<80xi32, #tpu.memory_space<vmem>>) semaphore(%arg16 : memref<!tpu.dma_semaphore, #tpu.memory_space<semaphore_mem>>) {add = true}
      %dma_wait3A_135 = arith.constant 0 : i32
      %dma_wait3A_136 = tpu.memref_slice %arg7[%dma_wait3A_135] : memref<90112xf32, #tpu.memory_space<vmem_shared>> -> memref<90112xf32, #tpu.memory_space<vmem_shared>>
      tpu.wait_indirect_dma semaphore(%arg17 : memref<!tpu.dma_semaphore, #tpu.memory_space<semaphore_mem>>) src(%arg14 : memref<80xf32, #tpu.memory_space<vmem>>) dst(%dma_wait3A_136 : memref<90112xf32, #tpu.memory_space<vmem_shared>>)
      %parallel_loop3A_137 = arith.constant 0 : i32
      %parallel_loop3A_138 = arith.constant 5 : i32
      %parallel_loop3A_139 = arith.constant 1 : i32
      scf.for %parallel_loop3A_156 = %parallel_loop3A_137 to %parallel_loop3A_138 step %parallel_loop3A_139  : i32 {
        %parallel_loop3A_157 = arith.constant 16 : i32
        %parallel_loop3A_158 = arith.muli %parallel_loop3A_156, %parallel_loop3A_157 : i32
        %parallel_loop3A_159 = arith.constant 2240 : i32
        %parallel_loop3A_160 = arith.addi %parallel_loop3A_159, %parallel_loop3A_158 : i32
        %parallel_loop3A_161 = arith.index_cast %parallel_loop3A_160 : i32 to index
        %parallel_loop3A_162 = tpu.vector_load %arg11[%parallel_loop3A_161] {strides = array<i32>} : memref<2400xi32, #tpu.memory_space<vmem>>, vector<16xi32>,
        %parallel_loop3A_163 = arith.subi %parallel_loop3A_162, %broadcast_in_dim3A_3 : vector<16xi32>
        %parallel_loop3A_164 = arith.constant 16 : i32
        %parallel_loop3A_165 = arith.muli %parallel_loop3A_156, %parallel_loop3A_164 : i32
        %parallel_loop3A_166 = arith.index_cast %parallel_loop3A_165 : i32 to index
        %parallel_loop3A_167 = tpu.vector_load %arg13[%parallel_loop3A_166] {strides = array<i32>} : memref<80xi32, #tpu.memory_space<vmem>>, vector<16xi32>,
        tpu.vector_store %arg13[%parallel_loop3A_166], %parallel_loop3A_163 {strides = array<i32>} : memref<80xi32, #tpu.memory_space<vmem>>, vector<16xi32>,
      } {sc.loop_unroll_factor = 1 : i64, sc.parallel_access}
      %dma_start3A_140 = arith.constant 0 : i32
      %dma_start3A_141 = tpu.memref_slice %arg7[%dma_start3A_140] : memref<90112xf32, #tpu.memory_space<vmem_shared>> -> memref<90112xf32, #tpu.memory_space<vmem_shared>>
      tpu.enqueue_indirect_dma source(%arg14 : memref<80xf32, #tpu.memory_space<vmem>>) target(%dma_start3A_141 : memref<90112xf32, #tpu.memory_space<vmem_shared>>) offsets(%arg13 : memref<80xi32, #tpu.memory_space<vmem>>) semaphore(%arg17 : memref<!tpu.dma_semaphore, #tpu.memory_space<semaphore_mem>>) {add = true}
      %add3A_142 = arith.constant 1 : i32
      %add3A_143 = arith.addi %scan3A_55, %add3A_142 : i32
      %lt3A = arith.constant 25 : i32
      %lt3A_144 = arith.cmpi slt, %add3A_143, %lt3A : i32
      %convert_element_type3A_145 = arith.extui %lt3A_144 : i1 to i32
      %cond3A_146 = arith.constant 0 : i32
      %cond3A_147 = arith.cmpi ne, %convert_element_type3A_145, %cond3A_146 : i32
      scf.if %cond3A_147 {
        %add3A_156 = arith.constant 1 : i32
        %add3A_157 = arith.addi %scan3A_55, %add3A_156 : i32
        %mul3A_158 = arith.constant 800 : i32
        %mul3A_159 = arith.muli %add3A_157, %mul3A_158 : i32
        %add3A_160 = arith.addi %add3A, %mul3A_159 : i32
        %dma_start3A_161 = tpu.memref_slice %arg2[%add3A_160] : memref<640000xi32, #tpu.memory_space<hbm>> -> memref<800xi32, #tpu.memory_space<hbm>>
        %dma_start3A_162 = tpu.memref_slice %arg2[%add3A_160] : memref<640000xi32, #tpu.memory_space<hbm>> -> memref<800xi32, #tpu.memory_space<hbm>>
        tpu.enqueue_dma source(%dma_start3A_162 : memref<800xi32, #tpu.memory_space<hbm>>) target(%arg8 : memref<800xi32, #tpu.memory_space<vmem>>) target_semaphore(%arg18 : memref<!tpu.dma_semaphore, #tpu.memory_space<semaphore_mem>>)
        %dma_start3A_163 = tpu.memref_slice %arg3[%add3A_160] : memref<640000xi32, #tpu.memory_space<hbm>> -> memref<800xi32, #tpu.memory_space<hbm>>
        %dma_start3A_164 = tpu.memref_slice %arg3[%add3A_160] : memref<640000xi32, #tpu.memory_space<hbm>> -> memref<800xi32, #tpu.memory_space<hbm>>
        tpu.enqueue_dma source(%dma_start3A_164 : memref<800xi32, #tpu.memory_space<hbm>>) target(%arg9 : memref<800xi32, #tpu.memory_space<vmem>>) target_semaphore(%arg19 : memref<!tpu.dma_semaphore, #tpu.memory_space<semaphore_mem>>)
        %dma_start3A_165 = tpu.memref_slice %arg4[%add3A_160] : memref<640000xi32, #tpu.memory_space<hbm>> -> memref<800xi32, #tpu.memory_space<hbm>>
        %dma_start3A_166 = tpu.memref_slice %arg4[%add3A_160] : memref<640000xi32, #tpu.memory_space<hbm>> -> memref<800xi32, #tpu.memory_space<hbm>>
        tpu.enqueue_dma source(%dma_start3A_166 : memref<800xi32, #tpu.memory_space<hbm>>) target(%arg10 : memref<800xi32, #tpu.memory_space<vmem>>) target_semaphore(%arg20 : memref<!tpu.dma_semaphore, #tpu.memory_space<semaphore_mem>>)
      } else {
      }
      %mul3A_148 = arith.constant 10 : i32
      %mul3A_149 = arith.muli %scan3A_55, %mul3A_148 : i32
      %add3A_150 = arith.addi %mul3A_12, %mul3A_149 : i32
      %mul3A_151 = arith.constant 3 : i32
      %mul3A_152 = arith.muli %add3A_150, %mul3A_151 : i32
      %mul3A_153 = arith.constant 80 : i32
      %mul3A_154 = arith.muli %mul3A_152, %mul3A_153 : i32
      "tpu.region"() ({
        %run_scoped3A = tpu.sem_alloc : memref<!tpu.dma_semaphore, #tpu.memory_space<semaphore_mem>>
        %dma_start3A_156 = tpu.memref_slice %arg5[%mul3A_154] : memref<1920000xi32, #tpu.memory_space<hbm>> -> memref<2400xi32, #tpu.memory_space<hbm>>
        %dma_start3A_157 = tpu.memref_slice %arg5[%mul3A_154] : memref<1920000xi32, #tpu.memory_space<hbm>> -> memref<2400xi32, #tpu.memory_space<hbm>>
        tpu.enqueue_dma source(%arg11 : memref<2400xi32, #tpu.memory_space<vmem>>) target(%dma_start3A_157 : memref<2400xi32, #tpu.memory_space<hbm>>) target_semaphore(%run_scoped3A : memref<!tpu.dma_semaphore, #tpu.memory_space<semaphore_mem>>)
        %dma_wait3A_158 = tpu.memref_slice %arg5[%mul3A_154] : memref<1920000xi32, #tpu.memory_space<hbm>> -> memref<2400xi32, #tpu.memory_space<hbm>>
        %dma_wait3A_159 = tpu.memref_slice %arg5[%mul3A_154] : memref<1920000xi32, #tpu.memory_space<hbm>> -> memref<2400xi32, #tpu.memory_space<hbm>>
        tpu.wait_dma2 semaphore(%run_scoped3A : memref<!tpu.dma_semaphore, #tpu.memory_space<semaphore_mem>>) src(%arg11 : memref<2400xi32, #tpu.memory_space<vmem>>) dst(%dma_wait3A_159 : memref<2400xi32, #tpu.memory_space<hbm>>)
        tpu.yield
      }) : () -> ()
      %scan3A_155 = arith.constant 0 : i32
      scf.yield %scan3A_155 : i32
    }
    %scan3A_41 = arith.constant 25 : i32
    %dma_wait3A = arith.constant 0 : i32
    %dma_wait3A_42 = tpu.memref_slice %arg7[%dma_wait3A] : memref<90112xf32, #tpu.memory_space<vmem_shared>> -> memref<90112xf32, #tpu.memory_space<vmem_shared>>
    tpu.wait_indirect_dma semaphore(%arg16 : memref<!tpu.dma_semaphore, #tpu.memory_space<semaphore_mem>>) src(%arg14 : memref<80xf32, #tpu.memory_space<vmem>>) dst(%dma_wait3A_42 : memref<90112xf32, #tpu.memory_space<vmem_shared>>)
    %dma_wait3A_43 = arith.constant 0 : i32
    %dma_wait3A_44 = tpu.memref_slice %arg7[%dma_wait3A_43] : memref<90112xf32, #tpu.memory_space<vmem_shared>> -> memref<90112xf32, #tpu.memory_space<vmem_shared>>
    tpu.wait_indirect_dma semaphore(%arg17 : memref<!tpu.dma_semaphore, #tpu.memory_space<semaphore_mem>>) src(%arg14 : memref<80xf32, #tpu.memory_space<vmem>>) dst(%dma_wait3A_44 : memref<90112xf32, #tpu.memory_space<vmem_shared>>)
    %barrier3A_45 = arith.constant 0 : index
    tpu.barrier barrier_id(%barrier3A_45)
    %mul3A_46 = arith.constant 5632 : i32
    %mul3A_47 = arith.muli %arg1, %mul3A_46 : i32
    "tpu.region"() ({
      %run_scoped3A = tpu.sem_alloc : memref<!tpu.dma_semaphore, #tpu.memory_space<semaphore_mem>>
      %dma_start3A_55 = tpu.memref_slice %arg7[%mul3A_47] : memref<90112xf32, #tpu.memory_space<vmem_shared>> -> memref<5632xf32, #tpu.memory_space<vmem_shared>>
      %dma_start3A_56 = tpu.memref_slice %arg7[%mul3A_47] : memref<90112xf32, #tpu.memory_space<vmem_shared>> -> memref<5632xf32, #tpu.memory_space<vmem_shared>>
      tpu.enqueue_dma source(%dma_start3A_56 : memref<5632xf32, #tpu.memory_space<vmem_shared>>) target(%arg15 : memref<5632xf32, #tpu.memory_space<vmem>>) target_semaphore(%run_scoped3A : memref<!tpu.dma_semaphore, #tpu.memory_space<semaphore_mem>>)
      %dma_wait3A_57 = tpu.memref_slice %arg7[%mul3A_47] : memref<90112xf32, #tpu.memory_space<vmem_shared>> -> memref<5632xf32, #tpu.memory_space<vmem_shared>>
      %dma_wait3A_58 = tpu.memref_slice %arg7[%mul3A_47] : memref<90112xf32, #tpu.memory_space<vmem_shared>> -> memref<5632xf32, #tpu.memory_space<vmem_shared>>
      tpu.wait_dma2 semaphore(%run_scoped3A : memref<!tpu.dma_semaphore, #tpu.memory_space<semaphore_mem>>) src(%dma_wait3A_58 : memref<5632xf32, #tpu.memory_space<vmem_shared>>) dst(%arg15 : memref<5632xf32, #tpu.memory_space<vmem>>)
      tpu.yield
    }) : () -> ()
    %parallel_loop3A = arith.constant 0 : i32
    %parallel_loop3A_48 = arith.constant 352 : i32
    %parallel_loop3A_49 = arith.constant 1 : i32
    scf.for %parallel_loop3A_55 = %parallel_loop3A to %parallel_loop3A_48 step %parallel_loop3A_49  : i32 {
      %parallel_loop3A_56 = arith.constant 16 : i32
      %parallel_loop3A_57 = arith.muli %parallel_loop3A_55, %parallel_loop3A_56 : i32
      %parallel_loop3A_58 = arith.index_cast %parallel_loop3A_57 : i32 to index
      %parallel_loop3A_59 = tpu.vector_load %arg15[%parallel_loop3A_58] {strides = array<i32>} : memref<5632xf32, #tpu.memory_space<vmem>>, vector<16xf32>,
      %parallel_loop3A_60 = arith.constant 1.000000e+00 : f32
      %parallel_loop3A_61 = vector.broadcast %parallel_loop3A_60 : f32 to vector<16xf32>
      %parallel_loop3A_62 = arith.maximumf %parallel_loop3A_59, %parallel_loop3A_61 : vector<16xf32>
      %parallel_loop3A_63 = arith.constant 1.000000e+00 : f32
      %parallel_loop3A_64 = vector.broadcast %parallel_loop3A_63 : f32 to vector<16xf32>
      %parallel_loop3A_65 = arith.divf %parallel_loop3A_64, %parallel_loop3A_62 : vector<16xf32>
      %parallel_loop3A_66 = arith.index_cast %parallel_loop3A_57 : i32 to index
      %parallel_loop3A_67 = tpu.vector_load %arg15[%parallel_loop3A_66] {strides = array<i32>} : memref<5632xf32, #tpu.memory_space<vmem>>, vector<16xf32>,
      tpu.vector_store %arg15[%parallel_loop3A_66], %parallel_loop3A_65 {strides = array<i32>} : memref<5632xf32, #tpu.memory_space<vmem>>, vector<16xf32>,
    } {sc.loop_unroll_factor = 2 : i64, sc.parallel_access}
    %mul3A_50 = arith.constant 90112 : i32
    %mul3A_51 = arith.muli %arg0, %mul3A_50 : i32
    %mul3A_52 = arith.constant 5632 : i32
    %mul3A_53 = arith.muli %arg1, %mul3A_52 : i32
    %add3A_54 = arith.addi %mul3A_51, %mul3A_53 : i32
    "tpu.region"() ({
      %run_scoped3A = tpu.sem_alloc : memref<!tpu.dma_semaphore, #tpu.memory_space<semaphore_mem>>
      %dma_start3A_55 = tpu.memref_slice %arg6[%add3A_54] : memref<180224xf32, #tpu.memory_space<hbm>> -> memref<5632xf32, #tpu.memory_space<hbm>>
      %dma_start3A_56 = tpu.memref_slice %arg6[%add3A_54] : memref<180224xf32, #tpu.memory_space<hbm>> -> memref<5632xf32, #tpu.memory_space<hbm>>
      tpu.enqueue_dma source(%arg15 : memref<5632xf32, #tpu.memory_space<vmem>>) target(%dma_start3A_56 : memref<5632xf32, #tpu.memory_space<hbm>>) target_semaphore(%run_scoped3A : memref<!tpu.dma_semaphore, #tpu.memory_space<semaphore_mem>>)
      %dma_wait3A_57 = tpu.memref_slice %arg6[%add3A_54] : memref<180224xf32, #tpu.memory_space<hbm>> -> memref<5632xf32, #tpu.memory_space<hbm>>
      %dma_wait3A_58 = tpu.memref_slice %arg6[%add3A_54] : memref<180224xf32, #tpu.memory_space<hbm>> -> memref<5632xf32, #tpu.memory_space<hbm>>
      tpu.wait_dma2 semaphore(%run_scoped3A : memref<!tpu.dma_semaphore, #tpu.memory_space<semaphore_mem>>) src(%arg15 : memref<5632xf32, #tpu.memory_space<vmem>>) dst(%dma_wait3A_58 : memref<5632xf32, #tpu.memory_space<hbm>>)
      tpu.yield
    }) : () -> ()
    return
  }
}

#map = affine_map<(d0, d1) -> (0, 0)>
#map1 = affine_map<(d0, d1) -> (0)>
#map2 = affine_map<(d0, d1) -> (0, 0, 0)>
module attributes {stable_mosaic.version = 14 : i64} {
  func.func @_sca_body(%arg0: i32, %arg1: i32, %arg2: memref<180000x128xf32, #tpu.memory_space<hbm>>, %arg3: memref<1920000xi32, #tpu.memory_space<hbm>>, %arg4: memref<180224xf32, #tpu.memory_space<hbm>>, %arg5: memref<2x10000x128xf32, #tpu.memory_space<hbm>>, %arg6: memref<10000x128xf32, #tpu.memory_space<vmem_shared>>, %arg7: memref<240xi32, #tpu.memory_space<vmem>>, %arg8: memref<240xi32, #tpu.memory_space<vmem>>, %arg9: memref<80xi32, #tpu.memory_space<vmem>>, %arg10: memref<80xi32, #tpu.memory_space<vmem>>, %arg11: memref<80xf32, #tpu.memory_space<vmem>>, %arg12: memref<80xf32, #tpu.memory_space<vmem>>, %arg13: memref<80x128xf32, #tpu.memory_space<vmem>>, %arg14: memref<80x128xf32, #tpu.memory_space<vmem>>, %arg15: memref<!tpu.dma_semaphore, #tpu.memory_space<semaphore_mem>>, %arg16: memref<!tpu.dma_semaphore, #tpu.memory_space<semaphore_mem>>, %arg17: memref<!tpu.dma_semaphore, #tpu.memory_space<semaphore_mem>>, %arg18: memref<!tpu.dma_semaphore, #tpu.memory_space<semaphore_mem>>, %arg19: memref<!tpu.dma_semaphore, #tpu.memory_space<semaphore_mem>>, %arg20: memref<!tpu.dma_semaphore, #tpu.memory_space<semaphore_mem>>, %arg21: memref<!tpu.dma_semaphore, #tpu.memory_space<semaphore_mem>>, %arg22: memref<!tpu.dma_semaphore, #tpu.memory_space<semaphore_mem>>) attributes {dimension_semantics = [#tpu.dimension_semantics<core_parallel>, #tpu.dimension_semantics<subcore_parallel>], iteration_bounds = array<i64: 2, 16>, scalar_prefetch = 0 : i64, scratch_operands = 17 : i64, tpu.core_type = #tpu.core_type<sc_vector_subcore>, window_params = [{transform_indices = #map}, {transform_indices = #map1}, {transform_indices = #map1}, {transform_indices = #map2}]} {
    %mul3A = arith.constant 16 : i32
    %mul3A_0 = arith.muli %arg0, %mul3A : i32
    %add3A = arith.addi %mul3A_0, %arg1 : i32
    %mul3A_1 = arith.constant 250 : i32
    %mul3A_2 = arith.muli %add3A, %mul3A_1 : i32
    %scan3A = arith.constant 0 : i32
    %scan3A_3 = arith.constant 0 : i32
    %scan3A_4 = arith.constant 640 : i32
    %scan3A_5 = arith.addi %scan3A_3, %scan3A_4 : i32
    %scan3A_6 = arith.constant 1 : i32
    %scan3A_7 = scf.for %scan3A_68 = %scan3A_3 to %scan3A_5 step %scan3A_6 iter_args(%scan3A_69 = %scan3A) -> (i32)  : i32 {
      %broadcast_in_dim3A = arith.constant 0.000000e+00 : f32
      %broadcast_in_dim3A_70 = vector.broadcast %broadcast_in_dim3A : f32 to vector<16xf32>
      %jit3A = arith.constant 8 : i32
      %div3A = arith.divsi %scan3A_68, %jit3A : i32
      %sign3A = arith.constant 0 : i32
      %sign3A_71 = arith.cmpi sgt, %scan3A_68, %sign3A : i32
      %sign3A_72 = arith.extui %sign3A_71 : i1 to i32
      %sign3A_73 = arith.constant 0 : i32
      %sign3A_74 = arith.cmpi slt, %scan3A_68, %sign3A_73 : i32
      %sign3A_75 = arith.extui %sign3A_74 : i1 to i32
      %sign3A_76 = arith.subi %sign3A_72, %sign3A_75 : i32
      %sign3A_77 = arith.constant 0 : i32
      %sign3A_78 = arith.cmpi sgt, %jit3A, %sign3A_77 : i32
      %sign3A_79 = arith.extui %sign3A_78 : i1 to i32
      %sign3A_80 = arith.constant 0 : i32
      %sign3A_81 = arith.cmpi slt, %jit3A, %sign3A_80 : i32
      %sign3A_82 = arith.extui %sign3A_81 : i1 to i32
      %sign3A_83 = arith.subi %sign3A_79, %sign3A_82 : i32
      %ne3A = arith.cmpi ne, %sign3A_76, %sign3A_83 : i32
      %rem3A = arith.remsi %scan3A_68, %jit3A : i32
      %ne3A_84 = arith.constant 0 : i32
      %ne3A_85 = arith.cmpi ne, %rem3A, %ne3A_84 : i32
      %and3A = arith.andi %ne3A, %ne3A_85 : i1
      %sub3A = arith.constant 1 : i32
      %sub3A_86 = arith.subi %div3A, %sub3A : i32
      %select_n3A = arith.select %and3A, %sub3A_86, %div3A : i32
      %jit3A_87 = arith.constant 8 : i32
      %eq3A = arith.constant 0 : i32
      %eq3A_88 = arith.cmpi eq, %jit3A_87, %eq3A : i32
      %jit3A_89 = arith.constant 1 : i32
      %select_n3A_90 = arith.select %eq3A_88, %jit3A_89, %jit3A_87 : i32
      %rem3A_91 = arith.remsi %scan3A_68, %select_n3A_90 : i32
      %ne3A_92 = arith.constant 0 : i32
      %ne3A_93 = arith.cmpi ne, %rem3A_91, %ne3A_92 : i32
      %lt3A = arith.constant 0 : i32
      %lt3A_94 = arith.cmpi slt, %rem3A_91, %lt3A : i32
      %lt3A_95 = arith.constant 0 : i32
      %lt3A_96 = arith.cmpi slt, %select_n3A_90, %lt3A_95 : i32
      %ne3A_97 = arith.xori %lt3A_94, %lt3A_96 : i1
      %and3A_98 = arith.andi %ne3A_97, %ne3A_93 : i1
      %add3A_99 = arith.addi %rem3A_91, %select_n3A_90 : i32
      %select_n3A_100 = arith.select %and3A_98, %add3A_99, %rem3A_91 : i32
      %mul3A_101 = arith.constant 16 : i32
      %mul3A_102 = arith.muli %select_n3A_100, %mul3A_101 : i32
      %swap3A = arith.index_cast %select_n3A : i32 to index
      %swap3A_103 = arith.index_cast %mul3A_102 : i32 to index
      %swap3A_104 = tpu.vector_load %arg13[%swap3A, %swap3A_103] {strides = array<i32>} : memref<80x128xf32, #tpu.memory_space<vmem>>, vector<16xf32>,
      tpu.vector_store %arg13[%swap3A, %swap3A_103], %broadcast_in_dim3A_70 {strides = array<i32>} : memref<80x128xf32, #tpu.memory_space<vmem>>, vector<16xf32>,
      %scan3A_105 = arith.constant 0 : i32
      scf.yield %scan3A_105 : i32
    }
    %scan3A_8 = arith.constant 640 : i32
    %scan3A_9 = arith.constant 0 : i32
    %scan3A_10 = arith.constant 0 : i32
    %scan3A_11 = arith.constant 8 : i32
    %scan3A_12 = arith.addi %scan3A_10, %scan3A_11 : i32
    %scan3A_13 = arith.constant 1 : i32
    %scan3A_14 = scf.for %scan3A_68 = %scan3A_10 to %scan3A_12 step %scan3A_13 iter_args(%scan3A_69 = %scan3A_9) -> (i32)  : i32 {
      %mul3A_70 = arith.constant 16 : i32
      %mul3A_71 = arith.muli %scan3A_68, %mul3A_70 : i32
      %add3A_72 = arith.addi %mul3A_71, %arg1 : i32
      %lt3A = arith.constant 125 : i32
      %lt3A_73 = arith.cmpi slt, %add3A_72, %lt3A : i32
      %convert_element_type3A = arith.extui %lt3A_73 : i1 to i32
      %cond3A = arith.constant 0 : i32
      %cond3A_74 = arith.cmpi ne, %convert_element_type3A, %cond3A : i32
      scf.if %cond3A_74 {
        %mul3A_76 = arith.constant 80 : i32
        %mul3A_77 = arith.muli %add3A_72, %mul3A_76 : i32
        "tpu.region"() ({
          %run_scoped3A = tpu.sem_alloc : memref<!tpu.dma_semaphore, #tpu.memory_space<semaphore_mem>>
          %dma_start3A_78 = arith.constant 0 : i32
          %dma_start3A_79 = tpu.memref_slice %arg6[%mul3A_77, %dma_start3A_78] : memref<10000x128xf32, #tpu.memory_space<vmem_shared>> -> memref<80x128xf32, #tpu.memory_space<vmem_shared>>
          %dma_start3A_80 = arith.constant 0 : i32
          %dma_start3A_81 = tpu.memref_slice %arg6[%mul3A_77, %dma_start3A_80] : memref<10000x128xf32, #tpu.memory_space<vmem_shared>> -> memref<80x128xf32, #tpu.memory_space<vmem_shared>>
          tpu.enqueue_dma source(%arg13 : memref<80x128xf32, #tpu.memory_space<vmem>>) target(%dma_start3A_81 : memref<80x128xf32, #tpu.memory_space<vmem_shared>>) target_semaphore(%run_scoped3A : memref<!tpu.dma_semaphore, #tpu.memory_space<semaphore_mem>>)
          %dma_wait3A_82 = arith.constant 0 : i32
          %dma_wait3A_83 = tpu.memref_slice %arg6[%mul3A_77, %dma_wait3A_82] : memref<10000x128xf32, #tpu.memory_space<vmem_shared>> -> memref<80x128xf32, #tpu.memory_space<vmem_shared>>
          %dma_wait3A_84 = arith.constant 0 : i32
          %dma_wait3A_85 = tpu.memref_slice %arg6[%mul3A_77, %dma_wait3A_84] : memref<10000x128xf32, #tpu.memory_space<vmem_shared>> -> memref<80x128xf32, #tpu.memory_space<vmem_shared>>
          tpu.wait_dma2 semaphore(%run_scoped3A : memref<!tpu.dma_semaphore, #tpu.memory_space<semaphore_mem>>) src(%arg13 : memref<80x128xf32, #tpu.memory_space<vmem>>) dst(%dma_wait3A_85 : memref<80x128xf32, #tpu.memory_space<vmem_shared>>)
          tpu.yield
        }) : () -> ()
      } else {
      }
      %scan3A_75 = arith.constant 0 : i32
      scf.yield %scan3A_75 : i32
    }
    %scan3A_15 = arith.constant 8 : i32
    %barrier3A = arith.constant 0 : index
    tpu.barrier barrier_id(%barrier3A)
    %add3A_16 = arith.constant 0 : i32
    %add3A_17 = arith.addi %mul3A_2, %add3A_16 : i32
    %mul3A_18 = arith.constant 3 : i32
    %mul3A_19 = arith.muli %add3A_17, %mul3A_18 : i32
    %mul3A_20 = arith.constant 80 : i32
    %mul3A_21 = arith.muli %mul3A_19, %mul3A_20 : i32
    %dma_start3A = tpu.memref_slice %arg3[%mul3A_21] : memref<1920000xi32, #tpu.memory_space<hbm>> -> memref<240xi32, #tpu.memory_space<hbm>>
    %dma_start3A_22 = tpu.memref_slice %arg3[%mul3A_21] : memref<1920000xi32, #tpu.memory_space<hbm>> -> memref<240xi32, #tpu.memory_space<hbm>>
    tpu.enqueue_dma source(%dma_start3A_22 : memref<240xi32, #tpu.memory_space<hbm>>) target(%arg7 : memref<240xi32, #tpu.memory_space<vmem>>) target_semaphore(%arg15 : memref<!tpu.dma_semaphore, #tpu.memory_space<semaphore_mem>>)
    %add3A_23 = arith.constant 1 : i32
    %add3A_24 = arith.addi %mul3A_2, %add3A_23 : i32
    %mul3A_25 = arith.constant 3 : i32
    %mul3A_26 = arith.muli %add3A_24, %mul3A_25 : i32
    %mul3A_27 = arith.constant 80 : i32
    %mul3A_28 = arith.muli %mul3A_26, %mul3A_27 : i32
    %dma_start3A_29 = tpu.memref_slice %arg3[%mul3A_28] : memref<1920000xi32, #tpu.memory_space<hbm>> -> memref<240xi32, #tpu.memory_space<hbm>>
    %dma_start3A_30 = tpu.memref_slice %arg3[%mul3A_28] : memref<1920000xi32, #tpu.memory_space<hbm>> -> memref<240xi32, #tpu.memory_space<hbm>>
    tpu.enqueue_dma source(%dma_start3A_30 : memref<240xi32, #tpu.memory_space<hbm>>) target(%arg8 : memref<240xi32, #tpu.memory_space<vmem>>) target_semaphore(%arg16 : memref<!tpu.dma_semaphore, #tpu.memory_space<semaphore_mem>>)
    %add3A_31 = arith.constant 0 : i32
    %add3A_32 = arith.addi %mul3A_2, %add3A_31 : i32
    %mul3A_33 = arith.constant 3 : i32
    %mul3A_34 = arith.muli %add3A_32, %mul3A_33 : i32
    %mul3A_35 = arith.constant 80 : i32
    %mul3A_36 = arith.muli %mul3A_34, %mul3A_35 : i32
    %dma_wait3A = tpu.memref_slice %arg3[%mul3A_36] : memref<1920000xi32, #tpu.memory_space<hbm>> -> memref<240xi32, #tpu.memory_space<hbm>>
    %dma_wait3A_37 = tpu.memref_slice %arg3[%mul3A_36] : memref<1920000xi32, #tpu.memory_space<hbm>> -> memref<240xi32, #tpu.memory_space<hbm>>
    tpu.wait_dma2 semaphore(%arg15 : memref<!tpu.dma_semaphore, #tpu.memory_space<semaphore_mem>>) src(%dma_wait3A_37 : memref<240xi32, #tpu.memory_space<hbm>>) dst(%arg7 : memref<240xi32, #tpu.memory_space<vmem>>)
    %dma_start3A_38 = arith.constant 0 : i32
    %dma_start3A_39 = tpu.memref_slice %arg7[%dma_start3A_38] : memref<240xi32, #tpu.memory_space<vmem>> -> memref<80xi32, #tpu.memory_space<vmem>>
    %dma_start3A_40 = arith.constant 0 : i32
    %dma_start3A_41 = arith.constant 0 : i32
    %dma_start3A_42 = tpu.memref_slice %arg2[%dma_start3A_40, %dma_start3A_41] : memref<180000x128xf32, #tpu.memory_space<hbm>> -> memref<180000x128xf32, #tpu.memory_space<hbm>>
    tpu.enqueue_indirect_dma source(%dma_start3A_42 : memref<180000x128xf32, #tpu.memory_space<hbm>>) target(%arg13 : memref<80x128xf32, #tpu.memory_space<vmem>>) offsets(%dma_start3A_39 : memref<80xi32, #tpu.memory_space<vmem>>) semaphore(%arg17 : memref<!tpu.dma_semaphore, #tpu.memory_space<semaphore_mem>>)
    %dma_start3A_43 = arith.constant 80 : i32
    %dma_start3A_44 = tpu.memref_slice %arg7[%dma_start3A_43] : memref<240xi32, #tpu.memory_space<vmem>> -> memref<80xi32, #tpu.memory_space<vmem>>
    %dma_start3A_45 = arith.constant 0 : i32
    %dma_start3A_46 = tpu.memref_slice %arg4[%dma_start3A_45] : memref<180224xf32, #tpu.memory_space<hbm>> -> memref<180224xf32, #tpu.memory_space<hbm>>
    tpu.enqueue_indirect_dma source(%dma_start3A_46 : memref<180224xf32, #tpu.memory_space<hbm>>) target(%arg11 : memref<80xf32, #tpu.memory_space<vmem>>) offsets(%dma_start3A_44 : memref<80xi32, #tpu.memory_space<vmem>>) semaphore(%arg19 : memref<!tpu.dma_semaphore, #tpu.memory_space<semaphore_mem>>)
    %scan3A_47 = arith.constant 0 : i32
    %scan3A_48 = arith.constant 0 : i32
    %scan3A_49 = arith.constant 125 : i32
    %scan3A_50 = arith.addi %scan3A_48, %scan3A_49 : i32
    %scan3A_51 = arith.constant 1 : i32
    %scan3A_52 = scf.for %scan3A_68 = %scan3A_48 to %scan3A_50 step %scan3A_51 iter_args(%scan3A_69 = %scan3A_47) -> (i32)  : i32 {
      %mul3A_70 = arith.constant 2 : i32
      %mul3A_71 = arith.muli %mul3A_70, %scan3A_68 : i32
      %mul3A_72 = arith.constant 2 : i32
      %mul3A_73 = arith.muli %mul3A_72, %scan3A_68 : i32
      %add3A_74 = arith.constant 1 : i32
      %add3A_75 = arith.addi %mul3A_73, %add3A_74 : i32
      %add3A_76 = arith.addi %mul3A_2, %add3A_75 : i32
      %mul3A_77 = arith.constant 3 : i32
      %mul3A_78 = arith.muli %add3A_76, %mul3A_77 : i32
      %mul3A_79 = arith.constant 80 : i32
      %mul3A_80 = arith.muli %mul3A_78, %mul3A_79 : i32
      %dma_wait3A_81 = tpu.memref_slice %arg3[%mul3A_80] : memref<1920000xi32, #tpu.memory_space<hbm>> -> memref<240xi32, #tpu.memory_space<hbm>>
      %dma_wait3A_82 = tpu.memref_slice %arg3[%mul3A_80] : memref<1920000xi32, #tpu.memory_space<hbm>> -> memref<240xi32, #tpu.memory_space<hbm>>
      tpu.wait_dma2 semaphore(%arg16 : memref<!tpu.dma_semaphore, #tpu.memory_space<semaphore_mem>>) src(%dma_wait3A_82 : memref<240xi32, #tpu.memory_space<hbm>>) dst(%arg8 : memref<240xi32, #tpu.memory_space<vmem>>)
      %gt3A = arith.constant 0 : i32
      %gt3A_83 = arith.cmpi sgt, %scan3A_68, %gt3A : i32
      %convert_element_type3A = arith.extui %gt3A_83 : i1 to i32
      %cond3A = arith.constant 0 : i32
      %cond3A_84 = arith.cmpi ne, %convert_element_type3A, %cond3A : i32
      scf.if %cond3A_84 {
        %dma_wait3A_150 = arith.constant 0 : i32
        %dma_wait3A_151 = arith.constant 0 : i32
        %dma_wait3A_152 = tpu.memref_slice %arg6[%dma_wait3A_150, %dma_wait3A_151] : memref<10000x128xf32, #tpu.memory_space<vmem_shared>> -> memref<10000x128xf32, #tpu.memory_space<vmem_shared>>
        tpu.wait_indirect_dma semaphore(%arg22 : memref<!tpu.dma_semaphore, #tpu.memory_space<semaphore_mem>>) src(%arg14 : memref<80x128xf32, #tpu.memory_space<vmem>>) dst(%dma_wait3A_152 : memref<10000x128xf32, #tpu.memory_space<vmem_shared>>)
      } else {
      }
      %dma_start3A_85 = arith.constant 0 : i32
      %dma_start3A_86 = tpu.memref_slice %arg8[%dma_start3A_85] : memref<240xi32, #tpu.memory_space<vmem>> -> memref<80xi32, #tpu.memory_space<vmem>>
      %dma_start3A_87 = arith.constant 0 : i32
      %dma_start3A_88 = arith.constant 0 : i32
      %dma_start3A_89 = tpu.memref_slice %arg2[%dma_start3A_87, %dma_start3A_88] : memref<180000x128xf32, #tpu.memory_space<hbm>> -> memref<180000x128xf32, #tpu.memory_space<hbm>>
      tpu.enqueue_indirect_dma source(%dma_start3A_89 : memref<180000x128xf32, #tpu.memory_space<hbm>>) target(%arg14 : memref<80x128xf32, #tpu.memory_space<vmem>>) offsets(%dma_start3A_86 : memref<80xi32, #tpu.memory_space<vmem>>) semaphore(%arg18 : memref<!tpu.dma_semaphore, #tpu.memory_space<semaphore_mem>>)
      %dma_start3A_90 = arith.constant 80 : i32
      %dma_start3A_91 = tpu.memref_slice %arg8[%dma_start3A_90] : memref<240xi32, #tpu.memory_space<vmem>> -> memref<80xi32, #tpu.memory_space<vmem>>
      %dma_start3A_92 = arith.constant 0 : i32
      %dma_start3A_93 = tpu.memref_slice %arg4[%dma_start3A_92] : memref<180224xf32, #tpu.memory_space<hbm>> -> memref<180224xf32, #tpu.memory_space<hbm>>
      tpu.enqueue_indirect_dma source(%dma_start3A_93 : memref<180224xf32, #tpu.memory_space<hbm>>) target(%arg12 : memref<80xf32, #tpu.memory_space<vmem>>) offsets(%dma_start3A_91 : memref<80xi32, #tpu.memory_space<vmem>>) semaphore(%arg20 : memref<!tpu.dma_semaphore, #tpu.memory_space<semaphore_mem>>)
      %dma_wait3A_94 = arith.constant 0 : i32
      %dma_wait3A_95 = tpu.memref_slice %arg7[%dma_wait3A_94] : memref<240xi32, #tpu.memory_space<vmem>> -> memref<80xi32, #tpu.memory_space<vmem>>
      %dma_wait3A_96 = arith.constant 0 : i32
      %dma_wait3A_97 = arith.constant 0 : i32
      %dma_wait3A_98 = tpu.memref_slice %arg2[%dma_wait3A_96, %dma_wait3A_97] : memref<180000x128xf32, #tpu.memory_space<hbm>> -> memref<180000x128xf32, #tpu.memory_space<hbm>>
      tpu.wait_indirect_dma semaphore(%arg17 : memref<!tpu.dma_semaphore, #tpu.memory_space<semaphore_mem>>) src(%dma_wait3A_98 : memref<180000x128xf32, #tpu.memory_space<hbm>>) dst(%arg13 : memref<80x128xf32, #tpu.memory_space<vmem>>)
      %dma_wait3A_99 = arith.constant 80 : i32
      %dma_wait3A_100 = tpu.memref_slice %arg7[%dma_wait3A_99] : memref<240xi32, #tpu.memory_space<vmem>> -> memref<80xi32, #tpu.memory_space<vmem>>
      %dma_wait3A_101 = arith.constant 0 : i32
      %dma_wait3A_102 = tpu.memref_slice %arg4[%dma_wait3A_101] : memref<180224xf32, #tpu.memory_space<hbm>> -> memref<180224xf32, #tpu.memory_space<hbm>>
      tpu.wait_indirect_dma semaphore(%arg19 : memref<!tpu.dma_semaphore, #tpu.memory_space<semaphore_mem>>) src(%dma_wait3A_102 : memref<180224xf32, #tpu.memory_space<hbm>>) dst(%arg11 : memref<80xf32, #tpu.memory_space<vmem>>)
      %parallel_loop3A = arith.constant 0 : i32
      %parallel_loop3A_103 = arith.constant 5 : i32
      %parallel_loop3A_104 = arith.constant 1 : i32
      scf.for %parallel_loop3A_150 = %parallel_loop3A to %parallel_loop3A_103 step %parallel_loop3A_104  : i32 {
        %parallel_loop3A_151 = arith.constant 16 : i32
        %parallel_loop3A_152 = arith.muli %parallel_loop3A_150, %parallel_loop3A_151 : i32
        %parallel_loop3A_153 = arith.constant 160 : i32
        %parallel_loop3A_154 = arith.addi %parallel_loop3A_153, %parallel_loop3A_152 : i32
        %parallel_loop3A_155 = arith.index_cast %parallel_loop3A_154 : i32 to index
        %parallel_loop3A_156 = tpu.vector_load %arg7[%parallel_loop3A_155] {strides = array<i32>} : memref<240xi32, #tpu.memory_space<vmem>>, vector<16xi32>,
        %parallel_loop3A_157 = arith.constant 16 : i32
        %parallel_loop3A_158 = arith.muli %parallel_loop3A_150, %parallel_loop3A_157 : i32
        %parallel_loop3A_159 = arith.index_cast %parallel_loop3A_158 : i32 to index
        %parallel_loop3A_160 = tpu.vector_load %arg9[%parallel_loop3A_159] {strides = array<i32>} : memref<80xi32, #tpu.memory_space<vmem>>, vector<16xi32>,
        tpu.vector_store %arg9[%parallel_loop3A_159], %parallel_loop3A_156 {strides = array<i32>} : memref<80xi32, #tpu.memory_space<vmem>>, vector<16xi32>,
      } {sc.loop_unroll_factor = 1 : i64, sc.parallel_access}
      %add3A_105 = arith.constant 2 : i32
      %add3A_106 = arith.addi %mul3A_71, %add3A_105 : i32
      %lt3A = arith.constant 250 : i32
      %lt3A_107 = arith.cmpi slt, %add3A_106, %lt3A : i32
      %convert_element_type3A_108 = arith.extui %lt3A_107 : i1 to i32
      %cond3A_109 = arith.constant 0 : i32
      %cond3A_110 = arith.cmpi ne, %convert_element_type3A_108, %cond3A_109 : i32
      scf.if %cond3A_110 {
        %add3A_150 = arith.constant 2 : i32
        %add3A_151 = arith.addi %mul3A_71, %add3A_150 : i32
        %add3A_152 = arith.addi %mul3A_2, %add3A_151 : i32
        %mul3A_153 = arith.constant 3 : i32
        %mul3A_154 = arith.muli %add3A_152, %mul3A_153 : i32
        %mul3A_155 = arith.constant 80 : i32
        %mul3A_156 = arith.muli %mul3A_154, %mul3A_155 : i32
        %dma_start3A_157 = tpu.memref_slice %arg3[%mul3A_156] : memref<1920000xi32, #tpu.memory_space<hbm>> -> memref<240xi32, #tpu.memory_space<hbm>>
        %dma_start3A_158 = tpu.memref_slice %arg3[%mul3A_156] : memref<1920000xi32, #tpu.memory_space<hbm>> -> memref<240xi32, #tpu.memory_space<hbm>>
        tpu.enqueue_dma source(%dma_start3A_158 : memref<240xi32, #tpu.memory_space<hbm>>) target(%arg7 : memref<240xi32, #tpu.memory_space<vmem>>) target_semaphore(%arg15 : memref<!tpu.dma_semaphore, #tpu.memory_space<semaphore_mem>>)
      } else {
      }
      %parallel_loop3A_111 = arith.constant 0 : i32
      %parallel_loop3A_112 = arith.constant 80 : i32
      %parallel_loop3A_113 = arith.constant 1 : i32
      scf.for %parallel_loop3A_150 = %parallel_loop3A_111 to %parallel_loop3A_112 step %parallel_loop3A_113  : i32 {
        %parallel_loop3A_151 = vector.broadcast %parallel_loop3A_150 : i32 to vector<16xi32>
        %parallel_loop3A_152 = tpu.vector_load_idx %arg11[%parallel_loop3A_151] : memref<80xf32, #tpu.memory_space<vmem>>[vector<16xi32>], vector<16xf32>,
        %parallel_loop3A_153 = arith.index_cast %parallel_loop3A_150 : i32 to index
        %parallel_loop3A_154 = arith.constant 0 : index
        %parallel_loop3A_155 = tpu.vector_load %arg13[%parallel_loop3A_153, %parallel_loop3A_154] {strides = array<i32>} : memref<80x128xf32, #tpu.memory_space<vmem>>, vector<16xf32>,
        %parallel_loop3A_156 = arith.mulf %parallel_loop3A_155, %parallel_loop3A_152 : vector<16xf32>
        %parallel_loop3A_157 = arith.index_cast %parallel_loop3A_150 : i32 to index
        %parallel_loop3A_158 = arith.constant 0 : index
        %parallel_loop3A_159 = tpu.vector_load %arg13[%parallel_loop3A_157, %parallel_loop3A_158] {strides = array<i32>} : memref<80x128xf32, #tpu.memory_space<vmem>>, vector<16xf32>,
        tpu.vector_store %arg13[%parallel_loop3A_157, %parallel_loop3A_158], %parallel_loop3A_156 {strides = array<i32>} : memref<80x128xf32, #tpu.memory_space<vmem>>, vector<16xf32>,
        %parallel_loop3A_160 = arith.index_cast %parallel_loop3A_150 : i32 to index
        %parallel_loop3A_161 = arith.constant 16 : index
        %parallel_loop3A_162 = tpu.vector_load %arg13[%parallel_loop3A_160, %parallel_loop3A_161] {strides = array<i32>} : memref<80x128xf32, #tpu.memory_space<vmem>>, vector<16xf32>,
        %parallel_loop3A_163 = arith.mulf %parallel_loop3A_162, %parallel_loop3A_152 : vector<16xf32>
        %parallel_loop3A_164 = arith.index_cast %parallel_loop3A_150 : i32 to index
        %parallel_loop3A_165 = arith.constant 16 : index
        %parallel_loop3A_166 = tpu.vector_load %arg13[%parallel_loop3A_164, %parallel_loop3A_165] {strides = array<i32>} : memref<80x128xf32, #tpu.memory_space<vmem>>, vector<16xf32>,
        tpu.vector_store %arg13[%parallel_loop3A_164, %parallel_loop3A_165], %parallel_loop3A_163 {strides = array<i32>} : memref<80x128xf32, #tpu.memory_space<vmem>>, vector<16xf32>,
        %parallel_loop3A_167 = arith.index_cast %parallel_loop3A_150 : i32 to index
        %parallel_loop3A_168 = arith.constant 32 : index
        %parallel_loop3A_169 = tpu.vector_load %arg13[%parallel_loop3A_167, %parallel_loop3A_168] {strides = array<i32>} : memref<80x128xf32, #tpu.memory_space<vmem>>, vector<16xf32>,
        %parallel_loop3A_170 = arith.mulf %parallel_loop3A_169, %parallel_loop3A_152 : vector<16xf32>
        %parallel_loop3A_171 = arith.index_cast %parallel_loop3A_150 : i32 to index
        %parallel_loop3A_172 = arith.constant 32 : index
        %parallel_loop3A_173 = tpu.vector_load %arg13[%parallel_loop3A_171, %parallel_loop3A_172] {strides = array<i32>} : memref<80x128xf32, #tpu.memory_space<vmem>>, vector<16xf32>,
        tpu.vector_store %arg13[%parallel_loop3A_171, %parallel_loop3A_172], %parallel_loop3A_170 {strides = array<i32>} : memref<80x128xf32, #tpu.memory_space<vmem>>, vector<16xf32>,
        %parallel_loop3A_174 = arith.index_cast %parallel_loop3A_150 : i32 to index
        %parallel_loop3A_175 = arith.constant 48 : index
        %parallel_loop3A_176 = tpu.vector_load %arg13[%parallel_loop3A_174, %parallel_loop3A_175] {strides = array<i32>} : memref<80x128xf32, #tpu.memory_space<vmem>>, vector<16xf32>,
        %parallel_loop3A_177 = arith.mulf %parallel_loop3A_176, %parallel_loop3A_152 : vector<16xf32>
        %parallel_loop3A_178 = arith.index_cast %parallel_loop3A_150 : i32 to index
        %parallel_loop3A_179 = arith.constant 48 : index
        %parallel_loop3A_180 = tpu.vector_load %arg13[%parallel_loop3A_178, %parallel_loop3A_179] {strides = array<i32>} : memref<80x128xf32, #tpu.memory_space<vmem>>, vector<16xf32>,
        tpu.vector_store %arg13[%parallel_loop3A_178, %parallel_loop3A_179], %parallel_loop3A_177 {strides = array<i32>} : memref<80x128xf32, #tpu.memory_space<vmem>>, vector<16xf32>,
        %parallel_loop3A_181 = arith.index_cast %parallel_loop3A_150 : i32 to index
        %parallel_loop3A_182 = arith.constant 64 : index
        %parallel_loop3A_183 = tpu.vector_load %arg13[%parallel_loop3A_181, %parallel_loop3A_182] {strides = array<i32>} : memref<80x128xf32, #tpu.memory_space<vmem>>, vector<16xf32>,
        %parallel_loop3A_184 = arith.mulf %parallel_loop3A_183, %parallel_loop3A_152 : vector<16xf32>
        %parallel_loop3A_185 = arith.index_cast %parallel_loop3A_150 : i32 to index
        %parallel_loop3A_186 = arith.constant 64 : index
        %parallel_loop3A_187 = tpu.vector_load %arg13[%parallel_loop3A_185, %parallel_loop3A_186] {strides = array<i32>} : memref<80x128xf32, #tpu.memory_space<vmem>>, vector<16xf32>,
        tpu.vector_store %arg13[%parallel_loop3A_185, %parallel_loop3A_186], %parallel_loop3A_184 {strides = array<i32>} : memref<80x128xf32, #tpu.memory_space<vmem>>, vector<16xf32>,
        %parallel_loop3A_188 = arith.index_cast %parallel_loop3A_150 : i32 to index
        %parallel_loop3A_189 = arith.constant 80 : index
        %parallel_loop3A_190 = tpu.vector_load %arg13[%parallel_loop3A_188, %parallel_loop3A_189] {strides = array<i32>} : memref<80x128xf32, #tpu.memory_space<vmem>>, vector<16xf32>,
        %parallel_loop3A_191 = arith.mulf %parallel_loop3A_190, %parallel_loop3A_152 : vector<16xf32>
        %parallel_loop3A_192 = arith.index_cast %parallel_loop3A_150 : i32 to index
        %parallel_loop3A_193 = arith.constant 80 : index
        %parallel_loop3A_194 = tpu.vector_load %arg13[%parallel_loop3A_192, %parallel_loop3A_193] {strides = array<i32>} : memref<80x128xf32, #tpu.memory_space<vmem>>, vector<16xf32>,
        tpu.vector_store %arg13[%parallel_loop3A_192, %parallel_loop3A_193], %parallel_loop3A_191 {strides = array<i32>} : memref<80x128xf32, #tpu.memory_space<vmem>>, vector<16xf32>,
        %parallel_loop3A_195 = arith.index_cast %parallel_loop3A_150 : i32 to index
        %parallel_loop3A_196 = arith.constant 96 : index
        %parallel_loop3A_197 = tpu.vector_load %arg13[%parallel_loop3A_195, %parallel_loop3A_196] {strides = array<i32>} : memref<80x128xf32, #tpu.memory_space<vmem>>, vector<16xf32>,
        %parallel_loop3A_198 = arith.mulf %parallel_loop3A_197, %parallel_loop3A_152 : vector<16xf32>
        %parallel_loop3A_199 = arith.index_cast %parallel_loop3A_150 : i32 to index
        %parallel_loop3A_200 = arith.constant 96 : index
        %parallel_loop3A_201 = tpu.vector_load %arg13[%parallel_loop3A_199, %parallel_loop3A_200] {strides = array<i32>} : memref<80x128xf32, #tpu.memory_space<vmem>>, vector<16xf32>,
        tpu.vector_store %arg13[%parallel_loop3A_199, %parallel_loop3A_200], %parallel_loop3A_198 {strides = array<i32>} : memref<80x128xf32, #tpu.memory_space<vmem>>, vector<16xf32>,
        %parallel_loop3A_202 = arith.index_cast %parallel_loop3A_150 : i32 to index
        %parallel_loop3A_203 = arith.constant 112 : index
        %parallel_loop3A_204 = tpu.vector_load %arg13[%parallel_loop3A_202, %parallel_loop3A_203] {strides = array<i32>} : memref<80x128xf32, #tpu.memory_space<vmem>>, vector<16xf32>,
        %parallel_loop3A_205 = arith.mulf %parallel_loop3A_204, %parallel_loop3A_152 : vector<16xf32>
        %parallel_loop3A_206 = arith.index_cast %parallel_loop3A_150 : i32 to index
        %parallel_loop3A_207 = arith.constant 112 : index
        %parallel_loop3A_208 = tpu.vector_load %arg13[%parallel_loop3A_206, %parallel_loop3A_207] {strides = array<i32>} : memref<80x128xf32, #tpu.memory_space<vmem>>, vector<16xf32>,
        tpu.vector_store %arg13[%parallel_loop3A_206, %parallel_loop3A_207], %parallel_loop3A_205 {strides = array<i32>} : memref<80x128xf32, #tpu.memory_space<vmem>>, vector<16xf32>,
      } {sc.loop_unroll_factor = 4 : i64, sc.parallel_access}
      %dma_start3A_114 = arith.constant 0 : i32
      %dma_start3A_115 = arith.constant 0 : i32
      %dma_start3A_116 = tpu.memref_slice %arg6[%dma_start3A_114, %dma_start3A_115] : memref<10000x128xf32, #tpu.memory_space<vmem_shared>> -> memref<10000x128xf32, #tpu.memory_space<vmem_shared>>
      tpu.enqueue_indirect_dma source(%arg13 : memref<80x128xf32, #tpu.memory_space<vmem>>) target(%dma_start3A_116 : memref<10000x128xf32, #tpu.memory_space<vmem_shared>>) offsets(%arg9 : memref<80xi32, #tpu.memory_space<vmem>>) semaphore(%arg21 : memref<!tpu.dma_semaphore, #tpu.memory_space<semaphore_mem>>) {add = true}
      %add3A_117 = arith.constant 2 : i32
      %add3A_118 = arith.addi %mul3A_71, %add3A_117 : i32
      %lt3A_119 = arith.constant 250 : i32
      %lt3A_120 = arith.cmpi slt, %add3A_118, %lt3A_119 : i32
      %convert_element_type3A_121 = arith.extui %lt3A_120 : i1 to i32
      %cond3A_122 = arith.constant 0 : i32
      %cond3A_123 = arith.cmpi ne, %convert_element_type3A_121, %cond3A_122 : i32
      scf.if %cond3A_123 {
        %add3A_150 = arith.constant 2 : i32
        %add3A_151 = arith.addi %mul3A_71, %add3A_150 : i32
        %add3A_152 = arith.addi %mul3A_2, %add3A_151 : i32
        %mul3A_153 = arith.constant 3 : i32
        %mul3A_154 = arith.muli %add3A_152, %mul3A_153 : i32
        %mul3A_155 = arith.constant 80 : i32
        %mul3A_156 = arith.muli %mul3A_154, %mul3A_155 : i32
        %dma_wait3A_157 = tpu.memref_slice %arg3[%mul3A_156] : memref<1920000xi32, #tpu.memory_space<hbm>> -> memref<240xi32, #tpu.memory_space<hbm>>
        %dma_wait3A_158 = tpu.memref_slice %arg3[%mul3A_156] : memref<1920000xi32, #tpu.memory_space<hbm>> -> memref<240xi32, #tpu.memory_space<hbm>>
        tpu.wait_dma2 semaphore(%arg15 : memref<!tpu.dma_semaphore, #tpu.memory_space<semaphore_mem>>) src(%dma_wait3A_158 : memref<240xi32, #tpu.memory_space<hbm>>) dst(%arg7 : memref<240xi32, #tpu.memory_space<vmem>>)
        %dma_wait3A_159 = arith.constant 0 : i32
        %dma_wait3A_160 = arith.constant 0 : i32
        %dma_wait3A_161 = tpu.memref_slice %arg6[%dma_wait3A_159, %dma_wait3A_160] : memref<10000x128xf32, #tpu.memory_space<vmem_shared>> -> memref<10000x128xf32, #tpu.memory_space<vmem_shared>>
        tpu.wait_indirect_dma semaphore(%arg21 : memref<!tpu.dma_semaphore, #tpu.memory_space<semaphore_mem>>) src(%arg13 : memref<80x128xf32, #tpu.memory_space<vmem>>) dst(%dma_wait3A_161 : memref<10000x128xf32, #tpu.memory_space<vmem_shared>>)
        %dma_start3A_162 = arith.constant 0 : i32
        %dma_start3A_163 = tpu.memref_slice %arg7[%dma_start3A_162] : memref<240xi32, #tpu.memory_space<vmem>> -> memref<80xi32, #tpu.memory_space<vmem>>
        %dma_start3A_164 = arith.constant 0 : i32
        %dma_start3A_165 = arith.constant 0 : i32
        %dma_start3A_166 = tpu.memref_slice %arg2[%dma_start3A_164, %dma_start3A_165] : memref<180000x128xf32, #tpu.memory_space<hbm>> -> memref<180000x128xf32, #tpu.memory_space<hbm>>
        tpu.enqueue_indirect_dma source(%dma_start3A_166 : memref<180000x128xf32, #tpu.memory_space<hbm>>) target(%arg13 : memref<80x128xf32, #tpu.memory_space<vmem>>) offsets(%dma_start3A_163 : memref<80xi32, #tpu.memory_space<vmem>>) semaphore(%arg17 : memref<!tpu.dma_semaphore, #tpu.memory_space<semaphore_mem>>)
        %dma_start3A_167 = arith.constant 80 : i32
        %dma_start3A_168 = tpu.memref_slice %arg7[%dma_start3A_167] : memref<240xi32, #tpu.memory_space<vmem>> -> memref<80xi32, #tpu.memory_space<vmem>>
        %dma_start3A_169 = arith.constant 0 : i32
        %dma_start3A_170 = tpu.memref_slice %arg4[%dma_start3A_169] : memref<180224xf32, #tpu.memory_space<hbm>> -> memref<180224xf32, #tpu.memory_space<hbm>>
        tpu.enqueue_indirect_dma source(%dma_start3A_170 : memref<180224xf32, #tpu.memory_space<hbm>>) target(%arg11 : memref<80xf32, #tpu.memory_space<vmem>>) offsets(%dma_start3A_168 : memref<80xi32, #tpu.memory_space<vmem>>) semaphore(%arg19 : memref<!tpu.dma_semaphore, #tpu.memory_space<semaphore_mem>>)
      } else {
      }
      %dma_wait3A_124 = arith.constant 0 : i32
      %dma_wait3A_125 = tpu.memref_slice %arg8[%dma_wait3A_124] : memref<240xi32, #tpu.memory_space<vmem>> -> memref<80xi32, #tpu.memory_space<vmem>>
      %dma_wait3A_126 = arith.constant 0 : i32
      %dma_wait3A_127 = arith.constant 0 : i32
      %dma_wait3A_128 = tpu.memref_slice %arg2[%dma_wait3A_126, %dma_wait3A_127] : memref<180000x128xf32, #tpu.memory_space<hbm>> -> memref<180000x128xf32, #tpu.memory_space<hbm>>
      tpu.wait_indirect_dma semaphore(%arg18 : memref<!tpu.dma_semaphore, #tpu.memory_space<semaphore_mem>>) src(%dma_wait3A_128 : memref<180000x128xf32, #tpu.memory_space<hbm>>) dst(%arg14 : memref<80x128xf32, #tpu.memory_space<vmem>>)
      %dma_wait3A_129 = arith.constant 80 : i32
      %dma_wait3A_130 = tpu.memref_slice %arg8[%dma_wait3A_129] : memref<240xi32, #tpu.memory_space<vmem>> -> memref<80xi32, #tpu.memory_space<vmem>>
      %dma_wait3A_131 = arith.constant 0 : i32
      %dma_wait3A_132 = tpu.memref_slice %arg4[%dma_wait3A_131] : memref<180224xf32, #tpu.memory_space<hbm>> -> memref<180224xf32, #tpu.memory_space<hbm>>
      tpu.wait_indirect_dma semaphore(%arg20 : memref<!tpu.dma_semaphore, #tpu.memory_space<semaphore_mem>>) src(%dma_wait3A_132 : memref<180224xf32, #tpu.memory_space<hbm>>) dst(%arg12 : memref<80xf32, #tpu.memory_space<vmem>>)
      %parallel_loop3A_133 = arith.constant 0 : i32
      %parallel_loop3A_134 = arith.constant 5 : i32
      %parallel_loop3A_135 = arith.constant 1 : i32
      scf.for %parallel_loop3A_150 = %parallel_loop3A_133 to %parallel_loop3A_134 step %parallel_loop3A_135  : i32 {
        %parallel_loop3A_151 = arith.constant 16 : i32
        %parallel_loop3A_152 = arith.muli %parallel_loop3A_150, %parallel_loop3A_151 : i32
        %parallel_loop3A_153 = arith.constant 160 : i32
        %parallel_loop3A_154 = arith.addi %parallel_loop3A_153, %parallel_loop3A_152 : i32
        %parallel_loop3A_155 = arith.index_cast %parallel_loop3A_154 : i32 to index
        %parallel_loop3A_156 = tpu.vector_load %arg8[%parallel_loop3A_155] {strides = array<i32>} : memref<240xi32, #tpu.memory_space<vmem>>, vector<16xi32>,
        %parallel_loop3A_157 = arith.constant 16 : i32
        %parallel_loop3A_158 = arith.muli %parallel_loop3A_150, %parallel_loop3A_157 : i32
        %parallel_loop3A_159 = arith.index_cast %parallel_loop3A_158 : i32 to index
        %parallel_loop3A_160 = tpu.vector_load %arg10[%parallel_loop3A_159] {strides = array<i32>} : memref<80xi32, #tpu.memory_space<vmem>>, vector<16xi32>,
        tpu.vector_store %arg10[%parallel_loop3A_159], %parallel_loop3A_156 {strides = array<i32>} : memref<80xi32, #tpu.memory_space<vmem>>, vector<16xi32>,
      } {sc.loop_unroll_factor = 1 : i64, sc.parallel_access}
      %add3A_136 = arith.constant 2 : i32
      %add3A_137 = arith.addi %add3A_75, %add3A_136 : i32
      %lt3A_138 = arith.constant 250 : i32
      %lt3A_139 = arith.cmpi slt, %add3A_137, %lt3A_138 : i32
      %convert_element_type3A_140 = arith.extui %lt3A_139 : i1 to i32
      %cond3A_141 = arith.constant 0 : i32
      %cond3A_142 = arith.cmpi ne, %convert_element_type3A_140, %cond3A_141 : i32
      scf.if %cond3A_142 {
        %add3A_150 = arith.constant 2 : i32
        %add3A_151 = arith.addi %add3A_75, %add3A_150 : i32
        %add3A_152 = arith.addi %mul3A_2, %add3A_151 : i32
        %mul3A_153 = arith.constant 3 : i32
        %mul3A_154 = arith.muli %add3A_152, %mul3A_153 : i32
        %mul3A_155 = arith.constant 80 : i32
        %mul3A_156 = arith.muli %mul3A_154, %mul3A_155 : i32
        %dma_start3A_157 = tpu.memref_slice %arg3[%mul3A_156] : memref<1920000xi32, #tpu.memory_space<hbm>> -> memref<240xi32, #tpu.memory_space<hbm>>
        %dma_start3A_158 = tpu.memref_slice %arg3[%mul3A_156] : memref<1920000xi32, #tpu.memory_space<hbm>> -> memref<240xi32, #tpu.memory_space<hbm>>
        tpu.enqueue_dma source(%dma_start3A_158 : memref<240xi32, #tpu.memory_space<hbm>>) target(%arg8 : memref<240xi32, #tpu.memory_space<vmem>>) target_semaphore(%arg16 : memref<!tpu.dma_semaphore, #tpu.memory_space<semaphore_mem>>)
      } else {
      }
      %parallel_loop3A_143 = arith.constant 0 : i32
      %parallel_loop3A_144 = arith.constant 80 : i32
      %parallel_loop3A_145 = arith.constant 1 : i32
      scf.for %parallel_loop3A_150 = %parallel_loop3A_143 to %parallel_loop3A_144 step %parallel_loop3A_145  : i32 {
        %parallel_loop3A_151 = vector.broadcast %parallel_loop3A_150 : i32 to vector<16xi32>
        %parallel_loop3A_152 = tpu.vector_load_idx %arg12[%parallel_loop3A_151] : memref<80xf32, #tpu.memory_space<vmem>>[vector<16xi32>], vector<16xf32>,
        %parallel_loop3A_153 = arith.index_cast %parallel_loop3A_150 : i32 to index
        %parallel_loop3A_154 = arith.constant 0 : index
        %parallel_loop3A_155 = tpu.vector_load %arg14[%parallel_loop3A_153, %parallel_loop3A_154] {strides = array<i32>} : memref<80x128xf32, #tpu.memory_space<vmem>>, vector<16xf32>,
        %parallel_loop3A_156 = arith.mulf %parallel_loop3A_155, %parallel_loop3A_152 : vector<16xf32>
        %parallel_loop3A_157 = arith.index_cast %parallel_loop3A_150 : i32 to index
        %parallel_loop3A_158 = arith.constant 0 : index
        %parallel_loop3A_159 = tpu.vector_load %arg14[%parallel_loop3A_157, %parallel_loop3A_158] {strides = array<i32>} : memref<80x128xf32, #tpu.memory_space<vmem>>, vector<16xf32>,
        tpu.vector_store %arg14[%parallel_loop3A_157, %parallel_loop3A_158], %parallel_loop3A_156 {strides = array<i32>} : memref<80x128xf32, #tpu.memory_space<vmem>>, vector<16xf32>,
        %parallel_loop3A_160 = arith.index_cast %parallel_loop3A_150 : i32 to index
        %parallel_loop3A_161 = arith.constant 16 : index
        %parallel_loop3A_162 = tpu.vector_load %arg14[%parallel_loop3A_160, %parallel_loop3A_161] {strides = array<i32>} : memref<80x128xf32, #tpu.memory_space<vmem>>, vector<16xf32>,
        %parallel_loop3A_163 = arith.mulf %parallel_loop3A_162, %parallel_loop3A_152 : vector<16xf32>
        %parallel_loop3A_164 = arith.index_cast %parallel_loop3A_150 : i32 to index
        %parallel_loop3A_165 = arith.constant 16 : index
        %parallel_loop3A_166 = tpu.vector_load %arg14[%parallel_loop3A_164, %parallel_loop3A_165] {strides = array<i32>} : memref<80x128xf32, #tpu.memory_space<vmem>>, vector<16xf32>,
        tpu.vector_store %arg14[%parallel_loop3A_164, %parallel_loop3A_165], %parallel_loop3A_163 {strides = array<i32>} : memref<80x128xf32, #tpu.memory_space<vmem>>, vector<16xf32>,
        %parallel_loop3A_167 = arith.index_cast %parallel_loop3A_150 : i32 to index
        %parallel_loop3A_168 = arith.constant 32 : index
        %parallel_loop3A_169 = tpu.vector_load %arg14[%parallel_loop3A_167, %parallel_loop3A_168] {strides = array<i32>} : memref<80x128xf32, #tpu.memory_space<vmem>>, vector<16xf32>,
        %parallel_loop3A_170 = arith.mulf %parallel_loop3A_169, %parallel_loop3A_152 : vector<16xf32>
        %parallel_loop3A_171 = arith.index_cast %parallel_loop3A_150 : i32 to index
        %parallel_loop3A_172 = arith.constant 32 : index
        %parallel_loop3A_173 = tpu.vector_load %arg14[%parallel_loop3A_171, %parallel_loop3A_172] {strides = array<i32>} : memref<80x128xf32, #tpu.memory_space<vmem>>, vector<16xf32>,
        tpu.vector_store %arg14[%parallel_loop3A_171, %parallel_loop3A_172], %parallel_loop3A_170 {strides = array<i32>} : memref<80x128xf32, #tpu.memory_space<vmem>>, vector<16xf32>,
        %parallel_loop3A_174 = arith.index_cast %parallel_loop3A_150 : i32 to index
        %parallel_loop3A_175 = arith.constant 48 : index
        %parallel_loop3A_176 = tpu.vector_load %arg14[%parallel_loop3A_174, %parallel_loop3A_175] {strides = array<i32>} : memref<80x128xf32, #tpu.memory_space<vmem>>, vector<16xf32>,
        %parallel_loop3A_177 = arith.mulf %parallel_loop3A_176, %parallel_loop3A_152 : vector<16xf32>
        %parallel_loop3A_178 = arith.index_cast %parallel_loop3A_150 : i32 to index
        %parallel_loop3A_179 = arith.constant 48 : index
        %parallel_loop3A_180 = tpu.vector_load %arg14[%parallel_loop3A_178, %parallel_loop3A_179] {strides = array<i32>} : memref<80x128xf32, #tpu.memory_space<vmem>>, vector<16xf32>,
        tpu.vector_store %arg14[%parallel_loop3A_178, %parallel_loop3A_179], %parallel_loop3A_177 {strides = array<i32>} : memref<80x128xf32, #tpu.memory_space<vmem>>, vector<16xf32>,
        %parallel_loop3A_181 = arith.index_cast %parallel_loop3A_150 : i32 to index
        %parallel_loop3A_182 = arith.constant 64 : index
        %parallel_loop3A_183 = tpu.vector_load %arg14[%parallel_loop3A_181, %parallel_loop3A_182] {strides = array<i32>} : memref<80x128xf32, #tpu.memory_space<vmem>>, vector<16xf32>,
        %parallel_loop3A_184 = arith.mulf %parallel_loop3A_183, %parallel_loop3A_152 : vector<16xf32>
        %parallel_loop3A_185 = arith.index_cast %parallel_loop3A_150 : i32 to index
        %parallel_loop3A_186 = arith.constant 64 : index
        %parallel_loop3A_187 = tpu.vector_load %arg14[%parallel_loop3A_185, %parallel_loop3A_186] {strides = array<i32>} : memref<80x128xf32, #tpu.memory_space<vmem>>, vector<16xf32>,
        tpu.vector_store %arg14[%parallel_loop3A_185, %parallel_loop3A_186], %parallel_loop3A_184 {strides = array<i32>} : memref<80x128xf32, #tpu.memory_space<vmem>>, vector<16xf32>,
        %parallel_loop3A_188 = arith.index_cast %parallel_loop3A_150 : i32 to index
        %parallel_loop3A_189 = arith.constant 80 : index
        %parallel_loop3A_190 = tpu.vector_load %arg14[%parallel_loop3A_188, %parallel_loop3A_189] {strides = array<i32>} : memref<80x128xf32, #tpu.memory_space<vmem>>, vector<16xf32>,
        %parallel_loop3A_191 = arith.mulf %parallel_loop3A_190, %parallel_loop3A_152 : vector<16xf32>
        %parallel_loop3A_192 = arith.index_cast %parallel_loop3A_150 : i32 to index
        %parallel_loop3A_193 = arith.constant 80 : index
        %parallel_loop3A_194 = tpu.vector_load %arg14[%parallel_loop3A_192, %parallel_loop3A_193] {strides = array<i32>} : memref<80x128xf32, #tpu.memory_space<vmem>>, vector<16xf32>,
        tpu.vector_store %arg14[%parallel_loop3A_192, %parallel_loop3A_193], %parallel_loop3A_191 {strides = array<i32>} : memref<80x128xf32, #tpu.memory_space<vmem>>, vector<16xf32>,
        %parallel_loop3A_195 = arith.index_cast %parallel_loop3A_150 : i32 to index
        %parallel_loop3A_196 = arith.constant 96 : index
        %parallel_loop3A_197 = tpu.vector_load %arg14[%parallel_loop3A_195, %parallel_loop3A_196] {strides = array<i32>} : memref<80x128xf32, #tpu.memory_space<vmem>>, vector<16xf32>,
        %parallel_loop3A_198 = arith.mulf %parallel_loop3A_197, %parallel_loop3A_152 : vector<16xf32>
        %parallel_loop3A_199 = arith.index_cast %parallel_loop3A_150 : i32 to index
        %parallel_loop3A_200 = arith.constant 96 : index
        %parallel_loop3A_201 = tpu.vector_load %arg14[%parallel_loop3A_199, %parallel_loop3A_200] {strides = array<i32>} : memref<80x128xf32, #tpu.memory_space<vmem>>, vector<16xf32>,
        tpu.vector_store %arg14[%parallel_loop3A_199, %parallel_loop3A_200], %parallel_loop3A_198 {strides = array<i32>} : memref<80x128xf32, #tpu.memory_space<vmem>>, vector<16xf32>,
        %parallel_loop3A_202 = arith.index_cast %parallel_loop3A_150 : i32 to index
        %parallel_loop3A_203 = arith.constant 112 : index
        %parallel_loop3A_204 = tpu.vector_load %arg14[%parallel_loop3A_202, %parallel_loop3A_203] {strides = array<i32>} : memref<80x128xf32, #tpu.memory_space<vmem>>, vector<16xf32>,
        %parallel_loop3A_205 = arith.mulf %parallel_loop3A_204, %parallel_loop3A_152 : vector<16xf32>
        %parallel_loop3A_206 = arith.index_cast %parallel_loop3A_150 : i32 to index
        %parallel_loop3A_207 = arith.constant 112 : index
        %parallel_loop3A_208 = tpu.vector_load %arg14[%parallel_loop3A_206, %parallel_loop3A_207] {strides = array<i32>} : memref<80x128xf32, #tpu.memory_space<vmem>>, vector<16xf32>,
        tpu.vector_store %arg14[%parallel_loop3A_206, %parallel_loop3A_207], %parallel_loop3A_205 {strides = array<i32>} : memref<80x128xf32, #tpu.memory_space<vmem>>, vector<16xf32>,
      } {sc.loop_unroll_factor = 4 : i64, sc.parallel_access}
      %dma_start3A_146 = arith.constant 0 : i32
      %dma_start3A_147 = arith.constant 0 : i32
      %dma_start3A_148 = tpu.memref_slice %arg6[%dma_start3A_146, %dma_start3A_147] : memref<10000x128xf32, #tpu.memory_space<vmem_shared>> -> memref<10000x128xf32, #tpu.memory_space<vmem_shared>>
      tpu.enqueue_indirect_dma source(%arg14 : memref<80x128xf32, #tpu.memory_space<vmem>>) target(%dma_start3A_148 : memref<10000x128xf32, #tpu.memory_space<vmem_shared>>) offsets(%arg10 : memref<80xi32, #tpu.memory_space<vmem>>) semaphore(%arg22 : memref<!tpu.dma_semaphore, #tpu.memory_space<semaphore_mem>>) {add = true}
      %scan3A_149 = arith.constant 0 : i32
      scf.yield %scan3A_149 : i32
    }
    %scan3A_53 = arith.constant 125 : i32
    %dma_wait3A_54 = arith.constant 0 : i32
    %dma_wait3A_55 = arith.constant 0 : i32
    %dma_wait3A_56 = tpu.memref_slice %arg6[%dma_wait3A_54, %dma_wait3A_55] : memref<10000x128xf32, #tpu.memory_space<vmem_shared>> -> memref<10000x128xf32, #tpu.memory_space<vmem_shared>>
    tpu.wait_indirect_dma semaphore(%arg21 : memref<!tpu.dma_semaphore, #tpu.memory_space<semaphore_mem>>) src(%arg13 : memref<80x128xf32, #tpu.memory_space<vmem>>) dst(%dma_wait3A_56 : memref<10000x128xf32, #tpu.memory_space<vmem_shared>>)
    %dma_wait3A_57 = arith.constant 0 : i32
    %dma_wait3A_58 = arith.constant 0 : i32
    %dma_wait3A_59 = tpu.memref_slice %arg6[%dma_wait3A_57, %dma_wait3A_58] : memref<10000x128xf32, #tpu.memory_space<vmem_shared>> -> memref<10000x128xf32, #tpu.memory_space<vmem_shared>>
    tpu.wait_indirect_dma semaphore(%arg22 : memref<!tpu.dma_semaphore, #tpu.memory_space<semaphore_mem>>) src(%arg14 : memref<80x128xf32, #tpu.memory_space<vmem>>) dst(%dma_wait3A_59 : memref<10000x128xf32, #tpu.memory_space<vmem_shared>>)
    %barrier3A_60 = arith.constant 0 : index
    tpu.barrier barrier_id(%barrier3A_60)
    %scan3A_61 = arith.constant 0 : i32
    %scan3A_62 = arith.constant 0 : i32
    %scan3A_63 = arith.constant 8 : i32
    %scan3A_64 = arith.addi %scan3A_62, %scan3A_63 : i32
    %scan3A_65 = arith.constant 1 : i32
    %scan3A_66 = scf.for %scan3A_68 = %scan3A_62 to %scan3A_64 step %scan3A_65 iter_args(%scan3A_69 = %scan3A_61) -> (i32)  : i32 {
      %mul3A_70 = arith.constant 16 : i32
      %mul3A_71 = arith.muli %scan3A_68, %mul3A_70 : i32
      %add3A_72 = arith.addi %mul3A_71, %arg1 : i32
      %lt3A = arith.constant 125 : i32
      %lt3A_73 = arith.cmpi slt, %add3A_72, %lt3A : i32
      %convert_element_type3A = arith.extui %lt3A_73 : i1 to i32
      %cond3A = arith.constant 0 : i32
      %cond3A_74 = arith.cmpi ne, %convert_element_type3A, %cond3A : i32
      scf.if %cond3A_74 {
        %mul3A_76 = arith.constant 80 : i32
        %mul3A_77 = arith.muli %add3A_72, %mul3A_76 : i32
        "tpu.region"() ({
          %run_scoped3A = tpu.sem_alloc : memref<!tpu.dma_semaphore, #tpu.memory_space<semaphore_mem>>
          %dma_start3A_78 = arith.constant 0 : i32
          %dma_start3A_79 = tpu.memref_slice %arg6[%mul3A_77, %dma_start3A_78] : memref<10000x128xf32, #tpu.memory_space<vmem_shared>> -> memref<80x128xf32, #tpu.memory_space<vmem_shared>>
          %dma_start3A_80 = arith.constant 0 : i32
          %dma_start3A_81 = tpu.memref_slice %arg6[%mul3A_77, %dma_start3A_80] : memref<10000x128xf32, #tpu.memory_space<vmem_shared>> -> memref<80x128xf32, #tpu.memory_space<vmem_shared>>
          tpu.enqueue_dma source(%dma_start3A_81 : memref<80x128xf32, #tpu.memory_space<vmem_shared>>) target(%arg13 : memref<80x128xf32, #tpu.memory_space<vmem>>) target_semaphore(%run_scoped3A : memref<!tpu.dma_semaphore, #tpu.memory_space<semaphore_mem>>)
          %dma_wait3A_82 = arith.constant 0 : i32
          %dma_wait3A_83 = tpu.memref_slice %arg6[%mul3A_77, %dma_wait3A_82] : memref<10000x128xf32, #tpu.memory_space<vmem_shared>> -> memref<80x128xf32, #tpu.memory_space<vmem_shared>>
          %dma_wait3A_84 = arith.constant 0 : i32
          %dma_wait3A_85 = tpu.memref_slice %arg6[%mul3A_77, %dma_wait3A_84] : memref<10000x128xf32, #tpu.memory_space<vmem_shared>> -> memref<80x128xf32, #tpu.memory_space<vmem_shared>>
          tpu.wait_dma2 semaphore(%run_scoped3A : memref<!tpu.dma_semaphore, #tpu.memory_space<semaphore_mem>>) src(%dma_wait3A_85 : memref<80x128xf32, #tpu.memory_space<vmem_shared>>) dst(%arg13 : memref<80x128xf32, #tpu.memory_space<vmem>>)
          tpu.yield
        }) : () -> ()
        "tpu.region"() ({
          %run_scoped3A = tpu.sem_alloc : memref<!tpu.dma_semaphore, #tpu.memory_space<semaphore_mem>>
          %dma_start3A_78 = arith.constant 0 : i32
          %dma_start3A_79 = tpu.memref_slice %arg5[%arg0, %mul3A_77, %dma_start3A_78] : memref<2x10000x128xf32, #tpu.memory_space<hbm>> -> memref<1x80x128xf32, #tpu.memory_space<hbm>>
          %dma_start3A_80 = tpu.memref_squeeze %dma_start3A_79 : memref<1x80x128xf32, #tpu.memory_space<hbm>> -> memref<80x128xf32, #tpu.memory_space<hbm>>
          %dma_start3A_81 = arith.constant 0 : i32
          %dma_start3A_82 = tpu.memref_slice %arg5[%arg0, %mul3A_77, %dma_start3A_81] : memref<2x10000x128xf32, #tpu.memory_space<hbm>> -> memref<1x80x128xf32, #tpu.memory_space<hbm>>
          %dma_start3A_83 = tpu.memref_squeeze %dma_start3A_82 : memref<1x80x128xf32, #tpu.memory_space<hbm>> -> memref<80x128xf32, #tpu.memory_space<hbm>>
          tpu.enqueue_dma source(%arg13 : memref<80x128xf32, #tpu.memory_space<vmem>>) target(%dma_start3A_83 : memref<80x128xf32, #tpu.memory_space<hbm>>) target_semaphore(%run_scoped3A : memref<!tpu.dma_semaphore, #tpu.memory_space<semaphore_mem>>)
          %dma_wait3A_84 = arith.constant 0 : i32
          %dma_wait3A_85 = tpu.memref_slice %arg5[%arg0, %mul3A_77, %dma_wait3A_84] : memref<2x10000x128xf32, #tpu.memory_space<hbm>> -> memref<1x80x128xf32, #tpu.memory_space<hbm>>
          %dma_wait3A_86 = tpu.memref_squeeze %dma_wait3A_85 : memref<1x80x128xf32, #tpu.memory_space<hbm>> -> memref<80x128xf32, #tpu.memory_space<hbm>>
          %dma_wait3A_87 = arith.constant 0 : i32
          %dma_wait3A_88 = tpu.memref_slice %arg5[%arg0, %mul3A_77, %dma_wait3A_87] : memref<2x10000x128xf32, #tpu.memory_space<hbm>> -> memref<1x80x128xf32, #tpu.memory_space<hbm>>
          %dma_wait3A_89 = tpu.memref_squeeze %dma_wait3A_88 : memref<1x80x128xf32, #tpu.memory_space<hbm>> -> memref<80x128xf32, #tpu.memory_space<hbm>>
          tpu.wait_dma2 semaphore(%run_scoped3A : memref<!tpu.dma_semaphore, #tpu.memory_space<semaphore_mem>>) src(%arg13 : memref<80x128xf32, #tpu.memory_space<vmem>>) dst(%dma_wait3A_89 : memref<80x128xf32, #tpu.memory_space<hbm>>)
          tpu.yield
        }) : () -> ()
      } else {
      }
      %scan3A_75 = arith.constant 0 : i32
      scf.yield %scan3A_75 : i32
    }
    %scan3A_67 = arith.constant 8 : i32
    return
  }
}

module attributes {stable_mosaic.version = 14 : i64} {
  func.func @_hrel_body(%arg0: i32, %arg1: i32, %arg2: i32, %arg3: memref<1x2000x128xf32, #tpu.memory_space<vmem>>, %arg4: memref<1x128x128xf32, #tpu.memory_space<vmem>>, %arg5: memref<1x1x2000x128xf32, #tpu.memory_space<vmem>>) attributes {dimension_semantics = [#tpu.dimension_semantics<arbitrary>, #tpu.dimension_semantics<arbitrary>, #tpu.dimension_semantics<arbitrary>], iteration_bounds = array<i64: 2, 9, 5>, scalar_prefetch = 0 : i64, scratch_operands = 0 : i64, tpu.core_type = #tpu.core_type<tc>, window_params = [{transform_indices = @transform_0, window_bounds = array<i64: 1, 2000, 128>}, {transform_indices = @transform_1, window_bounds = array<i64: 1, 128, 128>}, {transform_indices = @transform_2, window_bounds = array<i64: 1, 1, 2000, 128>}]} {
    %get3A = arith.constant 0 : index
    %get3A_0 = arith.constant 0 : index
    %get3A_1 = arith.constant 0 : index
    %get3A_2 = vector.load %arg3[%get3A, %get3A_0, %get3A_1] : memref<1x2000x128xf32, #tpu.memory_space<vmem>>, vector<1x2000x128xf32>
    %get3A_3 = vector.shape_cast %get3A_2 : vector<1x2000x128xf32> to vector<2000x128xf32>
    %get3A_4 = arith.constant 0 : index
    %get3A_5 = arith.constant 0 : index
    %get3A_6 = arith.constant 0 : index
    %get3A_7 = vector.load %arg4[%get3A_4, %get3A_5, %get3A_6] : memref<1x128x128xf32, #tpu.memory_space<vmem>>, vector<1x128x128xf32>
    %get3A_8 = vector.shape_cast %get3A_7 : vector<1x128x128xf32> to vector<128x128xf32>
    %dot_general3A = arith.constant dense<0.000000e+00> : vector<2000x128xf32>
    %dot_general3A_9 = tpu.matmul %get3A_3, %get3A_8, %dot_general3A {dimension_numbers = #tpu.dot_dimension_numbers<[1], [0], [0], [1], [0, 0, 1, 1], [], []>, transpose_lhs_hint = false} : vector<2000x128xf32>, vector<128x128xf32>, vector<2000x128xf32> -> vector<2000x128xf32>
    %swap3A = arith.constant 0 : index
    %swap3A_10 = arith.constant 0 : index
    %swap3A_11 = arith.constant 0 : index
    %swap3A_12 = arith.constant 0 : index
    %swap3A_13 = vector.load %arg5[%swap3A, %swap3A_10, %swap3A_11, %swap3A_12] : memref<1x1x2000x128xf32, #tpu.memory_space<vmem>>, vector<1x1x2000x128xf32>
    %swap3A_14 = vector.shape_cast %swap3A_13 : vector<1x1x2000x128xf32> to vector<2000x128xf32>
    %swap3A_15 = vector.shape_cast %dot_general3A_9 : vector<2000x128xf32> to vector<1x1x2000x128xf32>
    tpu.vector_store %arg5[%swap3A, %swap3A_10, %swap3A_11, %swap3A_12], %swap3A_15 {strides = array<i32>} : memref<1x1x2000x128xf32, #tpu.memory_space<vmem>>, vector<1x1x2000x128xf32>,
    return
  }
  func.func @transform_0(%arg0: i32, %arg1: i32, %arg2: i32) -> (i32, i32, i32) {
    %c0_i32 = arith.constant 0 : i32
    %c0_i32_0 = arith.constant 0 : i32
    return %arg0, %arg2, %c0_i32 : i32, i32, i32
  }
  func.func @transform_1(%arg0: i32, %arg1: i32, %arg2: i32) -> (i32, i32, i32) {
    %c0_i32 = arith.constant 0 : i32
    %c0_i32_0 = arith.constant 0 : i32
    %c0_i32_1 = arith.constant 0 : i32
    return %arg1, %c0_i32, %c0_i32_0 : i32, i32, i32
  }
  func.func @transform_2(%arg0: i32, %arg1: i32, %arg2: i32) -> (i32, i32, i32, i32) {
    %c0_i32 = arith.constant 0 : i32
    %c0_i32_0 = arith.constant 0 : i32
    return %arg0, %arg1, %arg2, %c0_i32 : i32, i32, i32, i32
  }
}

module attributes {stable_mosaic.version = 14 : i64} {
  func.func @_post_body(%arg0: i32, %arg1: memref<2x2000x128xf32, #tpu.memory_space<vmem>>, %arg2: memref<2x2000x128xf32, #tpu.memory_space<vmem>>, %arg3: memref<128x128xf32, #tpu.memory_space<vmem>>, %arg4: memref<1x128xf32, #tpu.memory_space<vmem>>, %arg5: memref<128x10xf32, #tpu.memory_space<vmem>>, %arg6: memref<20x1xf32, #tpu.memory_space<vmem>>, %arg7: memref<1x10xf32, #tpu.memory_space<vmem>>, %arg8: memref<1x10x1xf32, #tpu.memory_space<vmem>>) attributes {dimension_semantics = [#tpu.dimension_semantics<arbitrary>], iteration_bounds = array<i64: 5>, scalar_prefetch = 0 : i64, scratch_operands = 0 : i64, tpu.core_type = #tpu.core_type<tc>, window_params = [{transform_indices = @transform_0, window_bounds = array<i64: 2, 2000, 128>}, {transform_indices = @transform_1, window_bounds = array<i64: 2, 2000, 128>}, {pipeline_mode = #tpu.pipeline_mode<synchronous>, transform_indices = @transform_2, window_bounds = array<i64: 128, 128>}, {pipeline_mode = #tpu.pipeline_mode<synchronous>, transform_indices = @transform_3, window_bounds = array<i64: 1, 128>}, {pipeline_mode = #tpu.pipeline_mode<synchronous>, transform_indices = @transform_4, window_bounds = array<i64: 128, 10>}, {pipeline_mode = #tpu.pipeline_mode<synchronous>, transform_indices = @transform_5, window_bounds = array<i64: 20, 1>}, {pipeline_mode = #tpu.pipeline_mode<synchronous>, transform_indices = @transform_6, window_bounds = array<i64: 1, 10>}, {transform_indices = @transform_7, window_bounds = array<i64: 1, 10, 1>}]} {
    %iota3A = tpu.iota {dimensions = array<i32: 0>} : vector<10x2000xi32>
    %iota3A_0 = tpu.iota {dimensions = array<i32: 1>} : vector<10x2000xi32>
    %jit3A = arith.constant 200 : i32
    %div3A = vector.broadcast %jit3A : i32 to vector<10x2000xi32>
    %div3A_1 = arith.divsi %iota3A_0, %div3A : vector<10x2000xi32>
    %sign3A = arith.constant 0 : i32
    %sign3A_2 = vector.broadcast %sign3A : i32 to vector<10x2000xi32>
    %sign3A_3 = arith.cmpi sgt, %iota3A_0, %sign3A_2 : vector<10x2000xi32>
    %sign3A_4 = arith.extui %sign3A_3 : vector<10x2000xi1> to vector<10x2000xi32>
    %sign3A_5 = arith.constant 0 : i32
    %sign3A_6 = vector.broadcast %sign3A_5 : i32 to vector<10x2000xi32>
    %sign3A_7 = arith.cmpi slt, %iota3A_0, %sign3A_6 : vector<10x2000xi32>
    %sign3A_8 = arith.extui %sign3A_7 : vector<10x2000xi1> to vector<10x2000xi32>
    %sign3A_9 = arith.subi %sign3A_4, %sign3A_8 : vector<10x2000xi32>
    %sign3A_10 = arith.constant 0 : i32
    %sign3A_11 = arith.cmpi sgt, %jit3A, %sign3A_10 : i32
    %sign3A_12 = arith.extui %sign3A_11 : i1 to i32
    %sign3A_13 = arith.constant 0 : i32
    %sign3A_14 = arith.cmpi slt, %jit3A, %sign3A_13 : i32
    %sign3A_15 = arith.extui %sign3A_14 : i1 to i32
    %sign3A_16 = arith.subi %sign3A_12, %sign3A_15 : i32
    %ne3A = vector.broadcast %sign3A_16 : i32 to vector<10x2000xi32>
    %ne3A_17 = arith.cmpi ne, %sign3A_9, %ne3A : vector<10x2000xi32>
    %rem3A = vector.broadcast %jit3A : i32 to vector<10x2000xi32>
    %rem3A_18 = arith.remsi %iota3A_0, %rem3A : vector<10x2000xi32>
    %ne3A_19 = arith.constant 0 : i32
    %ne3A_20 = vector.broadcast %ne3A_19 : i32 to vector<10x2000xi32>
    %ne3A_21 = arith.cmpi ne, %rem3A_18, %ne3A_20 : vector<10x2000xi32>
    %and3A = arith.andi %ne3A_17, %ne3A_21 : vector<10x2000xi1>
    %sub3A = arith.constant 1 : i32
    %sub3A_22 = vector.broadcast %sub3A : i32 to vector<10x2000xi32>
    %sub3A_23 = arith.subi %div3A_1, %sub3A_22 : vector<10x2000xi32>
    %select_n3A = arith.select %and3A, %sub3A_23, %div3A_1 : vector<10x2000xi1>, vector<10x2000xi32>
    %eq3A = arith.cmpi eq, %iota3A, %select_n3A : vector<10x2000xi32>
    %convert_element_type3A = arith.extui %eq3A : vector<10x2000xi1> to vector<10x2000xi32>
    %convert_element_type3A_24 = arith.sitofp %convert_element_type3A : vector<10x2000xi32> to vector<10x2000xf32>
    %get3A = arith.constant 0 : index
    %get3A_25 = arith.constant 0 : index
    %get3A_26 = arith.constant 0 : index
    %get3A_27 = vector.load %arg2[%get3A, %get3A_25, %get3A_26] : memref<2x2000x128xf32, #tpu.memory_space<vmem>>, vector<1x2000x128xf32>
    %get3A_28 = vector.shape_cast %get3A_27 : vector<1x2000x128xf32> to vector<2000x128xf32>
    %get3A_29 = arith.constant 0 : index
    %get3A_30 = arith.constant 0 : index
    %get3A_31 = arith.constant 0 : index
    %get3A_32 = vector.load %arg1[%get3A_29, %get3A_30, %get3A_31] : memref<2x2000x128xf32, #tpu.memory_space<vmem>>, vector<1x2000x128xf32>
    %get3A_33 = vector.shape_cast %get3A_32 : vector<1x2000x128xf32> to vector<2000x128xf32>
    %get3A_34 = arith.constant 0 : index
    %get3A_35 = arith.constant 0 : index
    %get3A_36 = vector.load %arg3[%get3A_34, %get3A_35] : memref<128x128xf32, #tpu.memory_space<vmem>>, vector<128x128xf32>
    %dot_general3A = arith.constant dense<0.000000e+00> : vector<2000x128xf32>
    %dot_general3A_37 = tpu.matmul %get3A_33, %get3A_36, %dot_general3A {dimension_numbers = #tpu.dot_dimension_numbers<[1], [0], [0], [1], [0, 0, 1, 1], [], []>, transpose_lhs_hint = false} : vector<2000x128xf32>, vector<128x128xf32>, vector<2000x128xf32> -> vector<2000x128xf32>
    %add3A = arith.addf %get3A_28, %dot_general3A_37 : vector<2000x128xf32>
    %get3A_38 = arith.constant 0 : index
    %get3A_39 = arith.constant 0 : index
    %get3A_40 = vector.load %arg4[%get3A_38, %get3A_39] : memref<1x128xf32, #tpu.memory_space<vmem>>, vector<1x128xf32>
    %add3A_41 = vector.broadcast %get3A_40 : vector<1x128xf32> to vector<2000x128xf32>
    %add3A_42 = arith.addf %add3A, %add3A_41 : vector<2000x128xf32>
    %max3A = arith.constant 0.000000e+00 : f32
    %max3A_43 = vector.broadcast %max3A : f32 to vector<2000x128xf32>
    %max3A_44 = arith.maximumf %add3A_42, %max3A_43 : vector<2000x128xf32>
    %get3A_45 = arith.constant 0 : index
    %get3A_46 = arith.constant 0 : index
    %get3A_47 = vector.load %arg5[%get3A_45, %get3A_46] : memref<128x10xf32, #tpu.memory_space<vmem>>, vector<128x10xf32>
    %dot_general3A_48 = arith.constant dense<0.000000e+00> : vector<2000x10xf32>
    %dot_general3A_49 = tpu.matmul %max3A_44, %get3A_47, %dot_general3A_48 {dimension_numbers = #tpu.dot_dimension_numbers<[1], [0], [0], [1], [0, 0, 1, 1], [], []>, transpose_lhs_hint = false} : vector<2000x128xf32>, vector<128x10xf32>, vector<2000x10xf32> -> vector<2000x10xf32>
    %get3A_50 = arith.constant 0 : index
    %get3A_51 = arith.constant 0 : index
    %get3A_52 = vector.load %arg7[%get3A_50, %get3A_51] : memref<1x10xf32, #tpu.memory_space<vmem>>, vector<1x10xf32>
    %add3A_53 = vector.broadcast %get3A_52 : vector<1x10xf32> to vector<2000x10xf32>
    %add3A_54 = arith.addf %dot_general3A_49, %add3A_53 : vector<2000x10xf32>
    %dot_general3A_55 = arith.constant dense<0.000000e+00> : vector<10x10xf32>
    %dot_general3A_56 = tpu.matmul %convert_element_type3A_24, %add3A_54, %dot_general3A_55 {dimension_numbers = #tpu.dot_dimension_numbers<[1], [0], [0], [1], [0, 0, 1, 1], [], []>, precision = #tpu.contract_precision<fp32>, transpose_lhs_hint = false} : vector<10x2000xf32>, vector<2000x10xf32>, vector<10x10xf32> -> vector<10x10xf32>
    %mul3A = arith.constant 5.000000e-03 : f32
    %mul3A_57 = vector.broadcast %mul3A : f32 to vector<10x10xf32>
    %mul3A_58 = arith.mulf %dot_general3A_56, %mul3A_57 : vector<10x10xf32>
    %get3A_59 = arith.constant 0 : index
    %get3A_60 = arith.constant 0 : index
    %get3A_61 = vector.load %arg6[%get3A_59, %get3A_60] : memref<20x1xf32, #tpu.memory_space<vmem>>, vector<10x1xf32>
    %dot_general3A_62 = arith.constant dense<0.000000e+00> : vector<10x1xf32>
    %dot_general3A_63 = tpu.matmul %mul3A_58, %get3A_61, %dot_general3A_62 {dimension_numbers = #tpu.dot_dimension_numbers<[1], [0], [0], [1], [0, 0, 1, 1], [], []>, transpose_lhs_hint = false} : vector<10x10xf32>, vector<10x1xf32>, vector<10x1xf32> -> vector<10x1xf32>
    %get3A_64 = arith.constant 1 : index
    %get3A_65 = arith.constant 0 : index
    %get3A_66 = arith.constant 0 : index
    %get3A_67 = vector.load %arg2[%get3A_64, %get3A_65, %get3A_66] : memref<2x2000x128xf32, #tpu.memory_space<vmem>>, vector<1x2000x128xf32>
    %get3A_68 = vector.shape_cast %get3A_67 : vector<1x2000x128xf32> to vector<2000x128xf32>
    %get3A_69 = arith.constant 1 : index
    %get3A_70 = arith.constant 0 : index
    %get3A_71 = arith.constant 0 : index
    %get3A_72 = vector.load %arg1[%get3A_69, %get3A_70, %get3A_71] : memref<2x2000x128xf32, #tpu.memory_space<vmem>>, vector<1x2000x128xf32>
    %get3A_73 = vector.shape_cast %get3A_72 : vector<1x2000x128xf32> to vector<2000x128xf32>
    %get3A_74 = arith.constant 0 : index
    %get3A_75 = arith.constant 0 : index
    %get3A_76 = vector.load %arg3[%get3A_74, %get3A_75] : memref<128x128xf32, #tpu.memory_space<vmem>>, vector<128x128xf32>
    %dot_general3A_77 = arith.constant dense<0.000000e+00> : vector<2000x128xf32>
    %dot_general3A_78 = tpu.matmul %get3A_73, %get3A_76, %dot_general3A_77 {dimension_numbers = #tpu.dot_dimension_numbers<[1], [0], [0], [1], [0, 0, 1, 1], [], []>, transpose_lhs_hint = false} : vector<2000x128xf32>, vector<128x128xf32>, vector<2000x128xf32> -> vector<2000x128xf32>
    %add3A_79 = arith.addf %get3A_68, %dot_general3A_78 : vector<2000x128xf32>
    %get3A_80 = arith.constant 0 : index
    %get3A_81 = arith.constant 0 : index
    %get3A_82 = vector.load %arg4[%get3A_80, %get3A_81] : memref<1x128xf32, #tpu.memory_space<vmem>>, vector<1x128xf32>
    %add3A_83 = vector.broadcast %get3A_82 : vector<1x128xf32> to vector<2000x128xf32>
    %add3A_84 = arith.addf %add3A_79, %add3A_83 : vector<2000x128xf32>
    %max3A_85 = arith.constant 0.000000e+00 : f32
    %max3A_86 = vector.broadcast %max3A_85 : f32 to vector<2000x128xf32>
    %max3A_87 = arith.maximumf %add3A_84, %max3A_86 : vector<2000x128xf32>
    %get3A_88 = arith.constant 0 : index
    %get3A_89 = arith.constant 0 : index
    %get3A_90 = vector.load %arg5[%get3A_88, %get3A_89] : memref<128x10xf32, #tpu.memory_space<vmem>>, vector<128x10xf32>
    %dot_general3A_91 = arith.constant dense<0.000000e+00> : vector<2000x10xf32>
    %dot_general3A_92 = tpu.matmul %max3A_87, %get3A_90, %dot_general3A_91 {dimension_numbers = #tpu.dot_dimension_numbers<[1], [0], [0], [1], [0, 0, 1, 1], [], []>, transpose_lhs_hint = false} : vector<2000x128xf32>, vector<128x10xf32>, vector<2000x10xf32> -> vector<2000x10xf32>
    %get3A_93 = arith.constant 0 : index
    %get3A_94 = arith.constant 0 : index
    %get3A_95 = vector.load %arg7[%get3A_93, %get3A_94] : memref<1x10xf32, #tpu.memory_space<vmem>>, vector<1x10xf32>
    %add3A_96 = vector.broadcast %get3A_95 : vector<1x10xf32> to vector<2000x10xf32>
    %add3A_97 = arith.addf %dot_general3A_92, %add3A_96 : vector<2000x10xf32>
    %dot_general3A_98 = arith.constant dense<0.000000e+00> : vector<10x10xf32>
    %dot_general3A_99 = tpu.matmul %convert_element_type3A_24, %add3A_97, %dot_general3A_98 {dimension_numbers = #tpu.dot_dimension_numbers<[1], [0], [0], [1], [0, 0, 1, 1], [], []>, precision = #tpu.contract_precision<fp32>, transpose_lhs_hint = false} : vector<10x2000xf32>, vector<2000x10xf32>, vector<10x10xf32> -> vector<10x10xf32>
    %mul3A_100 = arith.constant 5.000000e-03 : f32
    %mul3A_101 = vector.broadcast %mul3A_100 : f32 to vector<10x10xf32>
    %mul3A_102 = arith.mulf %dot_general3A_99, %mul3A_101 : vector<10x10xf32>
    %get3A_103 = arith.constant 10 : index
    %get3A_104 = arith.constant 0 : index
    %get3A_105 = vector.load %arg6[%get3A_103, %get3A_104] : memref<20x1xf32, #tpu.memory_space<vmem>>, vector<10x1xf32>
    %dot_general3A_106 = arith.constant dense<0.000000e+00> : vector<10x1xf32>
    %dot_general3A_107 = tpu.matmul %mul3A_102, %get3A_105, %dot_general3A_106 {dimension_numbers = #tpu.dot_dimension_numbers<[1], [0], [0], [1], [0, 0, 1, 1], [], []>, transpose_lhs_hint = false} : vector<10x10xf32>, vector<10x1xf32>, vector<10x1xf32> -> vector<10x1xf32>
    %add3A_108 = arith.addf %dot_general3A_63, %dot_general3A_107 : vector<10x1xf32>
    %swap3A = arith.constant 0 : index
    %swap3A_109 = arith.constant 0 : index
    %swap3A_110 = arith.constant 0 : index
    %swap3A_111 = vector.load %arg8[%swap3A, %swap3A_109, %swap3A_110] : memref<1x10x1xf32, #tpu.memory_space<vmem>>, vector<1x10x1xf32>
    %swap3A_112 = vector.shape_cast %swap3A_111 : vector<1x10x1xf32> to vector<10x1xf32>
    %swap3A_113 = vector.shape_cast %add3A_108 : vector<10x1xf32> to vector<1x10x1xf32>
    tpu.vector_store %arg8[%swap3A, %swap3A_109, %swap3A_110], %swap3A_113 {strides = array<i32>} : memref<1x10x1xf32, #tpu.memory_space<vmem>>, vector<1x10x1xf32>,
    return
  }
  func.func @transform_0(%arg0: i32) -> (i32, i32, i32) {
    %c0_i32 = arith.constant 0 : i32
    %c0_i32_0 = arith.constant 0 : i32
    %c0_i32_1 = arith.constant 0 : i32
    return %c0_i32, %arg0, %c0_i32_0 : i32, i32, i32
  }
  func.func @transform_1(%arg0: i32) -> (i32, i32, i32) {
    %c0_i32 = arith.constant 0 : i32
    %c0_i32_0 = arith.constant 0 : i32
    %c0_i32_1 = arith.constant 0 : i32
    return %c0_i32, %arg0, %c0_i32_0 : i32, i32, i32
  }
  func.func @transform_2(%arg0: i32) -> (i32, i32) {
    %c0_i32 = arith.constant 0 : i32
    %c0_i32_0 = arith.constant 0 : i32
    %c0_i32_1 = arith.constant 0 : i32
    return %c0_i32, %c0_i32_0 : i32, i32
  }
  func.func @transform_3(%arg0: i32) -> (i32, i32) {
    %c0_i32 = arith.constant 0 : i32
    %c0_i32_0 = arith.constant 0 : i32
    %c0_i32_1 = arith.constant 0 : i32
    return %c0_i32, %c0_i32_0 : i32, i32
  }
  func.func @transform_4(%arg0: i32) -> (i32, i32) {
    %c0_i32 = arith.constant 0 : i32
    %c0_i32_0 = arith.constant 0 : i32
    %c0_i32_1 = arith.constant 0 : i32
    return %c0_i32, %c0_i32_0 : i32, i32
  }
  func.func @transform_5(%arg0: i32) -> (i32, i32) {
    %c0_i32 = arith.constant 0 : i32
    %c0_i32_0 = arith.constant 0 : i32
    %c0_i32_1 = arith.constant 0 : i32
    return %c0_i32, %c0_i32_0 : i32, i32
  }
  func.func @transform_6(%arg0: i32) -> (i32, i32) {
    %c0_i32 = arith.constant 0 : i32
    %c0_i32_0 = arith.constant 0 : i32
    %c0_i32_1 = arith.constant 0 : i32
    return %c0_i32, %c0_i32_0 : i32, i32
  }
  func.func @transform_7(%arg0: i32) -> (i32, i32, i32) {
    %c0_i32 = arith.constant 0 : i32
    %c0_i32_0 = arith.constant 0 : i32
    %c0_i32_1 = arith.constant 0 : i32
    return %arg0, %c0_i32, %c0_i32_0 : i32, i32, i32
  }
}

</mosaic_0001>

<sc_bundles>
// kernel: kernel.6.cloned.1.call-start
scs
__scs_entry_jumppad:
0x0: {  	(pc) =	sbr.rel $0x88, $3  }
0x1: {  	(tag) =	ssettag $0x0;
	lr =	simm.s32 $0x1  }
0x2: {  	[smem:$0x3F93] =	sst lr;
	_ =	strace $0xD0000000  }
0x3: {  	_ = 	snop  }
0x4: {  	_ = 	snop  }
0x5: {  	_ = 	snop  }
0x6: {  	_ = 	snop  }
0x7: {  	_ = 	snop  }
__scs_overlays_trampoline_lowered:
0x8: {  	[smem:$0x3FA2] =	sst s0  }
0x9: {  	[smem:$0x3FA3] =	sst s1  }
0xa: {  	[smem:$0x3FA4] =	sst s2  }
0xb: {  	[smem:$0x3FA5] =	sst s3  }
0xc: {  	[smem:$0x3FA6] =	sst s4  }
0xd: {  	[smem:$0x3FA7] =	sst s5  }
0xe: {  	[smem:$0x3FA8] =	sst s6  }
0xf: {  	[smem:$0x3FA9] =	sst s7  }
0x10: {  	[smem:$0x3FAA] =	sst s8  }
0x11: {  	[smem:$0x3FAB] =	sst s9;
	s0 =	simm.s32 @!p0 $0x0  }
0x12: {  	s1 =	sld [smem:$0x3F91];
	s0 =	simm.s32 @p0 $0x1  }
0x13: {  	[smem:$0x3FAC] =	sst s0;
	s0 =	simm.s32 @!p1 $0x0  }
0x14: {  	s2 =	sld [smem:$0x3F90];
	s0 =	simm.s32 @p1 $0x1  }
0x15: {  	[smem:$0x3FAD] =	sst s0;
	s0 =	simm.s32 @!p2 $0x0  }
0x16: {  	s3 =	sld [smem:$0x3FDB];
	s0 =	simm.s32 @p2 $0x1  }
0x17: {  	s4 =	simm.s32 $0x1BF5;
	[smem:$0x3FAF] =	sst s0  }
0x18: {  	s0 =	sld [smem:$0x3F92];
	_ =	swait.ge [sflag:s4], $0x0  }
0x19: {  	s7 =	sld [smem:$0x3F93]  }
0x1a: {  	s8 =	sadd.s32 $0xFFFFE003, lr  }
0x1b: {  	s9 =	sadd.s32 $0xFFFFFEF7, lr;
	s5 =	simm.s32 $0xFFFFFFFF;
	p2 =	slt.u32 s8, $0xFFFFF086  }
0x1c: {  	p1 =	slt.u32 s9, $0xF7A;
	s5 =	simm.s32 @!p2 $0x0  }
0x1d: {  	s5 =	simm.s32 @p1 $0x1;
	p0 =	seq.s32 s7, s2  }
0x1e: {  	s7 =	smul.u32 @!p0 $0xF7A, s2;
	p2 =	seq.s32 @!p0 s5, $0x0  }
0x1f: {  	s9 =	smul.u32 $0xF7A, s1;
	s8 =	simm.s32 @!p0 $0x1BF5;
	p2 =	por !p2, p0  }
0x20: {  	[sflag:s8] =	ssyncset.s32 @!p0 $0xFFFFF086;
	s6 =	sadd.s32 @!p0 s3, s7;
	s7 =	simm.s32 @!p0 $0x108  }
0x21: {  	s3 =	sadd.s32 s3, s9;
	s6 =	sadd.s32 @!p0 $0x88, s6;
	s7 =	simm.s32 @p2 $0x1082  }
0x22: {  	[simem:s7], [sflag:s8] =	dma.local @!p0 [hbm:s6], $0xF7A  }
0x23: {  	s9 =	sor.u32 $0xD0000000, s2;
	s6 =	simm.s32 $0x108;
	_ =	swait.ge @!p0 [sflag:s8], $0x0  }
0x24: {  	s3 =	sadd.s32 $0x88, s3;
	s6 =	simm.s32 @!p1 $0x1082;
	[sflag:s4] =	ssyncset.s32 $0xFFFFF086  }
0x25: {  	[simem:s6], [sflag:s4] =	dma.local [hbm:s3], $0xF7A  }
0x26: {  	[smem:$0x3F93] =	sst s1;
	(tag) =	ssettag s2;
	_ =	strace s9  }
0x27: {  	s1 =	sld [smem:$0x3FA3]  }
0x28: {  	s2 =	sld [smem:$0x3FA4]  }
0x29: {  	s4 =	sld [smem:$0x3FA6]  }
0x2a: {  	p0 =	seq.s32 s5, $0x0;
	s5 =	sld [smem:$0x3FA7]  }
0x2b: {  	s6 =	sld [smem:$0x3FA8]  }
0x2c: {  	s7 =	sld [smem:$0x3FA9]  }
0x2d: {  	s3 =	simm.s32 $0x108;
	s8 =	sld [smem:$0x3FAA]  }
0x2e: {  	s3 =	simm.s32 @!p0 $0x1082;
	s9 =	sld [smem:$0x3FAB]  }
0x2f: {  	lr =	sadd.s32 s0, s3;
	s0 =	sld [smem:$0x3FA2]  }
0x30: {  	s3 =	sld [smem:$0x3FA5]  }
0x31: {  	[smem:$0x3FAE] =	sst s10  }
0x32: {  	s10 =	sld [smem:$0x3FAC];
	_ =	sdelay $0x3  }
0x33: {  	p0 =	seq.s32 s10, $0x1;
	s10 =	sld [smem:$0x3FAE];
	_ =	sdelay $0x3  }
0x34: {  	[smem:$0x3FAE] =	sst s10  }
0x35: {  	s10 =	sld [smem:$0x3FAD];
	_ =	sdelay $0x3  }
0x36: {  	p1 =	seq.s32 s10, $0x1;
	s10 =	sld [smem:$0x3FAE];
	_ =	sdelay $0x3  }
0x37: {  	[smem:$0x3FAE] =	sst s10  }
0x38: {  	s10 =	sld [smem:$0x3FAF]  }
0x39: {  	_ = 	snop;
	(pc) =	sbr.ind lr, $3  }
0x3a: {  	_ = 	snop  }
0x3b: {  	_ = 	snop  }
0x3c: {  	p2 =	seq.s32 s10, $0x1;
	s10 =	sld [smem:$0x3FAE]  }
0x3d: {  	_ =	shalt  }
0x3e: {  	_ =	shalt  }
0x3f: {  	_ =	shalt  }
0x40: {  	_ =	shalt  }
0x41: {  	_ =	shalt  }
0x42: {  	_ =	shalt  }
0x43: {  	_ =	shalt  }
0x44: {  	_ =	shalt  }
0x45: {  	_ =	shalt  }
0x46: {  	_ =	shalt  }
0x47: {  	_ =	shalt  }
0x48: {  	_ =	shalt  }
0x49: {  	_ =	shalt  }
0x4a: {  	_ =	shalt  }
0x4b: {  	_ =	shalt  }
0x4c: {  	_ =	shalt  }
0x4d: {  	_ =	shalt  }
0x4e: {  	_ =	shalt  }
0x4f: {  	_ =	shalt  }
0x50: {  	_ =	shalt  }
0x51: {  	_ =	shalt  }
0x52: {  	_ =	shalt  }
0x53: {  	_ =	shalt  }
0x54: {  	_ =	shalt  }
0x55: {  	_ =	shalt  }
0x56: {  	_ =	shalt  }
0x57: {  	_ =	shalt  }
0x58: {  	_ =	shalt  }
0x59: {  	_ =	shalt  }
0x5a: {  	_ =	shalt  }
0x5b: {  	_ =	shalt  }
0x5c: {  	_ =	shalt  }
0x5d: {  	_ =	shalt  }
0x5e: {  	_ =	shalt  }
0x5f: {  	_ =	shalt  }
0x60: {  	_ =	shalt  }
0x61: {  	_ =	shalt  }
0x62: {  	_ =	shalt  }
0x63: {  	_ =	shalt  }
0x64: {  	_ =	shalt  }
0x65: {  	_ =	shalt  }
0x66: {  	_ =	shalt  }
0x67: {  	_ =	shalt  }
0x68: {  	_ =	shalt  }
0x69: {  	_ =	shalt  }
0x6a: {  	_ =	shalt  }
0x6b: {  	_ =	shalt  }
0x6c: {  	_ =	shalt  }
0x6d: {  	_ =	shalt  }
0x6e: {  	_ =	shalt  }
0x6f: {  	_ =	shalt  }
0x70: {  	_ =	shalt  }
0x71: {  	_ =	shalt  }
0x72: {  	_ =	shalt  }
0x73: {  	_ =	shalt  }
0x74: {  	_ =	shalt  }
0x75: {  	_ =	shalt  }
0x76: {  	_ =	shalt  }
0x77: {  	_ =	shalt  }
0x78: {  	_ =	shalt  }
0x79: {  	_ =	shalt  }
0x7a: {  	_ =	shalt  }
0x7b: {  	_ =	shalt  }
0x7c: {  	_ =	shalt  }
0x7d: {  	_ =	shalt  }
0x7e: {  	_ =	shalt  }
0x7f: {  	_ =	shalt  }
0x80: {  	_ =	shalt  }
0x81: {  	_ =	shalt  }
0x82: {  	_ =	shalt  }
0x83: {  	_ =	shalt  }
0x84: {  	_ =	shalt  }
0x85: {  	_ =	shalt  }
0x86: {  	_ =	shalt  }
0x87: {  	_ =	shalt  }
.Lfunc_end0:
.L_simem_size_0:
called_computation_lowered:
.L_overlay_start_0:
0x88: {  	s2 =	sld [smem:$0x3FD9]  }
0x89: {  	s3 =	sld [smem:$0x3FFE];
	_ =	sdelay $0x1  }
0x8a: {  	s1 =	srdreg.scid  }
0x8b: {  	s0 =	sand.u32 $0x1, s1  }
0x8c: {  	s16 =	sshll.u32 s0, $0xA;
	s2 =	sadd.s32 s3, s2  }
0x8d: {  	s2 =	sadd.s32 s2, s16  }
0x8e: {  	[smem:$0x3FBA] =	sst s2  }
0x8f: {  	_ = 	snop  }
0x90: {  	(tm) =	ssettm $0x1  }
0x91: {  	s17 =	sld [smem:$0x3FFB];
	_ =	sdelay $0x3  }
0x92: {  	_ =	strace s17  }
0x93: {  	s2 =	sld [smem:$0x3FFC];
	_ =	sdelay $0x3  }
0x94: {  	_ =	strace s2  }
0x95: {  	s2 =	sld [smem:$0x3FFD];
	_ =	sdelay $0x3  }
0x96: {  	_ =	strace s2  }
0x97: {  	_ =	strace $0x8FFFFFFF  }
0x98: {  	s18 =	sld [smem:$0x3FDB];
	_ =	sdelay $0x1  }
0x99: {  	s19 =	simm.s32 $_scs_section_size  }
0x9a: {  	s4 =	simm.s32 $_size__tile_overlayer_lowered;
	s5 =	simm.s32 $_tile_overlayer_lowered  }
0x9b: {  	s22 =	simm.s32 $0x1BFF;
	s21 =	sshll.u32 s5, $0x1;
	s2 =	sadd.s32 s19, s18  }
0x9c: {  	s6 =	simm.s32 $0x0;
	s20 =	sshll.u32 s4, $0x1;
	s4 =	sadd.s32 s21, s2  }
0x9d: {  	[timem:s6], [sflag:s22] =	dma.local [hbm:s4], s20  }
0x9e: {  	_ =	swait.ge [sflag:s22], s20  }
0x9f: {  	s3 =	ssub.s32 $0x0, s20;
	[sflag:s22] =	ssyncset.done $0x0  }
0xa0: {  	[sflag:s22] =	ssyncadd.s32 s3;
	_ =	sdelay $0x1  }
0xa1: {  	s23 =	simm.s32 $0x1B8B  }
0xa2: {  	_ =	swait.ge [sflag:s23], $0x1  }
0xa3: {  	[sflag:s23] =	ssyncset.done $0x0  }
0xa4: {  	s25 =	simm.s32 $0x1B8E;
	s24 =	sld [smem:$0x3FFE];
	[sflag:s23] =	ssyncadd.s32 $0xFFFFFFFF  }
0xa5: {  	s26 =	simm.s32 $execute0_lowered;
	[smem:$0x3FD2] =	sst s25  }
0xa6: {  	s4 =	sshll.u32 s26, $0x1;
	_ =	strace $0x80000046;
	[dreg:$0x1] =	wrdreg $0xFFFFFFFF  }
0xa7: {  	s28 =	simm.s32 $_size_execute0_lowered;
	s2 =	sadd.s32 s2, s4;
	[dreg:$0x0] =	wrdreg $0x0  }
0xa8: {  	s4 =	sshll.u32 s28, $0x1;
	[dreg:$0x2] =	wrdreg s2  }
0xa9: {  	[dreg:$0x3] =	wrdreg s4  }
0xaa: {  	[dreg:$0x4] =	wrdreg $0xC0  }
0xab: {  	_ =	task [dreg:s6], $0x5FFFF  }
0xac: {  	[dreg:$0x1] =	wrdreg $0xFFFFFFFF  }
0xad: {  	[dreg:$0x0] =	wrdreg $0x60  }
0xae: {  	[dreg:$0x2] =	wrdreg s24  }
0xaf: {  	[dreg:$0x3] =	wrdreg $0x0  }
0xb0: {  	[dreg:$0x4] =	wrdreg $0x9  }
0xb1: {  	_ =	task.clear_ibuf [dreg:s6], $0x5FFFF;
	_ =	strace $0x90000046  }
0xb2: {  	s29 =	simm.s32 $0x9;
	_ =	strace $0x80000048  }
0xb3: {  	_ =	swait.ge [sflag:s29], $0x1  }
0xb4: {  	[sflag:s29] =	ssyncadd.s32 $0xFFFFFFFF  }
0xb5: {  	_ =	strace $0x90000048  }
0xb6: {  	_ =	sfence  }
0xb7: {  	s30 =	sld [smem:$0x0];
	_ =	sdelay $0x2  }
0xb8: {  	s31 =	sshll.u32 s1, $0xD;
	s1 =	sshrl.u32 s1, $0x2  }
0xb9: {  	s3 =	sand.u32 $0x4000, s31;
	s1 =	sadd.s32 s1, s30  }
0xba: {  	s0 =	sor.u32 s3, s0;
	s1 =	sshll.u32 s1, $0x11  }
0xbb: {  	s0 =	sor.u32 s1, s0  }
0xbc: {  	s0 =	sadd.s32 $0x8F2B, s0  }
0xbd: {  	[sflag:s0] =	ssyncadd.remote.s32 $0x1  }
0xbe: {  	_ =	sfence.sel $0xFFFF  }
0xbf: {  	[dreg:$0x0] =	wrdreg $0xFFFFFFFF;
	(pc) =	sbr.abs _section_cstart, $3  }
0xc0: {  	[dreg:$0x1] =	wrdreg $0xFFFFFFFF  }
0xc1: {  	_ =	task.clear_ibuf [dreg:s6], $0x2FFFF;
	_ =	strace $0x9FFFFFFF  }
0xc2: {  	(tm) =	ssettm $0x7FFFFFFF  }
0xc3: {  	_ =	shalt  }
tec
execute0_lowered:
.L_overlay_start_1:
0x0: {  	(tag) =	ssettag $0x1  }
0x1: {  	s0 =	rddreg [dreg:$0x0]  }
0x2: {  	s1 =	rddreg [dreg:$0x1]  }
0x3: {  	s3 =	simm.s32 $0x0;
	s2 =	srdreg.scid;
	s21 =	stileid.u32  }
0x4: {  	s17 =	simm.s32 $0x6;
	s28 =	simm.s32 $0x2A80;
	s29 =	simm.s32 $0x1  }
0x5: {  	s30 =	simm.s32 $0x2;
	s31 =	simm.s32 $0x2080;
	[smem:$0x7FF] =	sst s3  }
0x6: {  	s2 =	sand.u32 $0x1, s2;
	s4 =	sadd.s32 $0x15400, s0;
	s10 =	smul.u32 $0x1600, s21  }
0x7: {  	s5 =	sadd.s32 $0x28E00, s0;
	s6 =	sadd.s32 $0x1A00, s0;
	s14 =	smul.u32 $0x4E20, s21  }
0x8: {  	s7 =	sadd.s32 $0x3C800, s0;
	s11 =	smul.u32 $0x16000, s2;
	_ =	strace $0x80000047  }
0x9: {  	s9 =	ssub.s32 $0x2, s2;
	s12 =	smul.u32 $0x4E200, s2;
	s22 =	sshll.u32 s2, $0x4  }
0xa: {  	s2 =	smul.u32 $0x15F90, s2;
	s13 =	sshrl.u32 s9, $0x1;
	s3 =	sadd.s32 s10, s1  }
0xb: {  	s8 =	sadd.s32 s10, s11;
	s13 =	ssub.s32 s9, s13;
	s9 =	sor.u32 s21, s22  }
0xc: {  	s10 =	simm.s32 $0x2B80;
	[dreg:$0x3] =	wrdreg s3;
	s8 =	sshrl.u32 s8, $0x3  }
0xd: {  	s26 =	smax.u32 s13, $0x1;
	s0 =	sadd.s32 s8, s0;
	s8 =	sadd.s32 s14, s12  }
0xe: {  	[dreg:$0x8] =	wrdreg s26;
	s12 =	sshrl.u32 s8, $0x3;
	s0 =	sadd.s32 $0x77200, s0  }
0xf: {  	s21 =	simm.s32 $0x3;
	s23 =	sadd.s32 s4, s12;
	[dreg:$0x7] =	wrdreg s0  }
0x10: {  	s22 =	simm.s32 $0x4;
	s24 =	sadd.s32 s5, s12;
	[dreg:$0x4] =	wrdreg s23  }
0x11: {  	v0 =	vmov s2;
	s2 =	simm.s32 $0x0;
	s25 =	sadd.s32 s6, s12;
	[dreg:$0x5] =	wrdreg s24  }
0x12: {  	s9 =	smul.u32 $0xFA, s9;
	s26 =	simm.s32 $0x2B00;
	[dreg:$0x6] =	wrdreg s25  }
0x13: {  	v2 =	vimm.f32 $0.0e+00;
	v3 =	vimm.f32 $1.000000000e+00;
	v1 =	vmov s11;
	s23 =	simm.s32 $0x5;
	s24 =	simm.s32 $0x50;
	s25 =	simm.s32 $0x2A00  }
.LBB2_1:
0x14: {  	[dreg:$0x9] =	wrdreg s2;
	s2 =	simm.s32 $0x40;
	s11 =	simm.s32 $0x0  }
.LBB2_2:
0x15: {  	p0 =	sne.s32 s2, $0x57C0;
	[tilespmem:s11+$0x2B80] =	vst v2;
	s11 =	smov.u32 s2;
	s2 =	sadd.s32 $0x40, s2  }
.Ltmp0:
0x16: {  	(pc) =	sbr.rel @p0 .LBB2_2-.Ltmp0, $2  }
0x17: {  	_ =	sdelay $0x2  }
0x18: {  	s11 =	sshra.s32 s11, $0x2  }
0x19: {  	[tilespmem:s11+$0x2B80] =	vst v2  }
0x1a: {  	[tilespmem:$0x2B00] =	vst v3  }
0x1b: {  	[tilespmem:$0x2B10] =	vst v3  }
0x1c: {  	[tilespmem:$0x2B20] =	vst v3  }
0x1d: {  	[tilespmem:$0x2B30] =	vst v3  }
0x1e: {  	[tilespmem:$0x2B40] =	vst v3  }
0x1f: {  	[spmem:s3] =	stream.linear.scatter [tilespmem:s10], [sflag:$0x6], $0x1600, $0x38;
	[tilespmem:$0x4180] =	vst v63  }
0x20: {  	_ =	swait.ge [sflag:s17], $0x1600  }
0x21: {  	[sflag:s17] =	ssyncset.done $0x0  }
0x22: {  	[sflag:s17] =	ssyncadd.s32 $0xFFFFEA00  }
0x23: {  	[bflag:$0x0] =	sbarrier.arrive $0xFFFF  }
0x24: {  	s2 =	simm.s32 $0x0;
	s15 =	simm.s32 $0x1600;
	s0 =	rddreg [dreg:$0x4]  }
0x25: {  	[tilespmem:s15], [sflag:$0x3] =	stream.linear.gather [hbm4b:s0+s2], $0x320, $0x38;
	[tilespmem:$0x4180] =	vst v63  }
0x26: {  	s18 =	simm.s32 $0x1980;
	s16 =	rddreg [dreg:$0x5]  }
0x27: {  	[tilespmem:s18], [sflag:$0x4] =	stream.linear.gather [hbm4b:s16+s2], $0x320, $0x38;
	[tilespmem:$0x4180] =	vst v63  }
0x28: {  	s20 =	simm.s32 $0x1D00;
	s19 =	rddreg [dreg:$0x6]  }
0x29: {  	[tilespmem:s20], [sflag:$0x5] =	stream.linear.gather [hbm4b:s19+s2], $0x320, $0x38;
	[tilespmem:$0x4180] =	vst v63  }
.LBB2_4:
0x2a: {  	_ =	swait.ge [sflag:s21], $0x320  }
0x2b: {  	[sflag:s21] =	ssyncset.done $0x0  }
0x2c: {  	[sflag:s21] =	ssyncadd.s32 $0xFFFFFCE0  }
0x2d: {  	_ =	swait.ge [sflag:s22], $0x320  }
0x2e: {  	s11 =	simm.s32 $0xFFFFFFFE;
	[sflag:s22] =	ssyncset.done $0x0  }
0x2f: {  	s20 =	simm.s32 $0x1D10;
	s11 =	smul.u32 $0xCD, s11;
	[sflag:s22] =	ssyncadd.s32 $0xFFFFFCE0  }
0x30: {  	s13 =	simm.s32 $0x1610;
	s14 =	simm.s32 $0x1990;
	_ =	swait.ge [sflag:s23], $0x320  }
0x31: {  	s19 =	simm.s32 $0x0;
	s12 =	sadd.s32 $0x267, s11;
	[sflag:s23] =	ssyncset.done $0x0  }
0x32: {  	s11 =	sadd.s32 $0x19A, s11;
	s12 =	sshrl.u32 s12, $0xA;
	[sflag:s23] =	ssyncadd.s32 $0xFFFFFCE0  }
0x33: {  	s18 =	simm.s32 $0x2;
	s11 =	sshrl.u32 s11, $0xA;
	s15 =	smul.u32 $0x5, s12;
	v5 =	vld [tilespmem:s14+$0x0]  }
0x34: {  	s16 =	sand.u32 $0x3F, s12;
	s10 =	sand.u32 $0x3F, s11;
	s11 =	smul.u32 $0x5, s11;
	v11 =	vld [tilespmem:s20+$0x0]  }
0x35: {  	s12 =	simm.s32 $0x19B0;
	s10 =	smul.u32 $0x3C0, s10;
	s15 =	ssub.s32 $0xFFFFFFFE, s15;
	v4 =	vld [tilespmem:s14+$0xFFFFFFF0]  }
0x36: {  	s16 =	smul.u32 $0x3C0, s16;
	s11 =	ssub.s32 $0x0, s11;
	s15 =	sshll.u32 s15, $0x4;
	v8 =	vld [tilespmem:s13+$0x0]  }
0x37: {  	s11 =	sshll.u32 s11, $0x4;
	s10 =	sshrl.u32 s10, $0x2;
	s14 =	sadd.s32 $0x30, s15;
	v6 =	vld [tilespmem:s20+$0xFFFFFFF0]  }
0x38: {  	s11 =	sand.u32 $0xF0, s11;
	s15 =	sshrl.u32 s16, $0x2;
	v7 =	vld [tilespmem:s13+$0xFFFFFFF0];
	s14 =	sand.u32 $0xF0, s14  }
0x39: {  	s13 =	sadd.s32 s11, s10;
	s11 =	simm.s32 $0x1630;
	s14 =	sadd.s32 s14, s15;
	v10 =	vmul.u32 $0x9, v5;
	v9 =	vmul.u32 $0x2710, v11;
	v11 =	vadd.s32 v1, v11  }
.LBB2_5:
0x3a: {  	s10 =	smul.u32 $0xCD, s19;
	s20 =	sadd.s32 $0x20, s20;
	s15 =	smov.u32 s18  }
0x3b: {  	v12 =	vmul.u32 $0x9, v4;
	v8 =	vadd.s32 v0, v8;
	v10 =	vadd.s32 v10, v11;
	[tilespmem:s14+$0x2120] =	vst v5;
	s16 =	smov.u32 s19;
	s19 =	smov.u32 s18;
	s18 =	sadd.s32 $0x2, s18  }
0x3c: {  	p0 =	slt.u32 s18, $0x30;
	v5 =	vmul.u32 $0x2710, v6;
	v6 =	vadd.s32 v1, v6;
	v8 =	vadd.s32 v9, v8;
	[tilespmem:s14+$0x20D0] =	vst v10;
	s0 =	sadd.s32 $0x19A, s10;
	s10 =	sadd.s32 $0x267, s10  }
0x3d: {  	v7 =	vadd.s32 v0, v7;
	[tilespmem:s14+$0x2080] =	vst v8;
	s10 =	sshrl.u32 s10, $0xA  }
0x3e: {  	v6 =	vadd.s32 v12, v6;
	v7 =	vadd.s32 v5, v7;
	[tilespmem:s13+$0x2120] =	vst v4;
	v4 =	vld [tilespmem:s12+$0xFFFFFFF0];
	s0 =	sshrl.u32 s0, $0xA;
	s14 =	sand.u32 $0x3F, s10;
	s10 =	smul.u32 $0x5, s10  }
0x3f: {  	v5 =	vld [tilespmem:s12+$0x0];
	[tilespmem:s13+$0x2080] =	vst v7;
	s3 =	sand.u32 $0x3F, s0;
	s0 =	smul.u32 $0x5, s0  }
0x40: {  	v11 =	vld [tilespmem:s20+$0x0];
	[tilespmem:s13+$0x20D0] =	vst v6;
	s3 =	smul.u32 $0x3C0, s3  }
.Ltmp1:
0x41: {  	s12 =	sadd.s32 $0x20, s12;
	s10 =	ssub.s32 s16, s10;
	v8 =	vld [tilespmem:s11+$0x0];
	(pc) =	sbr.rel @p0 .LBB2_5-.Ltmp1, $4  }
0x42: {  	s13 =	smul.u32 $0x3C0, s14;
	s0 =	ssub.s32 s15, s0;
	v6 =	vld [tilespmem:s20+$0xFFFFFFF0];
	s10 =	sshll.u32 s10, $0x4  }
0x43: {  	s0 =	sshll.u32 s0, $0x4;
	s3 =	sshrl.u32 s3, $0x2;
	v7 =	vld [tilespmem:s11+$0xFFFFFFF0];
	s10 =	sadd.s32 $0x30, s10  }
0x44: {  	s14 =	sshrl.u32 s13, $0x2;
	s0 =	sand.u32 $0xF0, s0;
	s10 =	sand.u32 $0xF0, s10;
	v10 =	vmul.u32 $0x9, v5  }
0x45: {  	s11 =	sadd.s32 $0x20, s11;
	s13 =	sadd.s32 s0, s3;
	v9 =	vmul.u32 $0x2710, v11;
	s14 =	sadd.s32 s10, s14;
	v11 =	vadd.s32 v1, v11  }
0x46: {  	s0 =	smul.u32 $0xCD, s19;
	_ =	sdelay $0x1  }
0x47: {  	s3 =	sadd.s32 $0x267, s0  }
0x48: {  	v12 =	vld [tilespmem:s12+$0xFFFFFFF0];
	s3 =	sshrl.u32 s3, $0xA  }
0x49: {  	s10 =	sadd.s32 $0x20, s20;
	v13 =	vld [tilespmem:s12+$0x0];
	s20 =	smul.u32 $0x5, s3  }
0x4a: {  	[tilespmem:s14+$0x2120] =	vst v5;
	v5 =	vld [tilespmem:s10+$0x0]  }
0x4b: {  	v8 =	vadd.s32 v0, v8;
	v10 =	vadd.s32 v10, v11;
	v61 =	vld [tilespmem:s11+$0x0];
	[tilespmem:s13+$0x2120] =	vst v4;
	v60 =	vmul.u32 $0x2710, v6;
	s0 =	sadd.s32 $0x19A, s0;
	s3 =	sand.u32 $0x3F, s3;
	s12 =	ssub.s32 s19, s20  }
0x4c: {  	v62 =	vmul.u32 $0x9, v4;
	v8 =	vadd.s32 v9, v8;
	[tilespmem:s14+$0x20D0] =	vst v10;
	v63 =	vld [tilespmem:s10+$0xFFFFFFF0];
	v7 =	vadd.s32 v0, v7;
	s0 =	sshrl.u32 s0, $0xA;
	s3 =	smul.u32 $0x3C0, s3;
	s15 =	sshll.u32 s12, $0x4  }
0x4d: {  	v4 =	vld [tilespmem:s11+$0xFFFFFFF0];
	v6 =	vadd.s32 v1, v6;
	[tilespmem:s14+$0x2080] =	vst v8;
	v7 =	vadd.s32 v60, v7;
	s16 =	smul.u32 $0x5, s0;
	s10 =	sadd.s32 $0x30, s15  }
0x4e: {  	v6 =	vadd.s32 v62, v6;
	[tilespmem:s13+$0x2080] =	vst v7;
	s0 =	sand.u32 $0x3F, s0;
	v7 =	vmul.u32 $0x9, v13;
	s3 =	sshrl.u32 s3, $0x2;
	s10 =	sand.u32 $0xF0, s10  }
0x4f: {  	[tilespmem:s13+$0x20D0] =	vst v6;
	s0 =	smul.u32 $0x3C0, s0;
	s19 =	ssub.s32 s18, s16;
	v6 =	vmul.u32 $0x2710, v5;
	v5 =	vadd.s32 v1, v5;
	s3 =	sadd.s32 s10, s3  }
0x50: {  	v9 =	vadd.s32 v0, v61;
	s20 =	sshll.u32 s19, $0x4;
	v5 =	vadd.s32 v7, v5;
	[tilespmem:s3+$0x2120] =	vst v13  }
0x51: {  	s0 =	sshrl.u32 s0, $0x2;
	v7 =	vmul.u32 $0x2710, v63;
	v6 =	vadd.s32 v6, v9;
	s10 =	sand.u32 $0xF0, s20;
	[tilespmem:s3+$0x20D0] =	vst v5  }
0x52: {  	v4 =	vadd.s32 v0, v4;
	s0 =	sadd.s32 s10, s0;
	v5 =	vmul.u32 $0x9, v12;
	[tilespmem:s3+$0x2080] =	vst v6  }
0x53: {  	v4 =	vadd.s32 v7, v4;
	v6 =	vadd.s32 v1, v63;
	[tilespmem:s0+$0x2120] =	vst v12  }
0x54: {  	p0 =	seq.s32 s2, $0x0;
	[tilespmem:s0+$0x2080] =	vst v4;
	v5 =	vadd.s32 v5, v6  }
0x55: {  	[tilespmem:s0+$0x20D0] =	vst v5;
	s0 =	simm.s32 @!p0 $0x1  }
0x56: {  	_ =	swait.ge @!p0 [sflag:s0], $0x50  }
0x57: {  	[sflag:s0] =	ssyncset.done @!p0 $0x0  }
0x58: {  	s11 =	simm.s32 $0x0;
	[sflag:s0] =	ssyncadd.s32 @!p0 $0xFFFFFFB0  }
0x59: {  	s12 =	simm.s32 $0x40;
	v4 =	vld [tilespmem:s11+$0x20D0]  }
.LBB2_7:
0x5a: {  	p1 =	sne.s32 s12, $0x100  }
.Ltmp2:
0x5b: {  	_ = 	snop;
	(pc) =	sbr.rel @p1 .LBB2_7-.Ltmp2, $3  }
0x5c: {  	_ =	sdelay $0x1  }
0x5d: {  	s0 =	sshra.s32 s12, $0x2;
	s12 =	sadd.s32 $0x40, s12;
	v5 =	vsub.s32 v4, v1  }
0x5e: {  	v4 =	vld [tilespmem:s0+$0x20D0];
	[tilespmem:s11+$0x2A00] =	vst v5;
	s11 =	smov.u32 s0  }
0x5f: {  	_ =	sdelay $0x3  }
0x60: {  	v4 =	vsub.s32 v4, v1  }
0x61: {  	s0 =	simm.s32 @!p0 $0x2;
	[tilespmem:s11+$0x2A00] =	vst v4  }
0x62: {  	[spmem:s1] =	stream.indirect.scatter.add.f32 [tilespmem:s26], [sflag:$0x1], $0x1, s25, s24, $0xb8;
	[tilespmem:$0x4180] =	vst v63  }
0x63: {  	_ =	swait.ge @!p0 [sflag:s0], $0x50  }
0x64: {  	[sflag:s0] =	ssyncset.done @!p0 $0x0  }
0x65: {  	s11 =	simm.s32 $0x0;
	[sflag:s0] =	ssyncadd.s32 @!p0 $0xFFFFFFB0  }
0x66: {  	s12 =	simm.s32 $0x40;
	v4 =	vld [tilespmem:s11+$0x21C0]  }
.LBB2_9:
0x67: {  	p0 =	sne.s32 s12, $0x100  }
.Ltmp3:
0x68: {  	_ = 	snop;
	(pc) =	sbr.rel @p0 .LBB2_9-.Ltmp3, $3  }
0x69: {  	_ =	sdelay $0x1  }
0x6a: {  	s0 =	sshra.s32 s12, $0x2;
	s12 =	sadd.s32 $0x40, s12;
	v5 =	vsub.s32 v4, v1  }
0x6b: {  	v4 =	vld [tilespmem:s0+$0x21C0];
	[tilespmem:s11+$0x2A80] =	vst v5;
	s11 =	smov.u32 s0  }
0x6c: {  	_ =	sdelay $0x3  }
0x6d: {  	v4 =	vsub.s32 v4, v1  }
0x6e: {  	[tilespmem:s11+$0x2A80] =	vst v4  }
0x6f: {  	[spmem:s1] =	stream.indirect.scatter.add.f32 [tilespmem:s26], [sflag:$0x2], $0x1, s28, s24, $0xb8;
	[tilespmem:$0x4180] =	vst v63  }
0x70: {  	_ =	swait.ge [sflag:s29], $0x50  }
0x71: {  	[sflag:s29] =	ssyncset.done $0x0  }
0x72: {  	s11 =	simm.s32 $0x0;
	[sflag:s29] =	ssyncadd.s32 $0xFFFFFFB0  }
0x73: {  	s12 =	simm.s32 $0x40;
	v4 =	vld [tilespmem:s11+$0x22B0]  }
.LBB2_11:
0x74: {  	p0 =	sne.s32 s12, $0x100  }
.Ltmp4:
0x75: {  	_ = 	snop;
	(pc) =	sbr.rel @p0 .LBB2_11-.Ltmp4, $3  }
0x76: {  	_ =	sdelay $0x1  }
0x77: {  	s0 =	sshra.s32 s12, $0x2;
	s12 =	sadd.s32 $0x40, s12;
	v5 =	vsub.s32 v4, v1  }
0x78: {  	v4 =	vld [tilespmem:s0+$0x22B0];
	[tilespmem:s11+$0x2A00] =	vst v5;
	s11 =	smov.u32 s0  }
0x79: {  	_ =	sdelay $0x3  }
0x7a: {  	v4 =	vsub.s32 v4, v1  }
0x7b: {  	[tilespmem:s11+$0x2A00] =	vst v4  }
0x7c: {  	[spmem:s1] =	stream.indirect.scatter.add.f32 [tilespmem:s26], [sflag:$0x1], $0x1, s25, s24, $0xb8;
	[tilespmem:$0x4180] =	vst v63  }
0x7d: {  	_ =	swait.ge [sflag:s30], $0x50  }
0x7e: {  	[sflag:s30] =	ssyncset.done $0x0  }
0x7f: {  	s11 =	simm.s32 $0x0;
	[sflag:s30] =	ssyncadd.s32 $0xFFFFFFB0  }
0x80: {  	s12 =	simm.s32 $0x40;
	v4 =	vld [tilespmem:s11+$0x23A0]  }
.LBB2_13:
0x81: {  	p0 =	sne.s32 s12, $0x100  }
.Ltmp5:
0x82: {  	_ = 	snop;
	(pc) =	sbr.rel @p0 .LBB2_13-.Ltmp5, $3  }
0x83: {  	_ =	sdelay $0x1  }
0x84: {  	s0 =	sshra.s32 s12, $0x2;
	s12 =	sadd.s32 $0x40, s12;
	v5 =	vsub.s32 v4, v1  }
0x85: {  	v4 =	vld [tilespmem:s0+$0x23A0];
	[tilespmem:s11+$0x2A80] =	vst v5;
	s11 =	smov.u32 s0  }
0x86: {  	_ =	sdelay $0x3  }
0x87: {  	v4 =	vsub.s32 v4, v1  }
0x88: {  	[tilespmem:s11+$0x2A80] =	vst v4  }
0x89: {  	[spmem:s1] =	stream.indirect.scatter.add.f32 [tilespmem:s26], [sflag:$0x2], $0x1, s28, s24, $0xb8;
	[tilespmem:$0x4180] =	vst v63  }
0x8a: {  	_ =	swait.ge [sflag:s29], $0x50  }
0x8b: {  	[sflag:s29] =	ssyncset.done $0x0  }
0x8c: {  	s11 =	simm.s32 $0x0;
	[sflag:s29] =	ssyncadd.s32 $0xFFFFFFB0  }
0x8d: {  	s12 =	simm.s32 $0x40;
	v4 =	vld [tilespmem:s11+$0x2490]  }
.LBB2_15:
0x8e: {  	p0 =	sne.s32 s12, $0x100  }
.Ltmp6:
0x8f: {  	_ = 	snop;
	(pc) =	sbr.rel @p0 .LBB2_15-.Ltmp6, $3  }
0x90: {  	_ =	sdelay $0x1  }
0x91: {  	s0 =	sshra.s32 s12, $0x2;
	s12 =	sadd.s32 $0x40, s12;
	v5 =	vsub.s32 v4, v1  }
0x92: {  	v4 =	vld [tilespmem:s0+$0x2490];
	[tilespmem:s11+$0x2A00] =	vst v5;
	s11 =	smov.u32 s0  }
0x93: {  	_ =	sdelay $0x3  }
0x94: {  	v4 =	vsub.s32 v4, v1  }
0x95: {  	[tilespmem:s11+$0x2A00] =	vst v4  }
0x96: {  	[spmem:s1] =	stream.indirect.scatter.add.f32 [tilespmem:s26], [sflag:$0x1], $0x1, s25, s24, $0xb8;
	[tilespmem:$0x4180] =	vst v63  }
0x97: {  	_ =	swait.ge [sflag:s30], $0x50  }
0x98: {  	[sflag:s30] =	ssyncset.done $0x0  }
0x99: {  	s11 =	simm.s32 $0x0;
	[sflag:s30] =	ssyncadd.s32 $0xFFFFFFB0  }
0x9a: {  	s12 =	simm.s32 $0x40;
	v4 =	vld [tilespmem:s11+$0x2580]  }
.LBB2_17:
0x9b: {  	p0 =	sne.s32 s12, $0x100  }
.Ltmp7:
0x9c: {  	_ = 	snop;
	(pc) =	sbr.rel @p0 .LBB2_17-.Ltmp7, $3  }
0x9d: {  	_ =	sdelay $0x1  }
0x9e: {  	s0 =	sshra.s32 s12, $0x2;
	s12 =	sadd.s32 $0x40, s12;
	v5 =	vsub.s32 v4, v1  }
0x9f: {  	v4 =	vld [tilespmem:s0+$0x2580];
	[tilespmem:s11+$0x2A80] =	vst v5;
	s11 =	smov.u32 s0  }
0xa0: {  	_ =	sdelay $0x3  }
0xa1: {  	v4 =	vsub.s32 v4, v1  }
0xa2: {  	[tilespmem:s11+$0x2A80] =	vst v4  }
0xa3: {  	[spmem:s1] =	stream.indirect.scatter.add.f32 [tilespmem:s26], [sflag:$0x2], $0x1, s28, s24, $0xb8;
	[tilespmem:$0x4180] =	vst v63  }
0xa4: {  	_ =	swait.ge [sflag:s29], $0x50  }
0xa5: {  	[sflag:s29] =	ssyncset.done $0x0  }
0xa6: {  	s11 =	simm.s32 $0x0;
	[sflag:s29] =	ssyncadd.s32 $0xFFFFFFB0  }
0xa7: {  	s12 =	simm.s32 $0x40;
	v4 =	vld [tilespmem:s11+$0x2670]  }
.LBB2_19:
0xa8: {  	p0 =	sne.s32 s12, $0x100  }
.Ltmp8:
0xa9: {  	_ = 	snop;
	(pc) =	sbr.rel @p0 .LBB2_19-.Ltmp8, $3  }
0xaa: {  	_ =	sdelay $0x1  }
0xab: {  	s0 =	sshra.s32 s12, $0x2;
	s12 =	sadd.s32 $0x40, s12;
	v5 =	vsub.s32 v4, v1  }
0xac: {  	v4 =	vld [tilespmem:s0+$0x2670];
	[tilespmem:s11+$0x2A00] =	vst v5;
	s11 =	smov.u32 s0  }
0xad: {  	_ =	sdelay $0x3  }
0xae: {  	v4 =	vsub.s32 v4, v1  }
0xaf: {  	[tilespmem:s11+$0x2A00] =	vst v4  }
0xb0: {  	[spmem:s1] =	stream.indirect.scatter.add.f32 [tilespmem:s26], [sflag:$0x1], $0x1, s25, s24, $0xb8;
	[tilespmem:$0x4180] =	vst v63  }
0xb1: {  	_ =	swait.ge [sflag:s30], $0x50  }
0xb2: {  	[sflag:s30] =	ssyncset.done $0x0  }
0xb3: {  	s11 =	simm.s32 $0x0;
	[sflag:s30] =	ssyncadd.s32 $0xFFFFFFB0  }
0xb4: {  	s12 =	simm.s32 $0x40;
	v4 =	vld [tilespmem:s11+$0x2760]  }
.LBB2_21:
0xb5: {  	p0 =	sne.s32 s12, $0x100  }
.Ltmp9:
0xb6: {  	_ = 	snop;
	(pc) =	sbr.rel @p0 .LBB2_21-.Ltmp9, $3  }
0xb7: {  	_ =	sdelay $0x1  }
0xb8: {  	s0 =	sshra.s32 s12, $0x2;
	s12 =	sadd.s32 $0x40, s12;
	v5 =	vsub.s32 v4, v1  }
0xb9: {  	v4 =	vld [tilespmem:s0+$0x2760];
	[tilespmem:s11+$0x2A80] =	vst v5;
	s11 =	smov.u32 s0  }
0xba: {  	_ =	sdelay $0x3  }
0xbb: {  	v4 =	vsub.s32 v4, v1  }
0xbc: {  	[tilespmem:s11+$0x2A80] =	vst v4  }
0xbd: {  	[spmem:s1] =	stream.indirect.scatter.add.f32 [tilespmem:s26], [sflag:$0x2], $0x1, s28, s24, $0xb8;
	[tilespmem:$0x4180] =	vst v63  }
0xbe: {  	_ =	swait.ge [sflag:s29], $0x50  }
0xbf: {  	[sflag:s29] =	ssyncset.done $0x0  }
0xc0: {  	s11 =	simm.s32 $0x0;
	[sflag:s29] =	ssyncadd.s32 $0xFFFFFFB0  }
0xc1: {  	s12 =	simm.s32 $0x40;
	v4 =	vld [tilespmem:s11+$0x2850]  }
.LBB2_23:
0xc2: {  	p0 =	sne.s32 s12, $0x100  }
.Ltmp10:
0xc3: {  	_ = 	snop;
	(pc) =	sbr.rel @p0 .LBB2_23-.Ltmp10, $3  }
0xc4: {  	_ =	sdelay $0x1  }
0xc5: {  	s0 =	sshra.s32 s12, $0x2;
	s12 =	sadd.s32 $0x40, s12;
	v5 =	vsub.s32 v4, v1  }
0xc6: {  	v4 =	vld [tilespmem:s0+$0x2850];
	[tilespmem:s11+$0x2A00] =	vst v5;
	s11 =	smov.u32 s0  }
0xc7: {  	_ =	sdelay $0x3  }
0xc8: {  	v4 =	vsub.s32 v4, v1  }
0xc9: {  	[tilespmem:s11+$0x2A00] =	vst v4  }
0xca: {  	[spmem:s1] =	stream.indirect.scatter.add.f32 [tilespmem:s26], [sflag:$0x1], $0x1, s25, s24, $0xb8;
	[tilespmem:$0x4180] =	vst v63  }
0xcb: {  	_ =	swait.ge [sflag:s30], $0x50  }
0xcc: {  	[sflag:s30] =	ssyncset.done $0x0  }
0xcd: {  	s11 =	simm.s32 $0x0;
	[sflag:s30] =	ssyncadd.s32 $0xFFFFFFB0  }
0xce: {  	s12 =	simm.s32 $0x40;
	v4 =	vld [tilespmem:s11+$0x2940]  }
.LBB2_25:
0xcf: {  	p0 =	sne.s32 s12, $0x100  }
.Ltmp11:
0xd0: {  	_ = 	snop;
	(pc) =	sbr.rel @p0 .LBB2_25-.Ltmp11, $3  }
0xd1: {  	_ =	sdelay $0x1  }
0xd2: {  	s0 =	sshra.s32 s12, $0x2;
	s12 =	sadd.s32 $0x40, s12;
	v5 =	vsub.s32 v4, v1  }
0xd3: {  	v4 =	vld [tilespmem:s0+$0x2940];
	[tilespmem:s11+$0x2A80] =	vst v5;
	s11 =	smov.u32 s0  }
0xd4: {  	_ = 	snop  }
0xd5: {  	s0 =	sadd.s32 $0x1, s2;
	p0 =	seq.s32 s2, $0x18  }
0xd6: {  	s3 =	smul.u32 @!p0 $0x320, s0;
	_ =	sdelay $0x1  }
0xd7: {  	s3 =	sadd.s32 @!p0 s8, s3;
	v4 =	vsub.s32 v4, v1  }
0xd8: {  	s19 =	smul.u32 $0xA, s2;
	s3 =	sshrl.u32 @!p0 s3, $0x3;
	[tilespmem:s11+$0x2A80] =	vst v4  }
0xd9: {  	[spmem:s1] =	stream.indirect.scatter.add.f32 [tilespmem:s26], [sflag:$0x2], $0x1, s28, s24, $0xb8;
	[tilespmem:$0x4180] =	vst v63  }
0xda: {  	s12 =	simm.s32 @!p0 $0x1600;
	s10 =	sadd.s32 @!p0 s4, s3;
	s11 =	simm.s32 @!p0 $0x0  }
0xdb: {  	[tilespmem:s12], [sflag:$0x3] =	stream.linear.gather @!p0 [hbm4b:s10+s11], $0x320, $0x38;
	[tilespmem:$0x4180] =	vst v63  }
0xdc: {  	s2 =	sadd.s32 s9, s19;
	s10 =	sadd.s32 @!p0 s5, s3;
	s12 =	simm.s32 @!p0 $0x1980  }
0xdd: {  	[tilespmem:s12], [sflag:$0x4] =	stream.linear.gather @!p0 [hbm4b:s10+s11], $0x320, $0x38;
	[tilespmem:$0x4180] =	vst v63  }
0xde: {  	s2 =	smul.u32 $0x1E, s2;
	s3 =	sadd.s32 @!p0 s6, s3;
	s10 =	simm.s32 @!p0 $0x1D00  }
0xdf: {  	[tilespmem:s10], [sflag:$0x5] =	stream.linear.gather @!p0 [hbm4b:s3+s11], $0x320, $0x38;
	[tilespmem:$0x4180] =	vst v63  }
0xe0: {  	p0 =	sne.s32 s0, $0x19  }
.Ltmp12:
0xe1: {  	s20 =	simm.s32 $0x0;
	s2 =	sadd.s32 s7, s2;
	(pc) =	sbr.rel @p0 .LBB2_4-.Ltmp12, $4  }
0xe2: {  	[hbm4b:s2+s20] =	stream.linear.scatter [tilespmem:s31], [sflag:$0x6], $0x960, $0x38;
	[tilespmem:$0x4180] =	vst v63  }
0xe3: {  	_ =	swait.ge [sflag:s17], $0x960  }
0xe4: {  	[sflag:s17] =	ssyncset.done $0x0  }
0xe5: {  	s2 =	smov.u32 s0;
	[sflag:s17] =	ssyncadd.s32 $0xFFFFF6A0  }
0xe6: {  	_ =	swait.ge [sflag:s29], $0x50  }
0xe7: {  	[sflag:s29] =	ssyncset.done $0x0  }
0xe8: {  	[sflag:s29] =	ssyncadd.s32 $0xFFFFFFB0  }
0xe9: {  	_ =	swait.ge [sflag:s30], $0x50  }
0xea: {  	[sflag:s30] =	ssyncset.done $0x0  }
0xeb: {  	[sflag:s30] =	ssyncadd.s32 $0xFFFFFFB0  }
0xec: {  	[bflag:$0x0] =	sbarrier.arrive $0xFFFF  }
0xed: {  	s10 =	simm.s32 $0x2B80;
	s3 =	rddreg [dreg:$0x3]  }
0xee: {  	[tilespmem:s10], [sflag:$0x6] =	stream.linear.gather [spmem:s3], $0x1600, $0x38;
	[tilespmem:$0x4180] =	vst v63  }
0xef: {  	_ =	swait.ge [sflag:s17], $0x1600  }
0xf0: {  	[sflag:s17] =	ssyncset.done $0x0  }
0xf1: {  	s2 =	simm.s32 $0x2B90;
	[sflag:s17] =	ssyncadd.s32 $0xFFFFEA00  }
0xf2: {  	v4 =	vld [tilespmem:s2+$0x0];
	_ =	sdelay $0x4  }
0xf3: {  	v4 =	vmax.f32 v4, $1.000000000e+00  }
0xf4: {  	(erf) = vrcp.f32 v4;
	v4 =	vld [tilespmem:s2+$0xFFFFFFF0];
	_ =	sdelay $0x2  }
0xf5: {  	s11 =	simm.s32 $0x2BB0  }
0xf6: {  	v5 =	vld [tilespmem:s11+$0x0]  }
0xf7: {  	v6 =	vld [tilespmem:s11+$0xFFFFFFF0];
	v4 =	vmax.f32 v4, $1.000000000e+00  }
0xf8: {  	(erf) = vrcp.f32 v4;
	_ =	sdelay $0x2  }
0xf9: {  	s13 =	simm.s32 $0x2BD0;
	v5 =	vmax.f32 v5, $1.000000000e+00  }
0xfa: {  	v6 =	vmax.f32 v6, $1.000000000e+00;
	v4 =	vld [tilespmem:s13+$0xFFFFFFF0];
	(erf) = vrcp.f32 v5  }
0xfb: {  	v5 =	vld [tilespmem:s13+$0x0];
	(erf) = vrcp.f32 v6;
	_ =	sdelay $0x1  }
0xfc: {  	s14 =	simm.s32 $0x4;
	s12 =	simm.s32 $0x2BD0;
	v6 =	vpop (erf)  }
.LBB2_28:
0xfd: {  	s14 =	sadd.s32 $0x2, s14  }
0xfe: {  	s13 =	sadd.s32 $0x20, s13;
	[tilespmem:s2+$0x0] =	vst v6;
	v6 =	vpop (erf);
	p0 =	slt.u32 s14, $0x15E  }
.Ltmp13:
0xff: {  	v7 =	vmax.f32 v4, $1.000000000e+00;
	v4 =	vld [tilespmem:s13+$0xFFFFFFF0];
	v8 =	vmax.f32 v5, $1.000000000e+00;
	[tilespmem:s2+$0xFFFFFFF0] =	vst v6;
	s2 =	smov.u32 s11;
	(pc) =	sbr.rel @p0 .LBB2_28-.Ltmp13, $3  }
0x100: {  	s11 =	smov.u32 s12;
	s12 =	smov.u32 s13;
	v5 =	vld [tilespmem:s13+$0x0];
	(erf) = vrcp.f32 v8  }
0x101: {  	(erf) = vrcp.f32 v7;
	_ =	sdelay $0x1  }
0x102: {  	v6 =	vpop (erf)  }
0x103: {  	_ = 	snop  }
0x104: {  	v5 =	vmax.f32 v5, $1.000000000e+00  }
0x105: {  	v4 =	vmax.f32 v4, $1.000000000e+00;
	(erf) = vrcp.f32 v5  }
0x106: {  	(erf) = vrcp.f32 v4;
	_ =	sdelay $0x4  }
0x107: {  	[tilespmem:s2+$0x0] =	vst v6;
	v4 =	vpop (erf)  }
0x108: {  	[tilespmem:s2+$0xFFFFFFF0] =	vst v4;
	v4 =	vpop (erf)  }
0x109: {  	[tilespmem:s11+$0x0] =	vst v4;
	v4 =	vpop (erf)  }
0x10a: {  	[tilespmem:s11+$0xFFFFFFF0] =	vst v4;
	v4 =	vpop (erf)  }
0x10b: {  	[tilespmem:s12+$0x0] =	vst v4;
	v4 =	vpop (erf)  }
0x10c: {  	[tilespmem:s12+$0xFFFFFFF0] =	vst v4  }
0x10d: {  	s0 =	simm.s32 $0x0;
	s2 =	rddreg [dreg:$0x7]  }
0x10e: {  	[hbm4b:s2+s0] =	stream.linear.scatter [tilespmem:s10], [sflag:$0x6], $0x1600, $0x38;
	[tilespmem:$0x4180] =	vst v63  }
0x10f: {  	_ =	swait.ge [sflag:s17], $0x1600  }
0x110: {  	s19 =	rddreg [dreg:$0x9]  }
0x111: {  	s20 =	rddreg [dreg:$0x8];
	s2 =	sadd.s32 $0x1, s19  }
0x112: {  	p0 =	sne.s32 s2, s20  }
.Ltmp14:
0x113: {  	_ = 	snop;
	(pc) =	sbr.rel @p0 .LBB2_1-.Ltmp14, $3  }
0x114: {  	_ =	sdelay $0x1  }
0x115: {  	[sflag:s17] =	ssyncset.done $0x0  }
0x116: {  	[sflag:s17] =	ssyncadd.s32 $0xFFFFEA00  }
0x117: {  	_ =	sfence.sel $0x180000  }
0x118: {  	[bflag:$0x0] =	sbarrier.arrive $0xFFFF  }
0x119: {  	_ =	strace $0x90000047  }
0x11a: {  	s0 =	stileid.u32;
	[bflag:$0x2] =	sbarrier.arrive $0xFFFF  }
0x11b: {  	p0 =	sne.s32 s0, $0x0;
	s0 =	rddreg [dreg:$0x2]  }
0x11c: {  	s0 =	sadd.s32 @!p0 $0x100000, s0  }
0x11d: {  	[sflag:s0] =	ssyncadd.tile.s32 @!p0 $0x1;
	_ =	shalt  }
.Lfunc_end2:
_tile_overlayer_lowered:
.L_overlay_start_2:
0x11e: {  	(tag) =	ssettag $0x2  }
0x11f: {  	s0 =	rddreg [dreg:$0x0];
	s2 =	stileid.u32  }
0x120: {  	s1 =	rddreg [dreg:$0x1];
	p0 =	sne.s32 s2, $0x0  }
0x121: {  	s3 =	rddreg [dreg:$0x2];
	[bflag:$0x3] =	sbarrier.arrive $0xFFFF;
	s2 =	simm.s32 @!p0 $0x1C06  }
0x122: {  	[timem:s3], [sflag:s2] =	dma.local @!p0 [hbm:s0], s1  }
0x123: {  	s0 =	simm.s32 @!p0 $0x6  }
0x124: {  	_ =	swait.ge @!p0 [sflag:s0], s1  }
0x125: {  	s1 =	ssub.s32 @!p0 $0x0, s1;
	[sflag:s0] =	ssyncset.done @!p0 $0x0  }
0x126: {  	[sflag:s0] =	ssyncadd.s32 @!p0 s1  }
0x127: {  	[bflag:$0x3] =	sbarrier.arrive $0xFFFF  }
0x128: {  	_ =	shalt  }

// kernel: kernel.9.cloned.1.call-start
scs
__scs_entry_jumppad:
0x0: {  	(pc) =	sbr.rel $0x88, $3  }
0x1: {  	(tag) =	ssettag $0x0;
	lr =	simm.s32 $0x1  }
0x2: {  	[smem:$0x3F93] =	sst lr;
	_ =	strace $0xD0000000  }
0x3: {  	_ = 	snop  }
0x4: {  	_ = 	snop  }
0x5: {  	_ = 	snop  }
0x6: {  	_ = 	snop  }
0x7: {  	_ = 	snop  }
__scs_overlays_trampoline_lowered:
0x8: {  	[smem:$0x3FA2] =	sst s0  }
0x9: {  	[smem:$0x3FA3] =	sst s1  }
0xa: {  	[smem:$0x3FA4] =	sst s2  }
0xb: {  	[smem:$0x3FA5] =	sst s3  }
0xc: {  	[smem:$0x3FA6] =	sst s4  }
0xd: {  	[smem:$0x3FA7] =	sst s5  }
0xe: {  	[smem:$0x3FA8] =	sst s6  }
0xf: {  	[smem:$0x3FA9] =	sst s7  }
0x10: {  	[smem:$0x3FAA] =	sst s8  }
0x11: {  	[smem:$0x3FAB] =	sst s9;
	s0 =	simm.s32 @!p0 $0x0  }
0x12: {  	s1 =	sld [smem:$0x3F91];
	s0 =	simm.s32 @p0 $0x1  }
0x13: {  	[smem:$0x3FAC] =	sst s0;
	s0 =	simm.s32 @!p1 $0x0  }
0x14: {  	s2 =	sld [smem:$0x3F90];
	s0 =	simm.s32 @p1 $0x1  }
0x15: {  	[smem:$0x3FAD] =	sst s0;
	s0 =	simm.s32 @!p2 $0x0  }
0x16: {  	s3 =	sld [smem:$0x3FDB];
	s0 =	simm.s32 @p2 $0x1  }
0x17: {  	s4 =	simm.s32 $0x1BF5;
	[smem:$0x3FAF] =	sst s0  }
0x18: {  	s0 =	sld [smem:$0x3F92];
	_ =	swait.ge [sflag:s4], $0x0  }
0x19: {  	s7 =	sld [smem:$0x3F93]  }
0x1a: {  	s8 =	sadd.s32 $0xFFFFE003, lr  }
0x1b: {  	s9 =	sadd.s32 $0xFFFFFEF7, lr;
	s5 =	simm.s32 $0xFFFFFFFF;
	p2 =	slt.u32 s8, $0xFFFFF086  }
0x1c: {  	p1 =	slt.u32 s9, $0xF7A;
	s5 =	simm.s32 @!p2 $0x0  }
0x1d: {  	s5 =	simm.s32 @p1 $0x1;
	p0 =	seq.s32 s7, s2  }
0x1e: {  	s7 =	smul.u32 @!p0 $0xF7A, s2;
	p2 =	seq.s32 @!p0 s5, $0x0  }
0x1f: {  	s9 =	smul.u32 $0xF7A, s1;
	s8 =	simm.s32 @!p0 $0x1BF5;
	p2 =	por !p2, p0  }
0x20: {  	[sflag:s8] =	ssyncset.s32 @!p0 $0xFFFFF086;
	s6 =	sadd.s32 @!p0 s3, s7;
	s7 =	simm.s32 @!p0 $0x108  }
0x21: {  	s3 =	sadd.s32 s3, s9;
	s6 =	sadd.s32 @!p0 $0x88, s6;
	s7 =	simm.s32 @p2 $0x1082  }
0x22: {  	[simem:s7], [sflag:s8] =	dma.local @!p0 [hbm:s6], $0xF7A  }
0x23: {  	s9 =	sor.u32 $0xD0000000, s2;
	s6 =	simm.s32 $0x108;
	_ =	swait.ge @!p0 [sflag:s8], $0x0  }
0x24: {  	s3 =	sadd.s32 $0x88, s3;
	s6 =	simm.s32 @!p1 $0x1082;
	[sflag:s4] =	ssyncset.s32 $0xFFFFF086  }
0x25: {  	[simem:s6], [sflag:s4] =	dma.local [hbm:s3], $0xF7A  }
0x26: {  	[smem:$0x3F93] =	sst s1;
	(tag) =	ssettag s2;
	_ =	strace s9  }
0x27: {  	s1 =	sld [smem:$0x3FA3]  }
0x28: {  	s2 =	sld [smem:$0x3FA4]  }
0x29: {  	s4 =	sld [smem:$0x3FA6]  }
0x2a: {  	p0 =	seq.s32 s5, $0x0;
	s5 =	sld [smem:$0x3FA7]  }
0x2b: {  	s6 =	sld [smem:$0x3FA8]  }
0x2c: {  	s7 =	sld [smem:$0x3FA9]  }
0x2d: {  	s3 =	simm.s32 $0x108;
	s8 =	sld [smem:$0x3FAA]  }
0x2e: {  	s3 =	simm.s32 @!p0 $0x1082;
	s9 =	sld [smem:$0x3FAB]  }
0x2f: {  	lr =	sadd.s32 s0, s3;
	s0 =	sld [smem:$0x3FA2]  }
0x30: {  	s3 =	sld [smem:$0x3FA5]  }
0x31: {  	[smem:$0x3FAE] =	sst s10  }
0x32: {  	s10 =	sld [smem:$0x3FAC];
	_ =	sdelay $0x3  }
0x33: {  	p0 =	seq.s32 s10, $0x1;
	s10 =	sld [smem:$0x3FAE];
	_ =	sdelay $0x3  }
0x34: {  	[smem:$0x3FAE] =	sst s10  }
0x35: {  	s10 =	sld [smem:$0x3FAD];
	_ =	sdelay $0x3  }
0x36: {  	p1 =	seq.s32 s10, $0x1;
	s10 =	sld [smem:$0x3FAE];
	_ =	sdelay $0x3  }
0x37: {  	[smem:$0x3FAE] =	sst s10  }
0x38: {  	s10 =	sld [smem:$0x3FAF]  }
0x39: {  	_ = 	snop;
	(pc) =	sbr.ind lr, $3  }
0x3a: {  	_ = 	snop  }
0x3b: {  	_ = 	snop  }
0x3c: {  	p2 =	seq.s32 s10, $0x1;
	s10 =	sld [smem:$0x3FAE]  }
0x3d: {  	_ =	shalt  }
0x3e: {  	_ =	shalt  }
0x3f: {  	_ =	shalt  }
0x40: {  	_ =	shalt  }
0x41: {  	_ =	shalt  }
0x42: {  	_ =	shalt  }
0x43: {  	_ =	shalt  }
0x44: {  	_ =	shalt  }
0x45: {  	_ =	shalt  }
0x46: {  	_ =	shalt  }
0x47: {  	_ =	shalt  }
0x48: {  	_ =	shalt  }
0x49: {  	_ =	shalt  }
0x4a: {  	_ =	shalt  }
0x4b: {  	_ =	shalt  }
0x4c: {  	_ =	shalt  }
0x4d: {  	_ =	shalt  }
0x4e: {  	_ =	shalt  }
0x4f: {  	_ =	shalt  }
0x50: {  	_ =	shalt  }
0x51: {  	_ =	shalt  }
0x52: {  	_ =	shalt  }
0x53: {  	_ =	shalt  }
0x54: {  	_ =	shalt  }
0x55: {  	_ =	shalt  }
0x56: {  	_ =	shalt  }
0x57: {  	_ =	shalt  }
0x58: {  	_ =	shalt  }
0x59: {  	_ =	shalt  }
0x5a: {  	_ =	shalt  }
0x5b: {  	_ =	shalt  }
0x5c: {  	_ =	shalt  }
0x5d: {  	_ =	shalt  }
0x5e: {  	_ =	shalt  }
0x5f: {  	_ =	shalt  }
0x60: {  	_ =	shalt  }
0x61: {  	_ =	shalt  }
0x62: {  	_ =	shalt  }
0x63: {  	_ =	shalt  }
0x64: {  	_ =	shalt  }
0x65: {  	_ =	shalt  }
0x66: {  	_ =	shalt  }
0x67: {  	_ =	shalt  }
0x68: {  	_ =	shalt  }
0x69: {  	_ =	shalt  }
0x6a: {  	_ =	shalt  }
0x6b: {  	_ =	shalt  }
0x6c: {  	_ =	shalt  }
0x6d: {  	_ =	shalt  }
0x6e: {  	_ =	shalt  }
0x6f: {  	_ =	shalt  }
0x70: {  	_ =	shalt  }
0x71: {  	_ =	shalt  }
0x72: {  	_ =	shalt  }
0x73: {  	_ =	shalt  }
0x74: {  	_ =	shalt  }
0x75: {  	_ =	shalt  }
0x76: {  	_ =	shalt  }
0x77: {  	_ =	shalt  }
0x78: {  	_ =	shalt  }
0x79: {  	_ =	shalt  }
0x7a: {  	_ =	shalt  }
0x7b: {  	_ =	shalt  }
0x7c: {  	_ =	shalt  }
0x7d: {  	_ =	shalt  }
0x7e: {  	_ =	shalt  }
0x7f: {  	_ =	shalt  }
0x80: {  	_ =	shalt  }
0x81: {  	_ =	shalt  }
0x82: {  	_ =	shalt  }
0x83: {  	_ =	shalt  }
0x84: {  	_ =	shalt  }
0x85: {  	_ =	shalt  }
0x86: {  	_ =	shalt  }
0x87: {  	_ =	shalt  }
.Lfunc_end0:
.L_simem_size_0:
called_computation.1_lowered:
.L_overlay_start_0:
0x88: {  	s2 =	sld [smem:$0x3FD9]  }
0x89: {  	s3 =	sld [smem:$0x3FFE];
	_ =	sdelay $0x1  }
0x8a: {  	s1 =	srdreg.scid  }
0x8b: {  	s0 =	sand.u32 $0x1, s1  }
0x8c: {  	s16 =	sshll.u32 s0, $0xA;
	s2 =	sadd.s32 s3, s2  }
0x8d: {  	s2 =	sadd.s32 s2, s16  }
0x8e: {  	[smem:$0x3FBA] =	sst s2  }
0x8f: {  	_ = 	snop  }
0x90: {  	(tm) =	ssettm $0x1  }
0x91: {  	s17 =	sld [smem:$0x3FFB];
	_ =	sdelay $0x3  }
0x92: {  	_ =	strace s17  }
0x93: {  	s2 =	sld [smem:$0x3FFC];
	_ =	sdelay $0x3  }
0x94: {  	_ =	strace s2  }
0x95: {  	s2 =	sld [smem:$0x3FFD];
	_ =	sdelay $0x3  }
0x96: {  	_ =	strace s2  }
0x97: {  	_ =	strace $0x8FFFFFFF  }
0x98: {  	s18 =	sld [smem:$0x3FDB];
	_ =	sdelay $0x1  }
0x99: {  	s19 =	simm.s32 $_scs_section_size  }
0x9a: {  	s4 =	simm.s32 $_size__tile_overlayer_lowered;
	s5 =	simm.s32 $_tile_overlayer_lowered  }
0x9b: {  	s22 =	simm.s32 $0x1BFF;
	s21 =	sshll.u32 s5, $0x1;
	s2 =	sadd.s32 s19, s18  }
0x9c: {  	s6 =	simm.s32 $0x0;
	s20 =	sshll.u32 s4, $0x1;
	s4 =	sadd.s32 s21, s2  }
0x9d: {  	[timem:s6], [sflag:s22] =	dma.local [hbm:s4], s20  }
0x9e: {  	_ =	swait.ge [sflag:s22], s20  }
0x9f: {  	s3 =	ssub.s32 $0x0, s20;
	[sflag:s22] =	ssyncset.done $0x0  }
0xa0: {  	[sflag:s22] =	ssyncadd.s32 s3;
	_ =	sdelay $0x1  }
0xa1: {  	s23 =	simm.s32 $0x1B8B  }
0xa2: {  	_ =	swait.ge [sflag:s23], $0x1  }
0xa3: {  	[sflag:s23] =	ssyncset.done $0x0  }
0xa4: {  	s25 =	simm.s32 $0x1B8E;
	s24 =	sld [smem:$0x3FFE];
	[sflag:s23] =	ssyncadd.s32 $0xFFFFFFFF  }
0xa5: {  	s26 =	simm.s32 $execute0_lowered;
	[smem:$0x3FD2] =	sst s25  }
0xa6: {  	s4 =	sshll.u32 s26, $0x1;
	_ =	strace $0x80000049;
	[dreg:$0x1] =	wrdreg $0xFFFFFFFF  }
0xa7: {  	s28 =	simm.s32 $_size_execute0_lowered;
	s2 =	sadd.s32 s2, s4;
	[dreg:$0x0] =	wrdreg $0x0  }
0xa8: {  	s4 =	sshll.u32 s28, $0x1;
	[dreg:$0x2] =	wrdreg s2  }
0xa9: {  	[dreg:$0x3] =	wrdreg s4  }
0xaa: {  	[dreg:$0x4] =	wrdreg $0xC0  }
0xab: {  	_ =	task [dreg:s6], $0x5FFFF  }
0xac: {  	[dreg:$0x1] =	wrdreg $0xFFFFFFFF  }
0xad: {  	[dreg:$0x0] =	wrdreg $0x60  }
0xae: {  	[dreg:$0x2] =	wrdreg s24  }
0xaf: {  	[dreg:$0x3] =	wrdreg $0x0  }
0xb0: {  	[dreg:$0x4] =	wrdreg $0x9  }
0xb1: {  	_ =	task.clear_ibuf [dreg:s6], $0x5FFFF;
	_ =	strace $0x90000049  }
0xb2: {  	s29 =	simm.s32 $0x9;
	_ =	strace $0x8000004B  }
0xb3: {  	_ =	swait.ge [sflag:s29], $0x1  }
0xb4: {  	[sflag:s29] =	ssyncadd.s32 $0xFFFFFFFF  }
0xb5: {  	_ =	strace $0x9000004B  }
0xb6: {  	_ =	sfence  }
0xb7: {  	s30 =	sld [smem:$0x0];
	_ =	sdelay $0x2  }
0xb8: {  	s31 =	sshll.u32 s1, $0xD;
	s1 =	sshrl.u32 s1, $0x2  }
0xb9: {  	s3 =	sand.u32 $0x4000, s31;
	s1 =	sadd.s32 s1, s30  }
0xba: {  	s0 =	sor.u32 s3, s0;
	s1 =	sshll.u32 s1, $0x11  }
0xbb: {  	s0 =	sor.u32 s1, s0  }
0xbc: {  	s0 =	sadd.s32 $0x8F2B, s0  }
0xbd: {  	[sflag:s0] =	ssyncadd.remote.s32 $0x1  }
0xbe: {  	_ =	sfence.sel $0xFFFF  }
0xbf: {  	[dreg:$0x0] =	wrdreg $0xFFFFFFFF;
	(pc) =	sbr.abs _section_cstart, $3  }
0xc0: {  	[dreg:$0x1] =	wrdreg $0xFFFFFFFF  }
0xc1: {  	_ =	task.clear_ibuf [dreg:s6], $0x2FFFF;
	_ =	strace $0x9FFFFFFF  }
0xc2: {  	(tm) =	ssettm $0x7FFFFFFF  }
0xc3: {  	_ =	shalt  }
tec
execute0_lowered:
.L_overlay_start_1:
0x0: {  	(tag) =	ssettag $0x1  }
0x1: {  	s0 =	srdreg.scid;
	s1 =	rddreg [dreg:$0x0]  }
0x2: {  	s2 =	rddreg [dreg:$0x1];
	s24 =	stileid.u32;
	s3 =	simm.s32 $0x0  }
0x3: {  	s29 =	simm.s32 $0x13C80;
	s0 =	sand.u32 $0x1, s0;
	s9 =	smul.u32 $0x2800, s24  }
0x4: {  	s30 =	simm.s32 $0x9;
	s8 =	sor.u32 $0x10, s24;
	s7 =	smul.u32 $0x138800, s0  }
0x5: {  	s31 =	simm.s32 $0x13B00;
	s11 =	sor.u32 $0x20, s24;
	s12 =	smul.u32 $0x2800, s8  }
0x6: {  	[smem:$0x7FF] =	sst s3;
	s15 =	sor.u32 $0x30, s24;
	s13 =	smul.u32 $0x2800, s11  }
0x7: {  	s10 =	sadd.s32 $0x33BC00, s1;
	s16 =	sor.u32 $0x40, s24;
	s17 =	smul.u32 $0x2800, s15  }
0x8: {  	s19 =	sor.u32 $0x50, s24;
	s20 =	sor.u32 $0x60, s24;
	s28 =	smul.u32 $0x2800, s16  }
0x9: {  	s21 =	sor.u32 $0x70, s24;
	s4 =	sshll.u32 s0, $0x4;
	s18 =	smul.u32 $0x2800, s19  }
0xa: {  	_ =	strace $0x8000004A;
	s0 =	ssub.s32 $0x2, s0;
	s22 =	smul.u32 $0x2800, s20  }
0xb: {  	s23 =	smul.u32 $0x2800, s21;
	s5 =	sor.u32 s24, s4;
	s14 =	sshrl.u32 s0, $0x1  }
0xc: {  	p0 =	sgt.u32 s21, $0x7C;
	s6 =	smul.u32 $0xFA, s5;
	s0 =	ssub.s32 s0, s14  }
0xd: {  	s9 =	sadd.s32 s7, s9;
	s12 =	sadd.s32 s7, s12;
	s13 =	sadd.s32 s7, s13  }
0xe: {  	s17 =	sadd.s32 s7, s17;
	s14 =	sadd.s32 s7, s28;
	s18 =	sadd.s32 s7, s18  }
0xf: {  	s22 =	sadd.s32 s7, s22;
	s7 =	sadd.s32 s7, s23;
	s23 =	smul.u32 $0xEA60, s5  }
0x10: {  	s4 =	sadd.s32 $0x7CA00, s1;
	s5 =	smul.u32 $0x1D4C, s5;
	s9 =	sshrl.u32 s9, $0x3  }
0x11: {  	s12 =	sshrl.u32 s12, $0x3;
	s25 =	sshrl.u32 s13, $0x3;
	s26 =	sshrl.u32 s17, $0x3  }
0x12: {  	s28 =	sshrl.u32 s14, $0x3;
	s17 =	sshrl.u32 s18, $0x3;
	s0 =	smax.u32 s0, $0x1  }
0x13: {  	s18 =	sshrl.u32 s22, $0x3;
	s9 =	sadd.s32 s10, s9;
	[dreg:$0xd] =	wrdreg s0  }
0x14: {  	s7 =	sshrl.u32 s7, $0x3;
	s12 =	sadd.s32 s10, s12;
	[dreg:$0x3] =	wrdreg s9  }
0x15: {  	s13 =	sadd.s32 $0x3C800, s1;
	s14 =	sadd.s32 s10, s28;
	[dreg:$0x4] =	wrdreg s12  }
0x16: {  	s22 =	sadd.s32 s10, s18;
	s7 =	sadd.s32 s10, s7;
	[dreg:$0x7] =	wrdreg s14  }
0x17: {  	s28 =	smul.u32 $0xA000, s8;
	s5 =	sadd.s32 s13, s5;
	[dreg:$0x9] =	wrdreg s22  }
0x18: {  	s18 =	sadd.s32 $0x3, s6;
	s9 =	sadd.s32 s10, s25;
	[dreg:$0xa] =	wrdreg s7  }
0x19: {  	s12 =	sadd.s32 s10, s26;
	s25 =	sshrl.u32 s23, $0x3;
	[dreg:$0xb] =	wrdreg s5  }
0x1a: {  	s14 =	sadd.s32 $0x77200, s1;
	s5 =	smul.u32 $0xA000, s24;
	[dreg:$0x5] =	wrdreg s9  }
0x1b: {  	s9 =	sadd.s32 s10, s17;
	s17 =	sadd.s32 $0x2, s6;
	s6 =	smul.u32 $0xA000, s11  }
0x1c: {  	s7 =	simm.s32 $0x2;
	[dreg:$0x6] =	wrdreg s12;
	s11 =	smul.u32 $0xA000, s16  }
0x1d: {  	s26 =	sadd.s32 s13, s25;
	[dreg:$0x8] =	wrdreg s9;
	s9 =	smul.u32 $0xA000, s15  }
0x1e: {  	s10 =	sshrl.u32 s28, $0x2;
	s1 =	sadd.s32 $0x1E, s26;
	s15 =	smul.u32 $0xA000, s19  }
0x1f: {  	s8 =	sshrl.u32 s5, $0x2;
	s26 =	sadd.s32 s10, s2;
	s19 =	smul.u32 $0xA000, s20  }
0x20: {  	s20 =	smul.u32 $0xA000, s21;
	s5 =	simm.s32 $0x50;
	s10 =	simm.s32 $0x13C00  }
0x21: {  	[dreg:$0xc] =	wrdreg s1;
	s25 =	sadd.s32 s8, s2;
	s12 =	sshrl.u32 s6, $0x2  }
0x22: {  	s6 =	sshrl.u32 s11, $0x2;
	s8 =	simm.s32 $0x16480;
	s11 =	simm.s32 $0x3  }
0x23: {  	s1 =	simm.s32 $0xA;
	[dreg:$0xf] =	wrdreg s26;
	s0 =	sadd.s32 s12, s2  }
0x24: {  	s16 =	sshrl.u32 s9, $0x2;
	s21 =	sadd.s32 s6, s2;
	s22 =	sshrl.u32 s15, $0x2  }
0x25: {  	s23 =	sshrl.u32 s19, $0x2;
	s24 =	sshrl.u32 s20, $0x2;
	[dreg:$0xe] =	wrdreg s25  }
0x26: {  	s6 =	simm.s32 $0x13B80;
	s9 =	simm.s32 $0x139D0;
	[dreg:$0x10] =	wrdreg s0  }
0x27: {  	s12 =	simm.s32 $0x5;
	s0 =	sadd.s32 s16, s2;
	[dreg:$0x12] =	wrdreg s21  }
0x28: {  	s15 =	simm.s32 $0x13A80;
	s28 =	sadd.s32 s24, s2;
	[dreg:$0x11] =	wrdreg s0  }
0x29: {  	s19 =	simm.s32 $0x6;
	s0 =	sadd.s32 s22, s2;
	[dreg:$0x15] =	wrdreg s28  }
0x2a: {  	s20 =	simm.s32 $0x0;
	[dreg:$0x13] =	wrdreg s0;
	s0 =	sadd.s32 s23, s2  }
0x2b: {  	v0 =	vimm.f32 $0.0e+00;
	s16 =	simm.s32 $0x4;
	[dreg:$0x14] =	wrdreg s0;
	s0 =	simm.s32 $0x13980  }
.LBB2_1:
0x2c: {  	s21 =	sand.u32 $0xFE00, s3  }
0x2d: {  	s22 =	sand.u32 $0x70, s3;
	s23 =	sshrl.u32 s21, $0x2  }
0x2e: {  	s21 =	simm.s32 $0x40;
	s23 =	sor.u32 s22, s23;
	s22 =	simm.s32 $0x0  }
.LBB2_2:
0x2f: {  	p1 =	sne.s32 s21, $0x9FC0  }
0x30: {  	[tilespmem:s23+$0x13C80] =	vst v0;
	s22 =	sadd.s32 $0x10, s22;
	s23 =	smov.u32 s21;
	s21 =	sadd.s32 $0x40, s21  }
.Ltmp0:
0x31: {  	(pc) =	sbr.rel @p1 .LBB2_2-.Ltmp0, $4  }
0x32: {  	_ = 	snop  }
0x33: {  	s23 =	sand.u32 $0xFE00, s23  }
0x34: {  	s24 =	sand.u32 $0x70, s22;
	s23 =	sshrl.u32 s23, $0x2  }
0x35: {  	s23 =	sor.u32 s24, s23  }
0x36: {  	[tilespmem:s23+$0x13C80] =	vst v0  }
0x37: {  	[spmem:s25] =	stream.linear.scatter [tilespmem:s29], [sflag:$0x9], $0x2800, $0x38;
	[tilespmem:$0x18C80] =	vst v63  }
0x38: {  	_ =	swait.ge [sflag:s30], $0x2800  }
0x39: {  	[sflag:s30] =	ssyncset.done $0x0  }
0x3a: {  	[sflag:s30] =	ssyncadd.s32 $0xFFFFD800  }
0x3b: {  	[spmem:s26] =	stream.linear.scatter [tilespmem:s29], [sflag:$0x9], $0x2800, $0x38;
	[tilespmem:$0x18C80] =	vst v63  }
0x3c: {  	_ =	swait.ge [sflag:s30], $0x2800  }
0x3d: {  	[sflag:s30] =	ssyncset.done $0x0  }
0x3e: {  	s21 =	rddreg [dreg:$0x10];
	[sflag:s30] =	ssyncadd.s32 $0xFFFFD800  }
0x3f: {  	[spmem:s21] =	stream.linear.scatter [tilespmem:s29], [sflag:$0x9], $0x2800, $0x38;
	[tilespmem:$0x18C80] =	vst v63  }
0x40: {  	_ =	swait.ge [sflag:s30], $0x2800  }
0x41: {  	[sflag:s30] =	ssyncset.done $0x0  }
0x42: {  	s25 =	rddreg [dreg:$0x11];
	[sflag:s30] =	ssyncadd.s32 $0xFFFFD800  }
0x43: {  	[spmem:s25] =	stream.linear.scatter [tilespmem:s29], [sflag:$0x9], $0x2800, $0x38;
	[tilespmem:$0x18C80] =	vst v63  }
0x44: {  	_ =	swait.ge [sflag:s30], $0x2800  }
0x45: {  	[sflag:s30] =	ssyncset.done $0x0  }
0x46: {  	s26 =	rddreg [dreg:$0x12];
	[sflag:s30] =	ssyncadd.s32 $0xFFFFD800  }
0x47: {  	[spmem:s26] =	stream.linear.scatter [tilespmem:s29], [sflag:$0x9], $0x2800, $0x38;
	[tilespmem:$0x18C80] =	vst v63  }
0x48: {  	_ =	swait.ge [sflag:s30], $0x2800  }
0x49: {  	[sflag:s30] =	ssyncset.done $0x0  }
0x4a: {  	s28 =	rddreg [dreg:$0x13];
	[sflag:s30] =	ssyncadd.s32 $0xFFFFD800  }
0x4b: {  	[spmem:s28] =	stream.linear.scatter [tilespmem:s29], [sflag:$0x9], $0x2800, $0x38;
	[tilespmem:$0x18C80] =	vst v63  }
0x4c: {  	_ =	swait.ge [sflag:s30], $0x2800  }
0x4d: {  	[sflag:s30] =	ssyncset.done $0x0  }
0x4e: {  	s22 =	rddreg [dreg:$0x14];
	[sflag:s30] =	ssyncadd.s32 $0xFFFFD800  }
0x4f: {  	[spmem:s22] =	stream.linear.scatter [tilespmem:s29], [sflag:$0x9], $0x2800, $0x38;
	[tilespmem:$0x18C80] =	vst v63  }
0x50: {  	_ =	swait.ge [sflag:s30], $0x2800  }
0x51: {  	[sflag:s30] =	ssyncset.done $0x0  }
0x52: {  	s21 =	simm.s32 @!p0 $0x13C80;
	s22 =	rddreg [dreg:$0x15];
	[sflag:s30] =	ssyncadd.s32 $0xFFFFD800  }
0x53: {  	[spmem:s22] =	stream.linear.scatter @!p0 [tilespmem:s21], [sflag:$0x9], $0x2800, $0x38;
	[tilespmem:$0x18C80] =	vst v63  }
0x54: {  	s21 =	simm.s32 @!p0 $0x9  }
0x55: {  	_ =	swait.ge @!p0 [sflag:s21], $0x2800  }
0x56: {  	[sflag:s21] =	ssyncset.done @!p0 $0x0  }
0x57: {  	[sflag:s21] =	ssyncadd.s32 @!p0 $0xFFFFD800  }
0x58: {  	[bflag:$0x0] =	sbarrier.arrive $0xFFFF  }
0x59: {  	s24 =	simm.s32 $0x13880;
	s21 =	simm.s32 $0x0;
	s23 =	rddreg [dreg:$0xb]  }
0x5a: {  	[tilespmem:s24], [sflag:$0x1] =	stream.linear.gather [hbm4b:s23+s21], $0xF0, $0x38;
	[tilespmem:$0x18C80] =	vst v63  }
0x5b: {  	s26 =	simm.s32 $0x1;
	s25 =	rddreg [dreg:$0xc]  }
0x5c: {  	[tilespmem:s0], [sflag:$0x2] =	stream.linear.gather [hbm4b:s25+s21], $0xF0, $0x38;
	[tilespmem:$0x18C80] =	vst v63  }
0x5d: {  	_ =	swait.ge [sflag:s26], $0xF0  }
0x5e: {  	[sflag:s26] =	ssyncset.done $0x0  }
0x5f: {  	[sflag:s26] =	ssyncadd.s32 $0xFFFFFF10  }
0x60: {  	[tilespmem:s29], [sflag:$0x3] =	stream.indirect.gather [hbm4b:s4+s5], $0x80, s24, s5, $0xb8;
	[tilespmem:$0x18C80] =	vst v63  }
0x61: {  	s28 =	simm.s32 $0x138D0  }
0x62: {  	[tilespmem:s6], [sflag:$0x5] =	stream.indirect.gather [hbm4b:s14+s5], $0x1, s28, s5, $0xb8;
	[tilespmem:$0x18C80] =	vst v63  }
.LBB2_4:
0x63: {  	_ =	swait.ge [sflag:s7], $0xF0  }
0x64: {  	p1 =	seq.s32 s21, $0x0;
	[sflag:s7] =	ssyncset.done $0x0  }
0x65: {  	s22 =	simm.s32 @!p1 $0x8;
	[sflag:s7] =	ssyncadd.s32 $0xFFFFFF10  }
0x66: {  	_ =	swait.ge @!p1 [sflag:s22], $0x2800  }
0x67: {  	[sflag:s22] =	ssyncset.done @!p1 $0x0  }
0x68: {  	[sflag:s22] =	ssyncadd.s32 @!p1 $0xFFFFD800  }
0x69: {  	[tilespmem:s8], [sflag:$0x4] =	stream.indirect.gather [hbm4b:s4+s5], $0x80, s0, s5, $0xb8;
	[tilespmem:$0x18C80] =	vst v63  }
0x6a: {  	_ = 	snop  }
0x6b: {  	[tilespmem:s10], [sflag:$0x6] =	stream.indirect.gather [hbm4b:s14+s5], $0x1, s9, s5, $0xb8;
	[tilespmem:$0x18C80] =	vst v63  }
0x6c: {  	_ =	swait.ge [sflag:s11], $0x2800  }
0x6d: {  	[sflag:s11] =	ssyncset.done $0x0  }
0x6e: {  	[sflag:s11] =	ssyncadd.s32 $0xFFFFD800  }
0x6f: {  	_ =	swait.ge [sflag:s12], $0x50  }
0x70: {  	[sflag:s12] =	ssyncset.done $0x0  }
0x71: {  	s23 =	simm.s32 $0x0;
	[sflag:s12] =	ssyncadd.s32 $0xFFFFFFB0  }
0x72: {  	s24 =	simm.s32 $0x40;
	s22 =	sshll.u32 s21, $0x1;
	v1 =	vld [tilespmem:s23+$0x13920]  }
.LBB2_5:
0x73: {  	p1 =	sne.s32 s24, $0x100  }
.Ltmp1:
0x74: {  	_ = 	snop;
	(pc) =	sbr.rel @p1 .LBB2_5-.Ltmp1, $3  }
0x75: {  	_ =	sdelay $0x1  }
0x76: {  	[tilespmem:s23+$0x13A80] =	vst v1;
	s23 =	sshra.s32 s24, $0x2;
	s24 =	sadd.s32 $0x40, s24  }
0x77: {  	v1 =	vld [tilespmem:s23+$0x13920]  }
0x78: {  	s24 =	simm.s32 $0x0;
	p1 =	seq.s32 s21, $0x7C  }
0x79: {  	v2 =	vmov s24;
	s24 =	sadd.s32 @!p1 s22, s17  }
0x7a: {  	s24 =	smul.u32 @!p1 $0x1E, s24  }
0x7b: {  	s25 =	simm.s32 $0x2  }
0x7c: {  	v3 =	vmov s25;
	s25 =	simm.s32 @!p1 $0x13880;
	v2 =	vand.u32 $0xFFFFFFFC, v2;
	[tilespmem:s23+$0x13A80] =	vst v1;
	s23 =	sadd.s32 @!p1 s13, s24;
	s24 =	simm.s32 @!p1 $0x0  }
0x7d: {  	v3 =	vand.u32 $0xFFFFFFFE, v3;
	v2 =	vbroadcast v2, $0x0;
	[tilespmem:s25], [sflag:$0x1] =	stream.linear.gather @!p1 [hbm4b:s23+s24], $0xF0, $0x38;
	[tilespmem:$0x18C80] =	vst v63  }
0x7e: {  	v3 =	vbroadcast v3, $0x0;
	s23 =	simm.s32 $0x13D80  }
0x7f: {  	v4 =	vld [tilespmem:s23+$0x70]  }
0x80: {  	v5 =	vld [tilespmem:s23+$0xFFFFFF00]  }
0x81: {  	v6 =	vld [tilespmem:s23+$0xFFFFFF10]  }
0x82: {  	v7 =	vld [tilespmem:s23+$0xFFFFFF20]  }
0x83: {  	s26 =	simm.s32 $0x1;
	v1 =	vld.idx.msk [tilespmem:v2+s6+$0x0], $0xffff  }
0x84: {  	v2 =	vld.idx.msk [tilespmem:v3+s6+$0x0], $0xffff;
	v3 =	vmov s26  }
0x85: {  	v8 =	vld [tilespmem:s23+$0xFFFFFF30];
	v3 =	vand.u32 $0xFFFFFFFD, v3  }
0x86: {  	v9 =	vld [tilespmem:s23+$0xFFFFFF40];
	v3 =	vbroadcast v3, $0x0  }
0x87: {  	v10 =	vld [tilespmem:s23+$0xFFFFFF50]  }
0x88: {  	v11 =	vld [tilespmem:s23+$0xFFFFFF60];
	v5 =	vmul.f32 v5, v1  }
0x89: {  	v13 =	vld [tilespmem:s23+$0x40];
	v4 =	vmul.f32 v4, v2  }
0x8a: {  	[tilespmem:s23+$0xFFFFFF00] =	vst v5;
	v5 =	vmul.f32 v6, v1;
	v6 =	vld [tilespmem:s23+$0xFFFFFF70]  }
0x8b: {  	[tilespmem:s23+$0x70] =	vst v4;
	v4 =	vmul.f32 v7, v1;
	v7 =	vld [tilespmem:s23+$0xFFFFFF80]  }
0x8c: {  	v3 =	vld.idx.msk [tilespmem:v3+s6+$0x0], $0xffff;
	[tilespmem:s23+$0xFFFFFF10] =	vst v5;
	v5 =	vmul.f32 v8, v1  }
0x8d: {  	v8 =	vld [tilespmem:s23+$0xFFFFFF90];
	[tilespmem:s23+$0xFFFFFF20] =	vst v4;
	v4 =	vmul.f32 v9, v1  }
0x8e: {  	v9 =	vld [tilespmem:s23+$0xFFFFFFA0];
	[tilespmem:s23+$0xFFFFFF30] =	vst v5;
	v5 =	vmul.f32 v10, v1  }
0x8f: {  	v10 =	vld [tilespmem:s23+$0xFFFFFFB0];
	[tilespmem:s23+$0xFFFFFF40] =	vst v4;
	v4 =	vmul.f32 v11, v1  }
0x90: {  	v11 =	vld [tilespmem:s23+$0xFFFFFFC0];
	v6 =	vmul.f32 v6, v1;
	[tilespmem:s23+$0xFFFFFF50] =	vst v5  }
0x91: {  	v5 =	vmul.f32 v7, v3;
	v7 =	vld [tilespmem:s23+$0xFFFFFFD0];
	[tilespmem:s23+$0xFFFFFF60] =	vst v4  }
0x92: {  	s28 =	simm.s32 $0x3;
	v4 =	vld [tilespmem:s23+$0xFFFFFFE0];
	v8 =	vmul.f32 v8, v3;
	[tilespmem:s23+$0xFFFFFF70] =	vst v6  }
0x93: {  	v12 =	vmov s28;
	v6 =	vld [tilespmem:s23+$0xFFFFFFF0];
	[tilespmem:s23+$0xFFFFFF80] =	vst v5;
	v5 =	vmul.f32 v9, v3  }
0x94: {  	v9 =	vld [tilespmem:s23+$0x0];
	[tilespmem:s23+$0xFFFFFF90] =	vst v8;
	v8 =	vmul.f32 v10, v3  }
0x95: {  	v10 =	vld [tilespmem:s23+$0x10];
	[tilespmem:s23+$0xFFFFFFA0] =	vst v5;
	v5 =	vmul.f32 v11, v3  }
0x96: {  	[tilespmem:s23+$0xFFFFFFB0] =	vst v8;
	v7 =	vmul.f32 v7, v3;
	v8 =	vld [tilespmem:s23+$0x20]  }
0x97: {  	v11 =	vld [tilespmem:s23+$0x30];
	v4 =	vmul.f32 v4, v3;
	[tilespmem:s23+$0xFFFFFFC0] =	vst v5  }
0x98: {  	v1 =	vld.idx.msk [tilespmem:v12+s6+$0x0], $0xffff;
	v3 =	vmul.f32 v6, v3;
	[tilespmem:s23+$0xFFFFFFD0] =	vst v7  }
0x99: {  	[tilespmem:s23+$0xFFFFFFE0] =	vst v4;
	v5 =	vmul.f32 v9, v2;
	v4 =	vld [tilespmem:s23+$0x50]  }
0x9a: {  	s25 =	simm.s32 $0x4;
	[tilespmem:s23+$0xFFFFFFF0] =	vst v3;
	v6 =	vmul.f32 v10, v2;
	v3 =	vld [tilespmem:s23+$0x60]  }
0x9b: {  	s26 =	simm.s32 $0x7;
	v7 =	vmov s25;
	[tilespmem:s23+$0x0] =	vst v5;
	v9 =	vmul.f32 v8, v2;
	v8 =	vld [tilespmem:s23+$0x80]  }
0x9c: {  	s28 =	simm.s32 $0x5;
	v12 =	vand.u32 $0xFFFFFFFC, v7;
	v7 =	vld [tilespmem:s23+$0x90];
	v5 =	vmov s26;
	v10 =	vmul.f32 v11, v2;
	[tilespmem:s23+$0x10] =	vst v6  }
0x9d: {  	s24 =	simm.s32 $0x13D80;
	s25 =	simm.s32 $0x8;
	s26 =	simm.s32 $0x6;
	v11 =	vmul.f32 v13, v2;
	v6 =	vbroadcast v12, $0x0;
	v12 =	vmov s28;
	[tilespmem:s23+$0x20] =	vst v9;
	v9 =	vld [tilespmem:s23+$0xA0]  }
.LBB2_7:
0x9e: {  	p2 =	slt.u32 s25, $0x4C;
	v12 =	vand.u32 $0xFFFFFFFD, v12;
	v13 =	vmov s26;
	[tilespmem:s23+$0x30] =	vst v10;
	v4 =	vmul.f32 v4, v2;
	v10 =	vld [tilespmem:s23+$0xB0]  }
0x9f: {  	v12 =	vbroadcast v12, $0x0;
	v13 =	vand.u32 $0xFFFFFFFE, v13;
	[tilespmem:s23+$0x40] =	vst v11;
	v2 =	vmul.f32 v3, v2;
	v3 =	vld [tilespmem:s23+$0xC0]  }
0xa0: {  	v11 =	vbroadcast v13, $0x0;
	[tilespmem:s23+$0x50] =	vst v4;
	v4 =	vmul.f32 v8, v1;
	v8 =	vld [tilespmem:s23+$0xD0]  }
0xa1: {  	[tilespmem:s23+$0x60] =	vst v2;
	v2 =	vmul.f32 v7, v1;
	v7 =	vld [tilespmem:s23+$0xE0]  }
0xa2: {  	[tilespmem:s23+$0x80] =	vst v4;
	v4 =	vmul.f32 v9, v1;
	v9 =	vld [tilespmem:s23+$0xF0]  }
0xa3: {  	v5 =	vld.idx.msk [tilespmem:v5+s6+$0x0], $0xffff;
	[tilespmem:s23+$0x90] =	vst v2;
	v2 =	vmul.f32 v10, v1  }
0xa4: {  	v6 =	vld.idx.msk [tilespmem:v6+s6+$0x0], $0xffff;
	[tilespmem:s23+$0xA0] =	vst v4;
	v3 =	vmul.f32 v3, v1  }
0xa5: {  	v4 =	vld.idx.msk [tilespmem:v12+s6+$0x0], $0xffff;
	[tilespmem:s23+$0xB0] =	vst v2;
	v8 =	vmul.f32 v8, v1  }
0xa6: {  	s23 =	sadd.s32 $0x200, s23;
	v2 =	vld.idx.msk [tilespmem:v11+s6+$0x0], $0xffff;
	[tilespmem:s24+$0xC0] =	vst v3;
	v3 =	vmul.f32 v7, v1  }
0xa7: {  	v7 =	vld [tilespmem:s23+$0x70];
	[tilespmem:s24+$0xD0] =	vst v8;
	v9 =	vmul.f32 v9, v1  }
0xa8: {  	v8 =	vld [tilespmem:s23+$0xFFFFFF00];
	[tilespmem:s24+$0xE0] =	vst v3  }
0xa9: {  	v1 =	vmov v5;
	v3 =	vld [tilespmem:s23+$0xFFFFFF10];
	[tilespmem:s24+$0xF0] =	vst v9;
	s24 =	smov.u32 s23  }
0xaa: {  	v5 =	vld [tilespmem:s23+$0xFFFFFF20]  }
0xab: {  	v9 =	vld [tilespmem:s23+$0xFFFFFF30]  }
0xac: {  	v10 =	vld [tilespmem:s23+$0xFFFFFF40];
	v7 =	vmul.f32 v7, v2  }
0xad: {  	v8 =	vmul.f32 v8, v6;
	v11 =	vld [tilespmem:s23+$0xFFFFFF50]  }
0xae: {  	v3 =	vmul.f32 v3, v6;
	v12 =	vld [tilespmem:s23+$0xFFFFFF60];
	[tilespmem:s23+$0x70] =	vst v7  }
0xaf: {  	[tilespmem:s23+$0xFFFFFF00] =	vst v8;
	v5 =	vmul.f32 v5, v6;
	v7 =	vld [tilespmem:s23+$0xFFFFFF70]  }
0xb0: {  	[tilespmem:s23+$0xFFFFFF10] =	vst v3;
	v3 =	vmul.f32 v9, v6;
	v8 =	vld [tilespmem:s23+$0xFFFFFF80]  }
0xb1: {  	[tilespmem:s23+$0xFFFFFF20] =	vst v5;
	v5 =	vmul.f32 v10, v6;
	v9 =	vld [tilespmem:s23+$0xFFFFFF90]  }
0xb2: {  	[tilespmem:s23+$0xFFFFFF30] =	vst v3;
	v3 =	vmul.f32 v11, v6;
	v10 =	vld [tilespmem:s23+$0xFFFFFFA0]  }
0xb3: {  	[tilespmem:s23+$0xFFFFFF40] =	vst v5;
	v5 =	vmul.f32 v12, v6;
	v11 =	vld [tilespmem:s23+$0xFFFFFFB0]  }
0xb4: {  	[tilespmem:s23+$0xFFFFFF50] =	vst v3;
	v3 =	vmul.f32 v7, v6;
	v6 =	vld [tilespmem:s23+$0xFFFFFFC0]  }
0xb5: {  	[tilespmem:s23+$0xFFFFFF60] =	vst v5;
	v5 =	vmul.f32 v8, v4;
	v7 =	vld [tilespmem:s23+$0xFFFFFFD0]  }
0xb6: {  	[tilespmem:s23+$0xFFFFFF70] =	vst v3;
	v3 =	vmul.f32 v9, v4;
	v8 =	vld [tilespmem:s23+$0xFFFFFFE0]  }
0xb7: {  	[tilespmem:s23+$0xFFFFFF80] =	vst v5;
	v5 =	vmul.f32 v10, v4;
	v9 =	vld [tilespmem:s23+$0xFFFFFFF0]  }
0xb8: {  	[tilespmem:s23+$0xFFFFFF90] =	vst v3;
	v3 =	vmul.f32 v11, v4;
	v10 =	vld [tilespmem:s23+$0x0]  }
0xb9: {  	[tilespmem:s23+$0xFFFFFFA0] =	vst v5;
	v5 =	vmul.f32 v6, v4;
	v6 =	vld [tilespmem:s23+$0x10]  }
0xba: {  	[tilespmem:s23+$0xFFFFFFB0] =	vst v3;
	v3 =	vmul.f32 v7, v4;
	v7 =	vld [tilespmem:s23+$0x20]  }
0xbb: {  	[tilespmem:s23+$0xFFFFFFC0] =	vst v5;
	v5 =	vmul.f32 v8, v4;
	v11 =	vld [tilespmem:s23+$0x30]  }
0xbc: {  	[tilespmem:s23+$0xFFFFFFD0] =	vst v3;
	v3 =	vmul.f32 v9, v4;
	v9 =	vld [tilespmem:s23+$0x40]  }
.Ltmp2:
0xbd: {  	[tilespmem:s23+$0xFFFFFFE0] =	vst v5;
	v5 =	vmul.f32 v10, v2;
	v4 =	vld [tilespmem:s23+$0x50];
	(pc) =	sbr.rel @p2 .LBB2_7-.Ltmp2, $4  }
0xbe: {  	[tilespmem:s23+$0xFFFFFFF0] =	vst v3;
	v6 =	vmul.f32 v6, v2;
	v3 =	vld [tilespmem:s23+$0x60]  }
0xbf: {  	s26 =	sadd.s32 $0x3, s25;
	v10 =	vmov s25;
	[tilespmem:s23+$0x0] =	vst v5;
	v13 =	vmul.f32 v7, v2;
	v8 =	vld [tilespmem:s23+$0x80]  }
0xc0: {  	s28 =	sadd.s32 $0x1, s25;
	v12 =	vand.u32 $0xFFFFFFFC, v10;
	v5 =	vmov s26;
	[tilespmem:s23+$0x10] =	vst v6;
	v10 =	vmul.f32 v11, v2;
	v7 =	vld [tilespmem:s23+$0x90]  }
0xc1: {  	s26 =	sadd.s32 $0x2, s25;
	s25 =	sadd.s32 $0x4, s25;
	v6 =	vbroadcast v12, $0x0;
	v12 =	vmov s28;
	[tilespmem:s23+$0x20] =	vst v13;
	v11 =	vmul.f32 v9, v2;
	v9 =	vld [tilespmem:s23+$0xA0]  }
0xc2: {  	v13 =	vld [tilespmem:s23+$0xB0]  }
0xc3: {  	v15 =	vld [tilespmem:s23+$0xC0]  }
0xc4: {  	v16 =	vld [tilespmem:s23+$0xD0]  }
0xc5: {  	v17 =	vld [tilespmem:s23+$0xE0]  }
0xc6: {  	v29 =	vld [tilespmem:s23+$0xF0];
	[tilespmem:s23+$0x30] =	vst v10;
	v4 =	vmul.f32 v4, v2  }
0xc7: {  	v5 =	vld.idx.msk [tilespmem:v5+s6+$0x0], $0xffff;
	[tilespmem:s23+$0x40] =	vst v11;
	v2 =	vmul.f32 v3, v2  }
0xc8: {  	s25 =	sadd.s32 $0x200, s23;
	v3 =	vld.idx.msk [tilespmem:v6+s6+$0x0], $0xffff;
	v8 =	vmul.f32 v8, v1;
	[tilespmem:s23+$0x50] =	vst v4  }
0xc9: {  	v14 =	vmov s26;
	v34 =	vld [tilespmem:s25+$0x70];
	v30 =	vmul.f32 v7, v1;
	[tilespmem:s23+$0x60] =	vst v2  }
0xca: {  	v14 =	vand.u32 $0xFFFFFFFE, v14;
	v35 =	vld [tilespmem:s25+$0xFFFFFF00];
	[tilespmem:s23+$0x80] =	vst v8;
	v2 =	vmul.f32 v9, v1  }
0xcb: {  	v37 =	vld [tilespmem:s25+$0xFFFFFF10];
	v14 =	vbroadcast v14, $0x0;
	[tilespmem:s23+$0x90] =	vst v30;
	v33 =	vmul.f32 v13, v1  }
0xcc: {  	v38 =	vld [tilespmem:s25+$0xFFFFFF20];
	[tilespmem:s23+$0xA0] =	vst v2;
	v2 =	vmul.f32 v15, v1  }
0xcd: {  	v12 =	vand.u32 $0xFFFFFFFD, v12;
	v39 =	vld [tilespmem:s25+$0xFFFFFF30];
	v36 =	vmul.f32 v16, v1;
	[tilespmem:s23+$0xB0] =	vst v33  }
0xce: {  	v12 =	vbroadcast v12, $0x0;
	v41 =	vld [tilespmem:s25+$0xFFFFFF50];
	[tilespmem:s24+$0xC0] =	vst v2;
	v2 =	vmul.f32 v17, v1  }
0xcf: {  	v43 =	vld [tilespmem:s25+$0xFFFFFF60];
	[tilespmem:s24+$0xD0] =	vst v36;
	v1 =	vmul.f32 v29, v1  }
0xd0: {  	v42 =	vmul.f32 v37, v3;
	[tilespmem:s24+$0xE0] =	vst v2;
	v2 =	vld [tilespmem:s25+$0xFFFFFF40]  }
0xd1: {  	v32 =	vld.idx.msk [tilespmem:v14+s6+$0x0], $0xffff;
	[tilespmem:s24+$0xF0] =	vst v1;
	v1 =	vmul.f32 v35, v3  }
0xd2: {  	v44 =	vld [tilespmem:s25+$0xFFFFFF70];
	v4 =	vmul.f32 v39, v3;
	[tilespmem:s25+$0xFFFFFF10] =	vst v42  }
0xd3: {  	v45 =	vld [tilespmem:s25+$0xFFFFFF80];
	[tilespmem:s25+$0xFFFFFF00] =	vst v1;
	v1 =	vmul.f32 v38, v3  }
0xd4: {  	v46 =	vmul.f32 v41, v3;
	v31 =	vld.idx.msk [tilespmem:v12+s6+$0x0], $0xffff;
	[tilespmem:s25+$0xFFFFFF30] =	vst v4  }
0xd5: {  	[tilespmem:s25+$0xFFFFFF20] =	vst v1;
	v1 =	vmul.f32 v2, v3;
	v2 =	vld [tilespmem:s25+$0xFFFFFF90]  }
0xd6: {  	v47 =	vld [tilespmem:s25+$0xFFFFFFA0];
	[tilespmem:s25+$0xFFFFFF50] =	vst v46;
	v40 =	vmul.f32 v34, v32  }
0xd7: {  	v48 =	vld [tilespmem:s25+$0xFFFFFFB0];
	[tilespmem:s25+$0xFFFFFF40] =	vst v1;
	v1 =	vmul.f32 v43, v3  }
0xd8: {  	v49 =	vld [tilespmem:s25+$0xFFFFFFC0];
	[tilespmem:s25+$0x70] =	vst v40;
	v3 =	vmul.f32 v44, v3  }
0xd9: {  	v50 =	vld [tilespmem:s25+$0xFFFFFFD0];
	[tilespmem:s25+$0xFFFFFF60] =	vst v1;
	v1 =	vmul.f32 v45, v31  }
0xda: {  	[tilespmem:s25+$0xFFFFFF70] =	vst v3;
	v3 =	vld [tilespmem:s25+$0xFFFFFFE0];
	v2 =	vmul.f32 v2, v31  }
0xdb: {  	v51 =	vld [tilespmem:s25+$0xFFFFFFF0];
	[tilespmem:s25+$0xFFFFFF80] =	vst v1;
	v1 =	vmul.f32 v47, v31  }
0xdc: {  	v52 =	vld [tilespmem:s25+$0x0];
	[tilespmem:s25+$0xFFFFFF90] =	vst v2;
	v2 =	vmul.f32 v48, v31  }
0xdd: {  	v53 =	vld [tilespmem:s25+$0x10];
	[tilespmem:s25+$0xFFFFFFA0] =	vst v1;
	v1 =	vmul.f32 v49, v31  }
0xde: {  	v54 =	vld [tilespmem:s25+$0x20];
	[tilespmem:s25+$0xFFFFFFB0] =	vst v2;
	v2 =	vmul.f32 v50, v31  }
0xdf: {  	[tilespmem:s25+$0xFFFFFFC0] =	vst v1;
	v1 =	vmul.f32 v3, v31;
	v3 =	vld [tilespmem:s25+$0x30]  }
0xe0: {  	v55 =	vld [tilespmem:s25+$0x40];
	[tilespmem:s25+$0xFFFFFFD0] =	vst v2;
	v2 =	vmul.f32 v51, v31  }
0xe1: {  	v56 =	vld [tilespmem:s25+$0x50];
	[tilespmem:s25+$0xFFFFFFE0] =	vst v1;
	v1 =	vmul.f32 v52, v32  }
0xe2: {  	v57 =	vld [tilespmem:s25+$0x60];
	[tilespmem:s25+$0xFFFFFFF0] =	vst v2;
	v2 =	vmul.f32 v53, v32  }
0xe3: {  	v58 =	vld [tilespmem:s25+$0x80];
	[tilespmem:s25+$0x0] =	vst v1;
	v1 =	vmul.f32 v54, v32  }
0xe4: {  	[tilespmem:s25+$0x10] =	vst v2;
	v2 =	vmul.f32 v3, v32;
	v3 =	vld [tilespmem:s25+$0x90]  }
0xe5: {  	v59 =	vld [tilespmem:s25+$0xA0];
	[tilespmem:s25+$0x20] =	vst v1;
	v1 =	vmul.f32 v55, v32  }
0xe6: {  	v60 =	vld [tilespmem:s25+$0xB0];
	[tilespmem:s25+$0x30] =	vst v2;
	v2 =	vmul.f32 v56, v32  }
0xe7: {  	v61 =	vld [tilespmem:s25+$0xC0];
	[tilespmem:s25+$0x40] =	vst v1;
	v1 =	vmul.f32 v57, v32  }
0xe8: {  	v62 =	vld [tilespmem:s25+$0xD0];
	[tilespmem:s25+$0x50] =	vst v2;
	v2 =	vmul.f32 v58, v5  }
0xe9: {  	[tilespmem:s25+$0x60] =	vst v1;
	v1 =	vmul.f32 v3, v5;
	v3 =	vld [tilespmem:s25+$0xE0]  }
0xea: {  	v63 =	vld [tilespmem:s25+$0xF0];
	[tilespmem:s25+$0x80] =	vst v2;
	v2 =	vmul.f32 v59, v5  }
0xeb: {  	[tilespmem:s25+$0x90] =	vst v1;
	v1 =	vmul.f32 v60, v5  }
0xec: {  	[tilespmem:s25+$0xA0] =	vst v2;
	v2 =	vmul.f32 v61, v5  }
0xed: {  	[tilespmem:s25+$0xB0] =	vst v1;
	v1 =	vmul.f32 v62, v5  }
0xee: {  	[tilespmem:s25+$0xC0] =	vst v2;
	v2 =	vmul.f32 v3, v5  }
0xef: {  	[tilespmem:s25+$0xD0] =	vst v1;
	v1 =	vmul.f32 v63, v5  }
0xf0: {  	[tilespmem:s25+$0xE0] =	vst v2  }
0xf1: {  	s23 =	simm.s32 @!p1 $0x1;
	[tilespmem:s25+$0xF0] =	vst v1  }
0xf2: {  	[spmem:s2] =	stream.indirect.scatter.add.f32 [tilespmem:s29], [sflag:$0x7], $0x80, s15, s5, $0xb8;
	[tilespmem:$0x18C80] =	vst v63  }
0xf3: {  	_ =	swait.ge @!p1 [sflag:s23], $0xF0  }
0xf4: {  	[sflag:s23] =	ssyncset.done @!p1 $0x0  }
0xf5: {  	[sflag:s23] =	ssyncadd.s32 @!p1 $0xFFFFFF10;
	s23 =	simm.s32 @!p1 $0x7  }
0xf6: {  	_ =	swait.ge @!p1 [sflag:s23], $0x2800  }
0xf7: {  	s24 =	simm.s32 @!p1 $0x13880;
	[sflag:s23] =	ssyncset.done @!p1 $0x0  }
0xf8: {  	s25 =	simm.s32 @!p1 $0x13C80;
	[sflag:s23] =	ssyncadd.s32 @!p1 $0xFFFFD800;
	s23 =	simm.s32 @!p1 $0x50  }
0xf9: {  	[tilespmem:s25], [sflag:$0x3] =	stream.indirect.gather @!p1 [hbm4b:s4+s23], $0x80, s24, s23, $0xb8;
	[tilespmem:$0x18C80] =	vst v63  }
0xfa: {  	s24 =	simm.s32 @!p1 $0x138D0;
	s25 =	simm.s32 @!p1 $0x13B80  }
0xfb: {  	[tilespmem:s25], [sflag:$0x5] =	stream.indirect.gather @!p1 [hbm4b:s14+s23], $0x1, s24, s23, $0xb8;
	[tilespmem:$0x18C80] =	vst v63  }
0xfc: {  	_ =	swait.ge [sflag:s16], $0x2800  }
0xfd: {  	[sflag:s16] =	ssyncset.done $0x0  }
0xfe: {  	[sflag:s16] =	ssyncadd.s32 $0xFFFFD800  }
0xff: {  	_ =	swait.ge [sflag:s19], $0x50  }
0x100: {  	[sflag:s19] =	ssyncset.done $0x0  }
0x101: {  	s23 =	simm.s32 $0x0;
	[sflag:s19] =	ssyncadd.s32 $0xFFFFFFB0  }
0x102: {  	s24 =	simm.s32 $0x40;
	v1 =	vld [tilespmem:s23+$0x13A20]  }
.LBB2_9:
0x103: {  	p2 =	sne.s32 s24, $0x100  }
.Ltmp3:
0x104: {  	_ = 	snop;
	(pc) =	sbr.rel @p2 .LBB2_9-.Ltmp3, $3  }
0x105: {  	_ =	sdelay $0x1  }
0x106: {  	[tilespmem:s23+$0x13B00] =	vst v1;
	s23 =	sshra.s32 s24, $0x2;
	s24 =	sadd.s32 $0x40, s24  }
0x107: {  	v1 =	vld [tilespmem:s23+$0x13A20]  }
0x108: {  	_ = 	snop  }
0x109: {  	s22 =	sadd.s32 @!p1 s22, s18  }
0x10a: {  	s24 =	simm.s32 $0x0;
	s22 =	smul.u32 @!p1 $0x1E, s22  }
0x10b: {  	s26 =	simm.s32 $0x2;
	v2 =	vmov s24  }
0x10c: {  	v3 =	vmov s26;
	s24 =	simm.s32 @!p1 $0x13980;
	v2 =	vand.u32 $0xFFFFFFFC, v2;
	s22 =	sadd.s32 @!p1 s13, s22;
	[tilespmem:s23+$0x13B00] =	vst v1;
	s23 =	simm.s32 @!p1 $0x0  }
0x10d: {  	v3 =	vand.u32 $0xFFFFFFFE, v3;
	v2 =	vbroadcast v2, $0x0;
	[tilespmem:s24], [sflag:$0x2] =	stream.linear.gather @!p1 [hbm4b:s22+s23], $0xF0, $0x38;
	[tilespmem:$0x18C80] =	vst v63  }
0x10e: {  	v3 =	vbroadcast v3, $0x0;
	s22 =	simm.s32 $0x16580  }
0x10f: {  	v4 =	vld [tilespmem:s22+$0x70]  }
0x110: {  	v5 =	vld [tilespmem:s22+$0xFFFFFF00]  }
0x111: {  	v6 =	vld [tilespmem:s22+$0xFFFFFF10]  }
0x112: {  	v7 =	vld [tilespmem:s22+$0xFFFFFF20]  }
0x113: {  	s28 =	simm.s32 $0x1;
	v1 =	vld.idx.msk [tilespmem:v2+s10+$0x0], $0xffff  }
0x114: {  	v2 =	vld.idx.msk [tilespmem:v3+s10+$0x0], $0xffff;
	v3 =	vmov s28  }
0x115: {  	v8 =	vld [tilespmem:s22+$0xFFFFFF30];
	v3 =	vand.u32 $0xFFFFFFFD, v3  }
0x116: {  	v9 =	vld [tilespmem:s22+$0xFFFFFF40];
	v3 =	vbroadcast v3, $0x0  }
0x117: {  	v10 =	vld [tilespmem:s22+$0xFFFFFF50]  }
0x118: {  	v11 =	vld [tilespmem:s22+$0xFFFFFF60];
	v5 =	vmul.f32 v5, v1  }
0x119: {  	v13 =	vld [tilespmem:s22+$0x40];
	v4 =	vmul.f32 v4, v2  }
0x11a: {  	[tilespmem:s22+$0xFFFFFF00] =	vst v5;
	v5 =	vmul.f32 v6, v1;
	v6 =	vld [tilespmem:s22+$0xFFFFFF70]  }
0x11b: {  	[tilespmem:s22+$0x70] =	vst v4;
	v4 =	vmul.f32 v7, v1;
	v7 =	vld [tilespmem:s22+$0xFFFFFF80]  }
0x11c: {  	v3 =	vld.idx.msk [tilespmem:v3+s10+$0x0], $0xffff;
	[tilespmem:s22+$0xFFFFFF10] =	vst v5;
	v5 =	vmul.f32 v8, v1  }
0x11d: {  	v8 =	vld [tilespmem:s22+$0xFFFFFF90];
	[tilespmem:s22+$0xFFFFFF20] =	vst v4;
	v4 =	vmul.f32 v9, v1  }
0x11e: {  	v9 =	vld [tilespmem:s22+$0xFFFFFFA0];
	[tilespmem:s22+$0xFFFFFF30] =	vst v5;
	v5 =	vmul.f32 v10, v1  }
0x11f: {  	v10 =	vld [tilespmem:s22+$0xFFFFFFB0];
	[tilespmem:s22+$0xFFFFFF40] =	vst v4;
	v4 =	vmul.f32 v11, v1  }
0x120: {  	v11 =	vld [tilespmem:s22+$0xFFFFFFC0];
	v6 =	vmul.f32 v6, v1;
	[tilespmem:s22+$0xFFFFFF50] =	vst v5  }
0x121: {  	v5 =	vmul.f32 v7, v3;
	v7 =	vld [tilespmem:s22+$0xFFFFFFD0];
	[tilespmem:s22+$0xFFFFFF60] =	vst v4  }
0x122: {  	s24 =	simm.s32 $0x3;
	v4 =	vld [tilespmem:s22+$0xFFFFFFE0];
	v8 =	vmul.f32 v8, v3;
	[tilespmem:s22+$0xFFFFFF70] =	vst v6  }
0x123: {  	v12 =	vmov s24;
	v6 =	vld [tilespmem:s22+$0xFFFFFFF0];
	[tilespmem:s22+$0xFFFFFF80] =	vst v5;
	v5 =	vmul.f32 v9, v3  }
0x124: {  	v9 =	vld [tilespmem:s22+$0x0];
	[tilespmem:s22+$0xFFFFFF90] =	vst v8;
	v8 =	vmul.f32 v10, v3  }
0x125: {  	v10 =	vld [tilespmem:s22+$0x10];
	[tilespmem:s22+$0xFFFFFFA0] =	vst v5;
	v5 =	vmul.f32 v11, v3  }
0x126: {  	[tilespmem:s22+$0xFFFFFFB0] =	vst v8;
	v7 =	vmul.f32 v7, v3;
	v8 =	vld [tilespmem:s22+$0x20]  }
0x127: {  	v11 =	vld [tilespmem:s22+$0x30];
	v4 =	vmul.f32 v4, v3;
	[tilespmem:s22+$0xFFFFFFC0] =	vst v5  }
0x128: {  	v1 =	vld.idx.msk [tilespmem:v12+s10+$0x0], $0xffff;
	v3 =	vmul.f32 v6, v3;
	[tilespmem:s22+$0xFFFFFFD0] =	vst v7  }
0x129: {  	[tilespmem:s22+$0xFFFFFFE0] =	vst v4;
	v5 =	vmul.f32 v9, v2;
	v4 =	vld [tilespmem:s22+$0x50]  }
0x12a: {  	s25 =	simm.s32 $0x4;
	[tilespmem:s22+$0xFFFFFFF0] =	vst v3;
	v6 =	vmul.f32 v10, v2;
	v3 =	vld [tilespmem:s22+$0x60]  }
0x12b: {  	s26 =	simm.s32 $0x7;
	v7 =	vmov s25;
	[tilespmem:s22+$0x0] =	vst v5;
	v9 =	vmul.f32 v8, v2;
	v8 =	vld [tilespmem:s22+$0x80]  }
0x12c: {  	s28 =	simm.s32 $0x5;
	v12 =	vand.u32 $0xFFFFFFFC, v7;
	v7 =	vld [tilespmem:s22+$0x90];
	v5 =	vmov s26;
	v10 =	vmul.f32 v11, v2;
	[tilespmem:s22+$0x10] =	vst v6  }
0x12d: {  	s23 =	simm.s32 $0x16580;
	s24 =	simm.s32 $0x8;
	s25 =	simm.s32 $0x6;
	v11 =	vmul.f32 v13, v2;
	v6 =	vbroadcast v12, $0x0;
	v12 =	vmov s28;
	[tilespmem:s22+$0x20] =	vst v9;
	v9 =	vld [tilespmem:s22+$0xA0]  }
.LBB2_11:
0x12e: {  	p1 =	slt.u32 s24, $0x4C;
	v12 =	vand.u32 $0xFFFFFFFD, v12;
	v13 =	vmov s25;
	[tilespmem:s22+$0x30] =	vst v10;
	v4 =	vmul.f32 v4, v2;
	v10 =	vld [tilespmem:s22+$0xB0]  }
0x12f: {  	v12 =	vbroadcast v12, $0x0;
	v13 =	vand.u32 $0xFFFFFFFE, v13;
	[tilespmem:s22+$0x40] =	vst v11;
	v2 =	vmul.f32 v3, v2;
	v3 =	vld [tilespmem:s22+$0xC0]  }
0x130: {  	v11 =	vbroadcast v13, $0x0;
	[tilespmem:s22+$0x50] =	vst v4;
	v4 =	vmul.f32 v8, v1;
	v8 =	vld [tilespmem:s22+$0xD0]  }
0x131: {  	[tilespmem:s22+$0x60] =	vst v2;
	v2 =	vmul.f32 v7, v1;
	v7 =	vld [tilespmem:s22+$0xE0]  }
0x132: {  	[tilespmem:s22+$0x80] =	vst v4;
	v4 =	vmul.f32 v9, v1;
	v9 =	vld [tilespmem:s22+$0xF0]  }
0x133: {  	v5 =	vld.idx.msk [tilespmem:v5+s10+$0x0], $0xffff;
	[tilespmem:s22+$0x90] =	vst v2;
	v2 =	vmul.f32 v10, v1  }
0x134: {  	v6 =	vld.idx.msk [tilespmem:v6+s10+$0x0], $0xffff;
	[tilespmem:s22+$0xA0] =	vst v4;
	v3 =	vmul.f32 v3, v1  }
0x135: {  	v4 =	vld.idx.msk [tilespmem:v12+s10+$0x0], $0xffff;
	[tilespmem:s22+$0xB0] =	vst v2;
	v8 =	vmul.f32 v8, v1  }
0x136: {  	s22 =	sadd.s32 $0x200, s22;
	v2 =	vld.idx.msk [tilespmem:v11+s10+$0x0], $0xffff;
	[tilespmem:s23+$0xC0] =	vst v3;
	v3 =	vmul.f32 v7, v1  }
0x137: {  	v7 =	vld [tilespmem:s22+$0x70];
	[tilespmem:s23+$0xD0] =	vst v8;
	v9 =	vmul.f32 v9, v1  }
0x138: {  	v8 =	vld [tilespmem:s22+$0xFFFFFF00];
	[tilespmem:s23+$0xE0] =	vst v3  }
0x139: {  	v1 =	vmov v5;
	v3 =	vld [tilespmem:s22+$0xFFFFFF10];
	[tilespmem:s23+$0xF0] =	vst v9;
	s23 =	smov.u32 s22  }
0x13a: {  	v5 =	vld [tilespmem:s22+$0xFFFFFF20]  }
0x13b: {  	v9 =	vld [tilespmem:s22+$0xFFFFFF30]  }
0x13c: {  	v10 =	vld [tilespmem:s22+$0xFFFFFF40];
	v7 =	vmul.f32 v7, v2  }
0x13d: {  	v8 =	vmul.f32 v8, v6;
	v11 =	vld [tilespmem:s22+$0xFFFFFF50]  }
0x13e: {  	v3 =	vmul.f32 v3, v6;
	v12 =	vld [tilespmem:s22+$0xFFFFFF60];
	[tilespmem:s22+$0x70] =	vst v7  }
0x13f: {  	[tilespmem:s22+$0xFFFFFF00] =	vst v8;
	v5 =	vmul.f32 v5, v6;
	v7 =	vld [tilespmem:s22+$0xFFFFFF70]  }
0x140: {  	[tilespmem:s22+$0xFFFFFF10] =	vst v3;
	v3 =	vmul.f32 v9, v6;
	v8 =	vld [tilespmem:s22+$0xFFFFFF80]  }
0x141: {  	[tilespmem:s22+$0xFFFFFF20] =	vst v5;
	v5 =	vmul.f32 v10, v6;
	v9 =	vld [tilespmem:s22+$0xFFFFFF90]  }
0x142: {  	[tilespmem:s22+$0xFFFFFF30] =	vst v3;
	v3 =	vmul.f32 v11, v6;
	v10 =	vld [tilespmem:s22+$0xFFFFFFA0]  }
0x143: {  	[tilespmem:s22+$0xFFFFFF40] =	vst v5;
	v5 =	vmul.f32 v12, v6;
	v11 =	vld [tilespmem:s22+$0xFFFFFFB0]  }
0x144: {  	[tilespmem:s22+$0xFFFFFF50] =	vst v3;
	v3 =	vmul.f32 v7, v6;
	v6 =	vld [tilespmem:s22+$0xFFFFFFC0]  }
0x145: {  	[tilespmem:s22+$0xFFFFFF60] =	vst v5;
	v5 =	vmul.f32 v8, v4;
	v7 =	vld [tilespmem:s22+$0xFFFFFFD0]  }
0x146: {  	[tilespmem:s22+$0xFFFFFF70] =	vst v3;
	v3 =	vmul.f32 v9, v4;
	v8 =	vld [tilespmem:s22+$0xFFFFFFE0]  }
0x147: {  	[tilespmem:s22+$0xFFFFFF80] =	vst v5;
	v5 =	vmul.f32 v10, v4;
	v9 =	vld [tilespmem:s22+$0xFFFFFFF0]  }
0x148: {  	[tilespmem:s22+$0xFFFFFF90] =	vst v3;
	v3 =	vmul.f32 v11, v4;
	v10 =	vld [tilespmem:s22+$0x0]  }
0x149: {  	[tilespmem:s22+$0xFFFFFFA0] =	vst v5;
	v5 =	vmul.f32 v6, v4;
	v6 =	vld [tilespmem:s22+$0x10]  }
0x14a: {  	[tilespmem:s22+$0xFFFFFFB0] =	vst v3;
	v3 =	vmul.f32 v7, v4;
	v7 =	vld [tilespmem:s22+$0x20]  }
0x14b: {  	[tilespmem:s22+$0xFFFFFFC0] =	vst v5;
	v5 =	vmul.f32 v8, v4;
	v11 =	vld [tilespmem:s22+$0x30]  }
0x14c: {  	[tilespmem:s22+$0xFFFFFFD0] =	vst v3;
	v3 =	vmul.f32 v9, v4;
	v9 =	vld [tilespmem:s22+$0x40]  }
.Ltmp4:
0x14d: {  	[tilespmem:s22+$0xFFFFFFE0] =	vst v5;
	v5 =	vmul.f32 v10, v2;
	v4 =	vld [tilespmem:s22+$0x50];
	(pc) =	sbr.rel @p1 .LBB2_11-.Ltmp4, $4  }
0x14e: {  	[tilespmem:s22+$0xFFFFFFF0] =	vst v3;
	v6 =	vmul.f32 v6, v2;
	v3 =	vld [tilespmem:s22+$0x60]  }
0x14f: {  	s25 =	sadd.s32 $0x3, s24;
	v10 =	vmov s24;
	[tilespmem:s22+$0x0] =	vst v5;
	v13 =	vmul.f32 v7, v2;
	v8 =	vld [tilespmem:s22+$0x80]  }
0x150: {  	s26 =	sadd.s32 $0x1, s24;
	v12 =	vand.u32 $0xFFFFFFFC, v10;
	v5 =	vmov s25;
	[tilespmem:s22+$0x10] =	vst v6;
	v10 =	vmul.f32 v11, v2;
	v7 =	vld [tilespmem:s22+$0x90]  }
0x151: {  	s25 =	sadd.s32 $0x2, s24;
	s24 =	sadd.s32 $0x4, s24;
	v6 =	vbroadcast v12, $0x0;
	v12 =	vmov s26;
	[tilespmem:s22+$0x20] =	vst v13;
	v11 =	vmul.f32 v9, v2;
	v9 =	vld [tilespmem:s22+$0xA0]  }
0x152: {  	v13 =	vld [tilespmem:s22+$0xB0]  }
0x153: {  	v15 =	vld [tilespmem:s22+$0xC0]  }
0x154: {  	v16 =	vld [tilespmem:s22+$0xD0]  }
0x155: {  	v17 =	vld [tilespmem:s22+$0xE0]  }
0x156: {  	v29 =	vld [tilespmem:s22+$0xF0];
	[tilespmem:s22+$0x30] =	vst v10;
	v4 =	vmul.f32 v4, v2  }
0x157: {  	v5 =	vld.idx.msk [tilespmem:v5+s10+$0x0], $0xffff;
	[tilespmem:s22+$0x40] =	vst v11;
	v2 =	vmul.f32 v3, v2  }
0x158: {  	s24 =	sadd.s32 $0x200, s22;
	v3 =	vld.idx.msk [tilespmem:v6+s10+$0x0], $0xffff;
	v8 =	vmul.f32 v8, v1;
	[tilespmem:s22+$0x50] =	vst v4  }
0x159: {  	v14 =	vmov s25;
	v34 =	vld [tilespmem:s24+$0x70];
	v30 =	vmul.f32 v7, v1;
	[tilespmem:s22+$0x60] =	vst v2  }
0x15a: {  	v14 =	vand.u32 $0xFFFFFFFE, v14;
	v35 =	vld [tilespmem:s24+$0xFFFFFF00];
	[tilespmem:s22+$0x80] =	vst v8;
	v2 =	vmul.f32 v9, v1  }
0x15b: {  	v37 =	vld [tilespmem:s24+$0xFFFFFF10];
	v14 =	vbroadcast v14, $0x0;
	[tilespmem:s22+$0x90] =	vst v30;
	v33 =	vmul.f32 v13, v1  }
0x15c: {  	v38 =	vld [tilespmem:s24+$0xFFFFFF20];
	[tilespmem:s22+$0xA0] =	vst v2;
	v2 =	vmul.f32 v15, v1  }
0x15d: {  	v12 =	vand.u32 $0xFFFFFFFD, v12;
	v39 =	vld [tilespmem:s24+$0xFFFFFF30];
	v36 =	vmul.f32 v16, v1;
	[tilespmem:s22+$0xB0] =	vst v33  }
0x15e: {  	v12 =	vbroadcast v12, $0x0;
	v41 =	vld [tilespmem:s24+$0xFFFFFF50];
	[tilespmem:s23+$0xC0] =	vst v2;
	v2 =	vmul.f32 v17, v1  }
0x15f: {  	v43 =	vld [tilespmem:s24+$0xFFFFFF60];
	[tilespmem:s23+$0xD0] =	vst v36;
	v1 =	vmul.f32 v29, v1  }
0x160: {  	v42 =	vmul.f32 v37, v3;
	[tilespmem:s23+$0xE0] =	vst v2;
	v2 =	vld [tilespmem:s24+$0xFFFFFF40]  }
0x161: {  	v32 =	vld.idx.msk [tilespmem:v14+s10+$0x0], $0xffff;
	[tilespmem:s23+$0xF0] =	vst v1;
	v1 =	vmul.f32 v35, v3  }
0x162: {  	v44 =	vld [tilespmem:s24+$0xFFFFFF70];
	v4 =	vmul.f32 v39, v3;
	[tilespmem:s24+$0xFFFFFF10] =	vst v42  }
0x163: {  	v45 =	vld [tilespmem:s24+$0xFFFFFF80];
	[tilespmem:s24+$0xFFFFFF00] =	vst v1;
	v1 =	vmul.f32 v38, v3  }
0x164: {  	v46 =	vmul.f32 v41, v3;
	v31 =	vld.idx.msk [tilespmem:v12+s10+$0x0], $0xffff;
	[tilespmem:s24+$0xFFFFFF30] =	vst v4  }
0x165: {  	[tilespmem:s24+$0xFFFFFF20] =	vst v1;
	v1 =	vmul.f32 v2, v3;
	v2 =	vld [tilespmem:s24+$0xFFFFFF90]  }
0x166: {  	v47 =	vld [tilespmem:s24+$0xFFFFFFA0];
	[tilespmem:s24+$0xFFFFFF50] =	vst v46;
	v40 =	vmul.f32 v34, v32  }
0x167: {  	v48 =	vld [tilespmem:s24+$0xFFFFFFB0];
	[tilespmem:s24+$0xFFFFFF40] =	vst v1;
	v1 =	vmul.f32 v43, v3  }
0x168: {  	v49 =	vld [tilespmem:s24+$0xFFFFFFC0];
	[tilespmem:s24+$0x70] =	vst v40;
	v3 =	vmul.f32 v44, v3  }
0x169: {  	v50 =	vld [tilespmem:s24+$0xFFFFFFD0];
	[tilespmem:s24+$0xFFFFFF60] =	vst v1;
	v1 =	vmul.f32 v45, v31  }
0x16a: {  	[tilespmem:s24+$0xFFFFFF70] =	vst v3;
	v3 =	vld [tilespmem:s24+$0xFFFFFFE0];
	v2 =	vmul.f32 v2, v31  }
0x16b: {  	v51 =	vld [tilespmem:s24+$0xFFFFFFF0];
	[tilespmem:s24+$0xFFFFFF80] =	vst v1;
	v1 =	vmul.f32 v47, v31  }
0x16c: {  	v52 =	vld [tilespmem:s24+$0x0];
	[tilespmem:s24+$0xFFFFFF90] =	vst v2;
	v2 =	vmul.f32 v48, v31  }
0x16d: {  	v53 =	vld [tilespmem:s24+$0x10];
	[tilespmem:s24+$0xFFFFFFA0] =	vst v1;
	v1 =	vmul.f32 v49, v31  }
0x16e: {  	v54 =	vld [tilespmem:s24+$0x20];
	[tilespmem:s24+$0xFFFFFFB0] =	vst v2;
	v2 =	vmul.f32 v50, v31  }
0x16f: {  	[tilespmem:s24+$0xFFFFFFC0] =	vst v1;
	v1 =	vmul.f32 v3, v31;
	v3 =	vld [tilespmem:s24+$0x30]  }
0x170: {  	v55 =	vld [tilespmem:s24+$0x40];
	[tilespmem:s24+$0xFFFFFFD0] =	vst v2;
	v2 =	vmul.f32 v51, v31  }
0x171: {  	v56 =	vld [tilespmem:s24+$0x50];
	[tilespmem:s24+$0xFFFFFFE0] =	vst v1;
	v1 =	vmul.f32 v52, v32  }
0x172: {  	v57 =	vld [tilespmem:s24+$0x60];
	[tilespmem:s24+$0xFFFFFFF0] =	vst v2;
	v2 =	vmul.f32 v53, v32  }
0x173: {  	v58 =	vld [tilespmem:s24+$0x80];
	[tilespmem:s24+$0x0] =	vst v1;
	v1 =	vmul.f32 v54, v32  }
0x174: {  	[tilespmem:s24+$0x10] =	vst v2;
	v2 =	vmul.f32 v3, v32;
	v3 =	vld [tilespmem:s24+$0x90]  }
0x175: {  	v59 =	vld [tilespmem:s24+$0xA0];
	[tilespmem:s24+$0x20] =	vst v1;
	v1 =	vmul.f32 v55, v32  }
0x176: {  	v60 =	vld [tilespmem:s24+$0xB0];
	[tilespmem:s24+$0x30] =	vst v2;
	v2 =	vmul.f32 v56, v32  }
0x177: {  	v61 =	vld [tilespmem:s24+$0xC0];
	[tilespmem:s24+$0x40] =	vst v1;
	v1 =	vmul.f32 v57, v32  }
0x178: {  	v62 =	vld [tilespmem:s24+$0xD0];
	[tilespmem:s24+$0x50] =	vst v2;
	v2 =	vmul.f32 v58, v5  }
0x179: {  	[tilespmem:s24+$0x60] =	vst v1;
	v1 =	vmul.f32 v3, v5;
	v3 =	vld [tilespmem:s24+$0xE0]  }
0x17a: {  	v63 =	vld [tilespmem:s24+$0xF0];
	[tilespmem:s24+$0x80] =	vst v2;
	v2 =	vmul.f32 v59, v5  }
0x17b: {  	[tilespmem:s24+$0x90] =	vst v1;
	v1 =	vmul.f32 v60, v5  }
0x17c: {  	s21 =	sadd.s32 $0x1, s21;
	[tilespmem:s24+$0xA0] =	vst v2;
	v2 =	vmul.f32 v61, v5  }
0x17d: {  	p1 =	sne.s32 s21, $0x7D;
	[tilespmem:s24+$0xB0] =	vst v1;
	v1 =	vmul.f32 v62, v5  }
.Ltmp5:
0x17e: {  	[tilespmem:s24+$0xC0] =	vst v2;
	v2 =	vmul.f32 v3, v5;
	(pc) =	sbr.rel @p1 .LBB2_4-.Ltmp5, $4  }
0x17f: {  	[tilespmem:s24+$0xD0] =	vst v1;
	v1 =	vmul.f32 v63, v5  }
0x180: {  	[tilespmem:s24+$0xE0] =	vst v2  }
0x181: {  	[tilespmem:s24+$0xF0] =	vst v1  }
0x182: {  	[spmem:s2] =	stream.indirect.scatter.add.f32 [tilespmem:s8], [sflag:$0x8], $0x80, s31, s5, $0xb8;
	[tilespmem:$0x18C80] =	vst v63  }
0x183: {  	s21 =	simm.s32 $0x7  }
0x184: {  	_ =	swait.ge [sflag:s21], $0x2800  }
0x185: {  	[sflag:s21] =	ssyncset.done $0x0  }
0x186: {  	s26 =	simm.s32 $0x8;
	[sflag:s21] =	ssyncadd.s32 $0xFFFFD800  }
0x187: {  	_ =	swait.ge [sflag:s26], $0x2800  }
0x188: {  	[sflag:s26] =	ssyncset.done $0x0  }
0x189: {  	[sflag:s26] =	ssyncadd.s32 $0xFFFFD800  }
0x18a: {  	[bflag:$0x0] =	sbarrier.arrive $0xFFFF  }
0x18b: {  	s25 =	rddreg [dreg:$0xe]  }
0x18c: {  	[tilespmem:s29], [sflag:$0xA] =	stream.linear.gather [spmem:s25], $0x2800, $0x38;
	[tilespmem:$0x18C80] =	vst v63  }
0x18d: {  	_ =	swait.ge [sflag:s1], $0x2800  }
0x18e: {  	[sflag:s1] =	ssyncset.done $0x0  }
0x18f: {  	s28 =	rddreg [dreg:$0x3];
	[sflag:s1] =	ssyncadd.s32 $0xFFFFD800  }
0x190: {  	[hbm4b:s28+s3] =	stream.linear.scatter [tilespmem:s29], [sflag:$0x9], $0x2800, $0x38;
	[tilespmem:$0x18C80] =	vst v63  }
0x191: {  	_ =	swait.ge [sflag:s30], $0x2800  }
0x192: {  	[sflag:s30] =	ssyncset.done $0x0  }
0x193: {  	s26 =	rddreg [dreg:$0xf];
	[sflag:s30] =	ssyncadd.s32 $0xFFFFD800  }
0x194: {  	[tilespmem:s29], [sflag:$0xA] =	stream.linear.gather [spmem:s26], $0x2800, $0x38;
	[tilespmem:$0x18C80] =	vst v63  }
0x195: {  	_ =	swait.ge [sflag:s1], $0x2800  }
0x196: {  	[sflag:s1] =	ssyncset.done $0x0  }
0x197: {  	s22 =	rddreg [dreg:$0x4];
	[sflag:s1] =	ssyncadd.s32 $0xFFFFD800  }
0x198: {  	[hbm4b:s22+s3] =	stream.linear.scatter [tilespmem:s29], [sflag:$0x9], $0x2800, $0x38;
	[tilespmem:$0x18C80] =	vst v63  }
0x199: {  	_ =	swait.ge [sflag:s30], $0x2800  }
0x19a: {  	[sflag:s30] =	ssyncset.done $0x0  }
0x19b: {  	s23 =	rddreg [dreg:$0x10];
	[sflag:s30] =	ssyncadd.s32 $0xFFFFD800  }
0x19c: {  	[tilespmem:s29], [sflag:$0xA] =	stream.linear.gather [spmem:s23], $0x2800, $0x38;
	[tilespmem:$0x18C80] =	vst v63  }
0x19d: {  	_ =	swait.ge [sflag:s1], $0x2800  }
0x19e: {  	[sflag:s1] =	ssyncset.done $0x0  }
0x19f: {  	s24 =	rddreg [dreg:$0x5];
	[sflag:s1] =	ssyncadd.s32 $0xFFFFD800  }
0x1a0: {  	[hbm4b:s24+s3] =	stream.linear.scatter [tilespmem:s29], [sflag:$0x9], $0x2800, $0x38;
	[tilespmem:$0x18C80] =	vst v63  }
0x1a1: {  	_ =	swait.ge [sflag:s30], $0x2800  }
0x1a2: {  	[sflag:s30] =	ssyncset.done $0x0  }
0x1a3: {  	s28 =	rddreg [dreg:$0x11];
	[sflag:s30] =	ssyncadd.s32 $0xFFFFD800  }
0x1a4: {  	[tilespmem:s29], [sflag:$0xA] =	stream.linear.gather [spmem:s28], $0x2800, $0x38;
	[tilespmem:$0x18C80] =	vst v63  }
0x1a5: {  	_ =	swait.ge [sflag:s1], $0x2800  }
0x1a6: {  	[sflag:s1] =	ssyncset.done $0x0  }
0x1a7: {  	s22 =	rddreg [dreg:$0x6];
	[sflag:s1] =	ssyncadd.s32 $0xFFFFD800  }
0x1a8: {  	[hbm4b:s22+s3] =	stream.linear.scatter [tilespmem:s29], [sflag:$0x9], $0x2800, $0x38;
	[tilespmem:$0x18C80] =	vst v63  }
0x1a9: {  	_ =	swait.ge [sflag:s30], $0x2800  }
0x1aa: {  	[sflag:s30] =	ssyncset.done $0x0  }
0x1ab: {  	s23 =	rddreg [dreg:$0x12];
	[sflag:s30] =	ssyncadd.s32 $0xFFFFD800  }
0x1ac: {  	[tilespmem:s29], [sflag:$0xA] =	stream.linear.gather [spmem:s23], $0x2800, $0x38;
	[tilespmem:$0x18C80] =	vst v63  }
0x1ad: {  	_ =	swait.ge [sflag:s1], $0x2800  }
0x1ae: {  	[sflag:s1] =	ssyncset.done $0x0  }
0x1af: {  	s24 =	rddreg [dreg:$0x7];
	[sflag:s1] =	ssyncadd.s32 $0xFFFFD800  }
0x1b0: {  	[hbm4b:s24+s3] =	stream.linear.scatter [tilespmem:s29], [sflag:$0x9], $0x2800, $0x38;
	[tilespmem:$0x18C80] =	vst v63  }
0x1b1: {  	_ =	swait.ge [sflag:s30], $0x2800  }
0x1b2: {  	[sflag:s30] =	ssyncset.done $0x0  }
0x1b3: {  	s28 =	rddreg [dreg:$0x13];
	[sflag:s30] =	ssyncadd.s32 $0xFFFFD800  }
0x1b4: {  	[tilespmem:s29], [sflag:$0xA] =	stream.linear.gather [spmem:s28], $0x2800, $0x38;
	[tilespmem:$0x18C80] =	vst v63  }
0x1b5: {  	_ =	swait.ge [sflag:s1], $0x2800  }
0x1b6: {  	[sflag:s1] =	ssyncset.done $0x0  }
0x1b7: {  	s22 =	rddreg [dreg:$0x8];
	[sflag:s1] =	ssyncadd.s32 $0xFFFFD800  }
0x1b8: {  	[hbm4b:s22+s3] =	stream.linear.scatter [tilespmem:s29], [sflag:$0x9], $0x2800, $0x38;
	[tilespmem:$0x18C80] =	vst v63  }
0x1b9: {  	_ =	swait.ge [sflag:s30], $0x2800  }
0x1ba: {  	[sflag:s30] =	ssyncset.done $0x0  }
0x1bb: {  	s23 =	rddreg [dreg:$0x14];
	[sflag:s30] =	ssyncadd.s32 $0xFFFFD800  }
0x1bc: {  	[tilespmem:s29], [sflag:$0xA] =	stream.linear.gather [spmem:s23], $0x2800, $0x38;
	[tilespmem:$0x18C80] =	vst v63  }
0x1bd: {  	_ =	swait.ge [sflag:s1], $0x2800  }
0x1be: {  	[sflag:s1] =	ssyncset.done $0x0  }
0x1bf: {  	s24 =	rddreg [dreg:$0x9];
	[sflag:s1] =	ssyncadd.s32 $0xFFFFD800  }
0x1c0: {  	[hbm4b:s24+s3] =	stream.linear.scatter [tilespmem:s29], [sflag:$0x9], $0x2800, $0x38;
	[tilespmem:$0x18C80] =	vst v63  }
0x1c1: {  	_ =	swait.ge [sflag:s30], $0x2800  }
0x1c2: {  	[sflag:s30] =	ssyncset.done $0x0  }
0x1c3: {  	s21 =	simm.s32 @!p0 $0x13C80;
	s22 =	rddreg [dreg:$0x15];
	[sflag:s30] =	ssyncadd.s32 $0xFFFFD800  }
0x1c4: {  	[tilespmem:s21], [sflag:$0xA] =	stream.linear.gather @!p0 [spmem:s22], $0x2800, $0x38;
	[tilespmem:$0x18C80] =	vst v63  }
0x1c5: {  	s22 =	simm.s32 @!p0 $0xA  }
0x1c6: {  	_ =	swait.ge @!p0 [sflag:s22], $0x2800  }
0x1c7: {  	[sflag:s22] =	ssyncset.done @!p0 $0x0  }
0x1c8: {  	s23 =	rddreg [dreg:$0xa];
	[sflag:s22] =	ssyncadd.s32 @!p0 $0xFFFFD800;
	s22 =	simm.s32 @!p0 $0x0  }
0x1c9: {  	[hbm4b:s23+s22] =	stream.linear.scatter @!p0 [tilespmem:s21], [sflag:$0x9], $0x2800, $0x38;
	[tilespmem:$0x18C80] =	vst v63  }
0x1ca: {  	s21 =	simm.s32 @!p0 $0x9  }
0x1cb: {  	_ =	swait.ge @!p0 [sflag:s21], $0x2800  }
0x1cc: {  	s20 =	sadd.s32 $0x1, s20;
	s28 =	rddreg [dreg:$0xd]  }
0x1cd: {  	p1 =	sne.s32 s20, s28  }
.Ltmp6:
0x1ce: {  	_ = 	snop;
	(pc) =	sbr.rel @p1 .LBB2_1-.Ltmp6, $3  }
0x1cf: {  	_ =	sdelay $0x1  }
0x1d0: {  	[sflag:s21] =	ssyncset.done @!p0 $0x0  }
0x1d1: {  	[sflag:s21] =	ssyncadd.s32 @!p0 $0xFFFFD800  }
0x1d2: {  	_ =	sfence.sel $0x180000  }
0x1d3: {  	[bflag:$0x0] =	sbarrier.arrive $0xFFFF  }
0x1d4: {  	_ =	strace $0x9000004A  }
0x1d5: {  	s0 =	stileid.u32;
	[bflag:$0x2] =	sbarrier.arrive $0xFFFF  }
0x1d6: {  	p0 =	sne.s32 s0, $0x0;
	s0 =	rddreg [dreg:$0x2]  }
0x1d7: {  	s0 =	sadd.s32 @!p0 $0x100000, s0  }
0x1d8: {  	[sflag:s0] =	ssyncadd.tile.s32 @!p0 $0x1;
	_ =	shalt  }
.Lfunc_end2:
_tile_overlayer_lowered:
.L_overlay_start_2:
0x1d9: {  	(tag) =	ssettag $0x2  }
0x1da: {  	s0 =	rddreg [dreg:$0x0];
	s2 =	stileid.u32  }
0x1db: {  	s1 =	rddreg [dreg:$0x1];
	p0 =	sne.s32 s2, $0x0  }
0x1dc: {  	s3 =	rddreg [dreg:$0x2];
	[bflag:$0x3] =	sbarrier.arrive $0xFFFF;
	s2 =	simm.s32 @!p0 $0x1C09  }
0x1dd: {  	[timem:s3], [sflag:s2] =	dma.local @!p0 [hbm:s0], s1  }
0x1de: {  	s0 =	simm.s32 @!p0 $0x9  }
0x1df: {  	_ =	swait.ge @!p0 [sflag:s0], s1  }
0x1e0: {  	s1 =	ssub.s32 @!p0 $0x0, s1;
	[sflag:s0] =	ssyncset.done @!p0 $0x0  }
0x1e1: {  	[sflag:s0] =	ssyncadd.s32 @!p0 s1  }
0x1e2: {  	[bflag:$0x3] =	sbarrier.arrive $0xFFFF  }
0x1e3: {  	_ =	shalt  }

</sc_bundles>
